<compile_context>
chip_gen: v7x
topology: tpu7x:2x2x1
jax: 0.10.2.dev20260603
libtpu: 0.0.44.dev20260713+nightly
codegen_flags: <defaults>
</compile_context>

<pallas_src>
import functools

import jax
import jax.numpy as jnp
from jax import lax
from jax.experimental import pallas as pl
from jax.experimental.pallas import tpu as pltpu
from jax.experimental.pallas import tpu_sc as plsc

VOCAB = 1000
VSLABS = VOCAB // 8
VHALF = 63
CPAD = 1000
N = 51200
NW = 32
WCOL = 25 * 128
PERW = N // NW
LANES = 16
SG = 64


def _lse_body(t_ref, o_ref):
    x = t_ref[...]
    m = jnp.max(x, axis=1, keepdims=True)
    s = jnp.sum(jnp.exp(x - m), axis=1, keepdims=True)
    o_ref[...] = m + jnp.log(s)


def _fin_body(p_ref, o_ref):
    o_ref[...] = jnp.reshape(jnp.sum(p_ref[...]) * (1.0 / N), (1, 1))


def _sc_gather(idx_hbm, tgt_hbm, ttf_hbm, lse_hbm,
               out_hbm, psum_hbm,
               idx_v, lidx_v, ltgt_v, fidx_v, tv_v, lsev_v,
               slab0, slab1, st0, st1, acc_v,
               ssem, lsem0, lsem1, osem0a, osem0b, osem1a, osem1b):
    wid = lax.axis_index("s") * 2 + lax.axis_index("c")
    pair = lax.div(wid, 2)
    half = lax.rem(wid, 2)
    i0 = pair * WCOL
    vt0 = half * VHALF
    nvt = jnp.where(half == 0, VHALF, VSLABS - VHALF)

    pltpu.sync_copy(idx_hbm.at[pl.ds(i0, WCOL)], idx_v)

    li0 = wid * PERW
    pltpu.sync_copy(idx_hbm.at[pl.ds(li0, PERW)], lidx_v)
    pltpu.sync_copy(tgt_hbm.at[pl.ds(li0, PERW)], ltgt_v)

    def flat_ids(g, _):
        sl = pl.ds(g * LANES, LANES)
        fidx_v[sl] = ltgt_v[sl] * VOCAB + lidx_v[sl]
        return 0
    lax.fori_loop(0, PERW // LANES, flat_ids, 0)

    def elem_gather_start(k, _):
        sl = pl.ds(k * SG, SG)
        pltpu.make_async_copy(ttf_hbm.at[fidx_v.at[sl]],
                              tv_v.at[sl], ssem).start()
        pltpu.make_async_copy(lse_hbm.at[lidx_v.at[sl]],
                              lsev_v.at[sl], ssem).start()
        return 0
    lax.fori_loop(0, PERW // SG, elem_gather_start, 0)

    def loss_tail():
        def elem_gather_wait(k, _):
            sl = pl.ds(k * SG, SG)
            pltpu.make_async_copy(ttf_hbm.at[fidx_v.at[sl]],
                                  tv_v.at[sl], ssem).wait()
            pltpu.make_async_copy(lse_hbm.at[lidx_v.at[sl]],
                                  lsev_v.at[sl], ssem).wait()
            return 0
        lax.fori_loop(0, PERW // SG, elem_gather_wait, 0)

        def loss_acc(g, acc):
            sl = pl.ds(g * LANES, LANES)
            return acc + (lsev_v[sl] - tv_v[sl])
        acc = lax.fori_loop(0, PERW // LANES, loss_acc,
                            jnp.zeros((LANES,), jnp.float32))
        acc_v[...] = acc
        pltpu.sync_copy(acc_v, psum_hbm.at[pl.ds(wid * LANES, LANES)])

    def slab_start(vt, slab, lsem):
        pltpu.make_async_copy(
            ttf_hbm.at[pl.ds(vt * (8 * CPAD), 8 * CPAD)], slab, lsem).start()

    def slab_wait(vt, slab, lsem):
        pltpu.make_async_copy(
            ttf_hbm.at[pl.ds(vt * (8 * CPAD), 8 * CPAD)], slab, lsem).wait()

    HA = 1536
    HB = WCOL - HA

    def half_start(vt, st, osem, off, hw):
        pltpu.make_async_copy(
            st.at[pl.ds(0, 8), pl.ds(off, hw)],
            out_hbm.at[pl.ds(vt * 8, 8), pl.ds(i0 + off, hw)], osem).start()

    def half_wait(st, osem, off, hw):
        pltpu.make_async_copy(
            st.at[pl.ds(0, 8), pl.ds(off, hw)],
            out_hbm.at[pl.ds(0, 8), pl.ds(i0 + off, hw)], osem).wait()

    def fill(slab_a, st, g_lo, g_hi):
        @plsc.parallel_loop(g_lo, g_hi, unroll=8)
        def _(g):
            idxg = idx_v[pl.ds(g * LANES, LANES)]
            for j in range(8):
                v = plsc.load_gather(slab_a, [idxg + (j * CPAD)])
                st[j, pl.ds(g * LANES, LANES)] = v

    def inner(vt, k, slab_a, lsem_a, slab_b, lsem_b, st, osem_a, osem_b):
        slab_wait(vt, slab_a, lsem_a)

        @pl.when(k + 1 < nvt)
        def _():
            slab_start(vt + 1, slab_b, lsem_b)

        @pl.when(k >= 2)
        def _():
            half_wait(st, osem_a, 0, HA)
        fill(slab_a, st, 0, HA // LANES)
        half_start(vt, st, osem_a, 0, HA)

        @pl.when(k >= 2)
        def _():
            half_wait(st, osem_b, HA, HB)
        fill(slab_a, st, HA // LANES, WCOL // LANES)
        half_start(vt, st, osem_b, HA, HB)

    slab_start(vt0, slab0, lsem0)

    def vt_body(k, _):
        vt = vt0 + k
        @pl.when(lax.rem(k, 2) == 0)
        def _():
            inner(vt, k, slab0, lsem0, slab1, lsem1, st0, osem0a, osem0b)
        @pl.when(lax.rem(k, 2) == 1)
        def _():
            inner(vt, k, slab1, lsem1, slab0, lsem0, st1, osem1a, osem1b)
        return 0

    lax.fori_loop(0, nvt, vt_body, 0)
    loss_tail()
    half_wait(st0, osem0a, 0, HA)
    half_wait(st0, osem0b, HA, HB)
    half_wait(st1, osem1a, 0, HA)
    half_wait(st1, osem1b, HA, HB)


def kernel(idx, targets, table):
    idx_flat = idx.reshape(-1).astype(jnp.int32)
    tgt_flat = targets.reshape(-1).astype(jnp.int32)
    ttf = table.T.reshape(-1)

    lse = pl.pallas_call(
        _lse_body,
        out_shape=jax.ShapeDtypeStruct((VOCAB, 1), jnp.float32),
    )(table)
    lse = lse.reshape(VOCAB)

    sc = functools.partial(
        pl.kernel,
        mesh=plsc.VectorSubcoreMesh(core_axis_name="c", subcore_axis_name="s"),
        out_type=[
            jax.ShapeDtypeStruct((VOCAB, N), jnp.float32),
            jax.ShapeDtypeStruct((NW * LANES,), jnp.float32),
        ],
        scratch_types=[
            pltpu.VMEM((WCOL,), jnp.int32),
            pltpu.VMEM((PERW,), jnp.int32),
            pltpu.VMEM((PERW,), jnp.int32),
            pltpu.VMEM((PERW,), jnp.int32),
            pltpu.VMEM((PERW,), jnp.float32),
            pltpu.VMEM((PERW,), jnp.float32),
            pltpu.VMEM((8 * CPAD,), jnp.float32),
            pltpu.VMEM((8 * CPAD,), jnp.float32),
            pltpu.VMEM((8, WCOL), jnp.float32),
            pltpu.VMEM((8, WCOL), jnp.float32),
            pltpu.VMEM((LANES,), jnp.float32),
            pltpu.SemaphoreType.DMA,
            pltpu.SemaphoreType.DMA,
            pltpu.SemaphoreType.DMA,
            pltpu.SemaphoreType.DMA,
            pltpu.SemaphoreType.DMA,
            pltpu.SemaphoreType.DMA,
            pltpu.SemaphoreType.DMA,
        ],
        compiler_params=pltpu.CompilerParams(
            use_tc_tiling_on_sc=True, needs_layout_passes=False,
            disable_bounds_checks=True),
    )(_sc_gather)
    outT, psums = sc(idx_flat, tgt_flat, ttf, lse)
    logits2 = outT.T

    fin = pl.pallas_call(
        _fin_body,
        out_shape=jax.ShapeDtypeStruct((1, 1), jnp.float32),
    )(psums)
    loss = fin[0, 0]
    return (logits2, loss)

# --- scband reference (transcript-rebuilt; emitter-appended) ---
"""Pipeline reference for scband-bigram-language-model-7670811590791 (READ-ONLY COPY).

The authoritative reference and input builder live on the scoring server;
editing this copy changes nothing except your own understanding.
"""

import jax, jax.numpy as jnp
import numpy as np

VOCAB = 1000
B, T = 1024, 50


def setup_inputs(seed: int = 0) -> dict:
    key = jax.random.key(seed)
    k1, k2, k3 = jax.random.split(key, 3)
    idx = jax.random.randint(k1, (B, T), 0, VOCAB, dtype=jnp.int64 if jax.config.read('jax_enable_x64') else jnp.int32)
    targets = jax.random.randint(k2, (B, T), 0, VOCAB, dtype=jnp.int64 if jax.config.read('jax_enable_x64') else jnp.int32)
    # Embedding table: hk.Embed(vocab_size, vocab_size) -> [VOCAB, VOCAB]
    table = jax.random.normal(k3, (VOCAB, VOCAB), dtype=jnp.float32) * 0.02
    return {"idx": idx, "targets": targets, "table": table}


def reference(idx, targets, table):
    # logits = token_embedding_table(idx)  -> gather rows
    logits = jnp.take(table, idx, axis=0)  # [B, T, C]
    Bv, Tv, C = logits.shape
    logits2 = jnp.reshape(logits, (Bv * Tv, C))
    tgt = jnp.reshape(targets, (Bv * Tv,))
    # optax.softmax_cross_entropy(logits, one_hot(targets)) == -sum(onehot * log_softmax)
    logp = jax.nn.log_softmax(logits2, axis=-1)
    onehot = jax.nn.one_hot(tgt, C, dtype=logits2.dtype)
    per_ex = -jnp.sum(onehot * logp, axis=-1)
    loss = jnp.mean(per_ex)
    return (logits2, loss)

if __name__ == "__main__":
    import jax
    _d = setup_inputs()
    print(jax.jit(kernel)(*tuple(_d.values())))

</pallas_src>

<mosaic_0001>
#map = affine_map<(d0, d1) -> (0)>
#map1 = affine_map<(d0, d1) -> (0, 0)>
module attributes {stable_mosaic.version = 14 : i64} {
  func.func @_sc_gather(%arg0: i32, %arg1: i32, %arg2: memref<51200xi32, #tpu.memory_space<hbm>>, %arg3: memref<51200xi32, #tpu.memory_space<hbm>>, %arg4: memref<1000000xf32, #tpu.memory_space<hbm>>, %arg5: memref<1000xf32, #tpu.memory_space<hbm>>, %arg6: memref<1000x51200xf32, #tpu.memory_space<hbm>>, %arg7: memref<512xf32, #tpu.memory_space<hbm>>, %arg8: memref<3200xi32, #tpu.memory_space<vmem>>, %arg9: memref<1600xi32, #tpu.memory_space<vmem>>, %arg10: memref<1600xi32, #tpu.memory_space<vmem>>, %arg11: memref<1600xi32, #tpu.memory_space<vmem>>, %arg12: memref<1600xf32, #tpu.memory_space<vmem>>, %arg13: memref<1600xf32, #tpu.memory_space<vmem>>, %arg14: memref<8000xf32, #tpu.memory_space<vmem>>, %arg15: memref<8000xf32, #tpu.memory_space<vmem>>, %arg16: memref<8x3200xf32, #tpu.memory_space<vmem>>, %arg17: memref<8x3200xf32, #tpu.memory_space<vmem>>, %arg18: memref<16xf32, #tpu.memory_space<vmem>>, %arg19: memref<!tpu.dma_semaphore, #tpu.memory_space<semaphore_mem>>, %arg20: memref<!tpu.dma_semaphore, #tpu.memory_space<semaphore_mem>>, %arg21: memref<!tpu.dma_semaphore, #tpu.memory_space<semaphore_mem>>, %arg22: memref<!tpu.dma_semaphore, #tpu.memory_space<semaphore_mem>>, %arg23: memref<!tpu.dma_semaphore, #tpu.memory_space<semaphore_mem>>, %arg24: memref<!tpu.dma_semaphore, #tpu.memory_space<semaphore_mem>>, %arg25: memref<!tpu.dma_semaphore, #tpu.memory_space<semaphore_mem>>) attributes {dimension_semantics = [#tpu.dimension_semantics<core_parallel>, #tpu.dimension_semantics<subcore_parallel>], iteration_bounds = array<i64: 2, 16>, scalar_prefetch = 0 : i64, scratch_operands = 18 : i64, tpu.core_type = #tpu.core_type<sc_vector_subcore>, window_params = [{transform_indices = #map}, {transform_indices = #map}, {transform_indices = #map}, {transform_indices = #map}, {transform_indices = #map1}, {transform_indices = #map}]} {
    %mul3A = arith.constant 2 : i32
    %mul3A_0 = arith.muli %arg1, %mul3A : i32
    %add3A = arith.addi %mul3A_0, %arg0 : i32
    %div3A = arith.constant 2 : i32
    %div3A_1 = arith.divsi %add3A, %div3A : i32
    %rem3A = arith.constant 2 : i32
    %rem3A_2 = arith.remsi %add3A, %rem3A : i32
    %mul3A_3 = arith.constant 3200 : i32
    %mul3A_4 = arith.muli %div3A_1, %mul3A_3 : i32
    %mul3A_5 = arith.constant 63 : i32
    %mul3A_6 = arith.muli %rem3A_2, %mul3A_5 : i32
    %eq3A = arith.constant 0 : i32
    %eq3A_7 = arith.cmpi eq, %rem3A_2, %eq3A : i32
    %jit3A = arith.constant 63 : i32
    %jit3A_8 = arith.constant 62 : i32
    %select_n3A = arith.select %eq3A_7, %jit3A, %jit3A_8 : i32
    "tpu.region"() ({
      %run_scoped3A = tpu.sem_alloc : memref<!tpu.dma_semaphore, #tpu.memory_space<semaphore_mem>>
      %dma_start3A_102 = tpu.memref_slice %arg2[%mul3A_4] : memref<51200xi32, #tpu.memory_space<hbm>> -> memref<3200xi32, #tpu.memory_space<hbm>>
      %dma_start3A_103 = tpu.memref_slice %arg2[%mul3A_4] : memref<51200xi32, #tpu.memory_space<hbm>> -> memref<3200xi32, #tpu.memory_space<hbm>>
      tpu.enqueue_dma source(%dma_start3A_103 : memref<3200xi32, #tpu.memory_space<hbm>>) target(%arg8 : memref<3200xi32, #tpu.memory_space<vmem>>) target_semaphore(%run_scoped3A : memref<!tpu.dma_semaphore, #tpu.memory_space<semaphore_mem>>)
      %dma_wait3A_104 = tpu.memref_slice %arg2[%mul3A_4] : memref<51200xi32, #tpu.memory_space<hbm>> -> memref<3200xi32, #tpu.memory_space<hbm>>
      %dma_wait3A_105 = tpu.memref_slice %arg2[%mul3A_4] : memref<51200xi32, #tpu.memory_space<hbm>> -> memref<3200xi32, #tpu.memory_space<hbm>>
      tpu.wait_dma2 semaphore(%run_scoped3A : memref<!tpu.dma_semaphore, #tpu.memory_space<semaphore_mem>>) src(%dma_wait3A_105 : memref<3200xi32, #tpu.memory_space<hbm>>) dst(%arg8 : memref<3200xi32, #tpu.memory_space<vmem>>)
      tpu.yield
    }) : () -> ()
    %mul3A_9 = arith.constant 1600 : i32
    %mul3A_10 = arith.muli %add3A, %mul3A_9 : i32
    "tpu.region"() ({
      %run_scoped3A = tpu.sem_alloc : memref<!tpu.dma_semaphore, #tpu.memory_space<semaphore_mem>>
      %dma_start3A_102 = tpu.memref_slice %arg2[%mul3A_10] : memref<51200xi32, #tpu.memory_space<hbm>> -> memref<1600xi32, #tpu.memory_space<hbm>>
      %dma_start3A_103 = tpu.memref_slice %arg2[%mul3A_10] : memref<51200xi32, #tpu.memory_space<hbm>> -> memref<1600xi32, #tpu.memory_space<hbm>>
      tpu.enqueue_dma source(%dma_start3A_103 : memref<1600xi32, #tpu.memory_space<hbm>>) target(%arg9 : memref<1600xi32, #tpu.memory_space<vmem>>) target_semaphore(%run_scoped3A : memref<!tpu.dma_semaphore, #tpu.memory_space<semaphore_mem>>)
      %dma_wait3A_104 = tpu.memref_slice %arg2[%mul3A_10] : memref<51200xi32, #tpu.memory_space<hbm>> -> memref<1600xi32, #tpu.memory_space<hbm>>
      %dma_wait3A_105 = tpu.memref_slice %arg2[%mul3A_10] : memref<51200xi32, #tpu.memory_space<hbm>> -> memref<1600xi32, #tpu.memory_space<hbm>>
      tpu.wait_dma2 semaphore(%run_scoped3A : memref<!tpu.dma_semaphore, #tpu.memory_space<semaphore_mem>>) src(%dma_wait3A_105 : memref<1600xi32, #tpu.memory_space<hbm>>) dst(%arg9 : memref<1600xi32, #tpu.memory_space<vmem>>)
      tpu.yield
    }) : () -> ()
    "tpu.region"() ({
      %run_scoped3A = tpu.sem_alloc : memref<!tpu.dma_semaphore, #tpu.memory_space<semaphore_mem>>
      %dma_start3A_102 = tpu.memref_slice %arg3[%mul3A_10] : memref<51200xi32, #tpu.memory_space<hbm>> -> memref<1600xi32, #tpu.memory_space<hbm>>
      %dma_start3A_103 = tpu.memref_slice %arg3[%mul3A_10] : memref<51200xi32, #tpu.memory_space<hbm>> -> memref<1600xi32, #tpu.memory_space<hbm>>
      tpu.enqueue_dma source(%dma_start3A_103 : memref<1600xi32, #tpu.memory_space<hbm>>) target(%arg10 : memref<1600xi32, #tpu.memory_space<vmem>>) target_semaphore(%run_scoped3A : memref<!tpu.dma_semaphore, #tpu.memory_space<semaphore_mem>>)
      %dma_wait3A_104 = tpu.memref_slice %arg3[%mul3A_10] : memref<51200xi32, #tpu.memory_space<hbm>> -> memref<1600xi32, #tpu.memory_space<hbm>>
      %dma_wait3A_105 = tpu.memref_slice %arg3[%mul3A_10] : memref<51200xi32, #tpu.memory_space<hbm>> -> memref<1600xi32, #tpu.memory_space<hbm>>
      tpu.wait_dma2 semaphore(%run_scoped3A : memref<!tpu.dma_semaphore, #tpu.memory_space<semaphore_mem>>) src(%dma_wait3A_105 : memref<1600xi32, #tpu.memory_space<hbm>>) dst(%arg10 : memref<1600xi32, #tpu.memory_space<vmem>>)
      tpu.yield
    }) : () -> ()
    %scan3A = arith.constant 0 : i32
    %scan3A_11 = arith.constant 0 : i32
    %scan3A_12 = arith.constant 100 : i32
    %scan3A_13 = arith.addi %scan3A_11, %scan3A_12 : i32
    %scan3A_14 = arith.constant 1 : i32
    %scan3A_15 = scf.for %scan3A_102 = %scan3A_11 to %scan3A_13 step %scan3A_14 iter_args(%scan3A_103 = %scan3A) -> (i32)  : i32 {
      %mul3A_104 = arith.constant 16 : i32
      %mul3A_105 = arith.muli %scan3A_102, %mul3A_104 : i32
      %get3A = arith.index_cast %mul3A_105 : i32 to index
      %get3A_106 = tpu.vector_load %arg10[%get3A] {strides = array<i32>} : memref<1600xi32, #tpu.memory_space<vmem>>, vector<16xi32>,
      %mul3A_107 = arith.constant 1000 : i32
      %mul3A_108 = vector.broadcast %mul3A_107 : i32 to vector<16xi32>
      %mul3A_109 = arith.muli %get3A_106, %mul3A_108 : vector<16xi32>
      %get3A_110 = arith.index_cast %mul3A_105 : i32 to index
      %get3A_111 = tpu.vector_load %arg9[%get3A_110] {strides = array<i32>} : memref<1600xi32, #tpu.memory_space<vmem>>, vector<16xi32>,
      %add3A_112 = arith.addi %mul3A_109, %get3A_111 : vector<16xi32>
      %swap3A_113 = arith.index_cast %mul3A_105 : i32 to index
      %swap3A_114 = tpu.vector_load %arg11[%swap3A_113] {strides = array<i32>} : memref<1600xi32, #tpu.memory_space<vmem>>, vector<16xi32>,
      tpu.vector_store %arg11[%swap3A_113], %add3A_112 {strides = array<i32>} : memref<1600xi32, #tpu.memory_space<vmem>>, vector<16xi32>,
      %scan3A_115 = arith.constant 0 : i32
      scf.yield %scan3A_115 : i32
    }
    %scan3A_16 = arith.constant 100 : i32
    %scan3A_17 = arith.constant 0 : i32
    %scan3A_18 = arith.constant 0 : i32
    %scan3A_19 = arith.constant 25 : i32
    %scan3A_20 = arith.addi %scan3A_18, %scan3A_19 : i32
    %scan3A_21 = arith.constant 1 : i32
    %scan3A_22 = scf.for %scan3A_102 = %scan3A_18 to %scan3A_20 step %scan3A_21 iter_args(%scan3A_103 = %scan3A_17) -> (i32)  : i32 {
      %mul3A_104 = arith.constant 64 : i32
      %mul3A_105 = arith.muli %scan3A_102, %mul3A_104 : i32
      %dma_start3A_106 = tpu.memref_slice %arg12[%mul3A_105] : memref<1600xf32, #tpu.memory_space<vmem>> -> memref<64xf32, #tpu.memory_space<vmem>>
      %dma_start3A_107 = tpu.memref_slice %arg11[%mul3A_105] : memref<1600xi32, #tpu.memory_space<vmem>> -> memref<64xi32, #tpu.memory_space<vmem>>
      %dma_start3A_108 = arith.constant 0 : i32
      %dma_start3A_109 = tpu.memref_slice %arg4[%dma_start3A_108] : memref<1000000xf32, #tpu.memory_space<hbm>> -> memref<1000000xf32, #tpu.memory_space<hbm>>
      tpu.enqueue_indirect_dma source(%dma_start3A_109 : memref<1000000xf32, #tpu.memory_space<hbm>>) target(%dma_start3A_106 : memref<64xf32, #tpu.memory_space<vmem>>) offsets(%dma_start3A_107 : memref<64xi32, #tpu.memory_space<vmem>>) semaphore(%arg19 : memref<!tpu.dma_semaphore, #tpu.memory_space<semaphore_mem>>)
      %dma_start3A_110 = tpu.memref_slice %arg13[%mul3A_105] : memref<1600xf32, #tpu.memory_space<vmem>> -> memref<64xf32, #tpu.memory_space<vmem>>
      %dma_start3A_111 = tpu.memref_slice %arg9[%mul3A_105] : memref<1600xi32, #tpu.memory_space<vmem>> -> memref<64xi32, #tpu.memory_space<vmem>>
      %dma_start3A_112 = arith.constant 0 : i32
      %dma_start3A_113 = tpu.memref_slice %arg5[%dma_start3A_112] : memref<1000xf32, #tpu.memory_space<hbm>> -> memref<1000xf32, #tpu.memory_space<hbm>>
      tpu.enqueue_indirect_dma source(%dma_start3A_113 : memref<1000xf32, #tpu.memory_space<hbm>>) target(%dma_start3A_110 : memref<64xf32, #tpu.memory_space<vmem>>) offsets(%dma_start3A_111 : memref<64xi32, #tpu.memory_space<vmem>>) semaphore(%arg19 : memref<!tpu.dma_semaphore, #tpu.memory_space<semaphore_mem>>)
      %scan3A_114 = arith.constant 0 : i32
      scf.yield %scan3A_114 : i32
    }
    %scan3A_23 = arith.constant 25 : i32
    %mul3A_24 = arith.constant 8000 : i32
    %mul3A_25 = arith.muli %mul3A_6, %mul3A_24 : i32
    %dma_start3A = tpu.memref_slice %arg4[%mul3A_25] : memref<1000000xf32, #tpu.memory_space<hbm>> -> memref<8000xf32, #tpu.memory_space<hbm>>
    %dma_start3A_26 = tpu.memref_slice %arg4[%mul3A_25] : memref<1000000xf32, #tpu.memory_space<hbm>> -> memref<8000xf32, #tpu.memory_space<hbm>>
    tpu.enqueue_dma source(%dma_start3A_26 : memref<8000xf32, #tpu.memory_space<hbm>>) target(%arg14 : memref<8000xf32, #tpu.memory_space<vmem>>) target_semaphore(%arg20 : memref<!tpu.dma_semaphore, #tpu.memory_space<semaphore_mem>>)
    %while3A = arith.constant 0 : i32
    %while3A_27 = arith.constant 0 : i32
    %while3A_28 = arith.subi %select_n3A, %while3A : i32
    %while3A_29 = arith.addi %while3A, %while3A_28 : i32
    %while3A_30 = arith.constant 1 : i32
    %while3A_31 = arith.divsi %while3A_28, %while3A_30 : i32
    %while3A_32 = arith.muli %while3A_31, %while3A_30 : i32
    %while3A_33 = arith.addi %while3A, %while3A_32 : i32
    %while3A_34 = arith.constant 1 : i32
    %while3A_35 = scf.for %while3A_102 = %while3A to %while3A_33 step %while3A_34 iter_args(%while3A_103 = %while3A_27) -> (i32)  : i32 {
      %add3A_104 = arith.addi %mul3A_6, %while3A_102 : i32
      %rem3A_105 = arith.constant 2 : i32
      %rem3A_106 = arith.remsi %while3A_102, %rem3A_105 : i32
      %eq3A_107 = arith.constant 0 : i32
      %eq3A_108 = arith.cmpi eq, %rem3A_106, %eq3A_107 : i32
      %convert_element_type3A = arith.extui %eq3A_108 : i1 to i32
      %cond3A = arith.constant 0 : i32
      %cond3A_109 = arith.cmpi ne, %convert_element_type3A, %cond3A : i32
      scf.if %cond3A_109 {
        %mul3A_118 = arith.constant 8000 : i32
        %mul3A_119 = arith.muli %add3A_104, %mul3A_118 : i32
        %dma_wait3A_120 = tpu.memref_slice %arg4[%mul3A_119] : memref<1000000xf32, #tpu.memory_space<hbm>> -> memref<8000xf32, #tpu.memory_space<hbm>>
        %dma_wait3A_121 = tpu.memref_slice %arg4[%mul3A_119] : memref<1000000xf32, #tpu.memory_space<hbm>> -> memref<8000xf32, #tpu.memory_space<hbm>>
        tpu.wait_dma2 semaphore(%arg20 : memref<!tpu.dma_semaphore, #tpu.memory_space<semaphore_mem>>) src(%dma_wait3A_121 : memref<8000xf32, #tpu.memory_space<hbm>>) dst(%arg14 : memref<8000xf32, #tpu.memory_space<vmem>>)
        %add3A_122 = arith.constant 1 : i32
        %add3A_123 = arith.addi %while3A_102, %add3A_122 : i32
        %lt3A = arith.cmpi slt, %add3A_123, %select_n3A : i32
        %convert_element_type3A_124 = arith.extui %lt3A : i1 to i32
        %cond3A_125 = arith.constant 0 : i32
        %cond3A_126 = arith.cmpi ne, %convert_element_type3A_124, %cond3A_125 : i32
        scf.if %cond3A_126 {
          %add3A_165 = arith.constant 1 : i32
          %add3A_166 = arith.addi %add3A_104, %add3A_165 : i32
          %mul3A_167 = arith.constant 8000 : i32
          %mul3A_168 = arith.muli %add3A_166, %mul3A_167 : i32
          %dma_start3A_169 = tpu.memref_slice %arg4[%mul3A_168] : memref<1000000xf32, #tpu.memory_space<hbm>> -> memref<8000xf32, #tpu.memory_space<hbm>>
          %dma_start3A_170 = tpu.memref_slice %arg4[%mul3A_168] : memref<1000000xf32, #tpu.memory_space<hbm>> -> memref<8000xf32, #tpu.memory_space<hbm>>
          tpu.enqueue_dma source(%dma_start3A_170 : memref<8000xf32, #tpu.memory_space<hbm>>) target(%arg15 : memref<8000xf32, #tpu.memory_space<vmem>>) target_semaphore(%arg21 : memref<!tpu.dma_semaphore, #tpu.memory_space<semaphore_mem>>)
        } else {
        }
        %ge3A = arith.constant 2 : i32
        %ge3A_127 = arith.cmpi sge, %while3A_102, %ge3A : i32
        %convert_element_type3A_128 = arith.extui %ge3A_127 : i1 to i32
        %cond3A_129 = arith.constant 0 : i32
        %cond3A_130 = arith.cmpi ne, %convert_element_type3A_128, %cond3A_129 : i32
        scf.if %cond3A_130 {
          %add3A_165 = arith.constant 0 : i32
          %add3A_166 = arith.addi %mul3A_4, %add3A_165 : i32
          %dma_wait3A_167 = arith.constant 0 : i32
          %dma_wait3A_168 = arith.constant 0 : i32
          %dma_wait3A_169 = tpu.memref_slice %arg16[%dma_wait3A_167, %dma_wait3A_168] : memref<8x3200xf32, #tpu.memory_space<vmem>> -> memref<8x1536xf32, #tpu.memory_space<vmem>>
          %dma_wait3A_170 = arith.constant 0 : i32
          %dma_wait3A_171 = tpu.memref_slice %arg6[%dma_wait3A_170, %add3A_166] : memref<1000x51200xf32, #tpu.memory_space<hbm>> -> memref<8x1536xf32, #tpu.memory_space<hbm>>
          %dma_wait3A_172 = arith.constant 0 : i32
          %dma_wait3A_173 = tpu.memref_slice %arg6[%dma_wait3A_172, %add3A_166] : memref<1000x51200xf32, #tpu.memory_space<hbm>> -> memref<8x1536xf32, #tpu.memory_space<hbm>>
          %dma_wait3A_174 = arith.constant 0 : i32
          %dma_wait3A_175 = arith.constant 0 : i32
          %dma_wait3A_176 = tpu.memref_slice %arg16[%dma_wait3A_174, %dma_wait3A_175] : memref<8x3200xf32, #tpu.memory_space<vmem>> -> memref<8x1536xf32, #tpu.memory_space<vmem>>
          tpu.wait_dma2 semaphore(%arg22 : memref<!tpu.dma_semaphore, #tpu.memory_space<semaphore_mem>>) src(%dma_wait3A_176 : memref<8x1536xf32, #tpu.memory_space<vmem>>) dst(%dma_wait3A_173 : memref<8x1536xf32, #tpu.memory_space<hbm>>)
        } else {
        }
        %parallel_loop3A = arith.constant 0 : i32
        %parallel_loop3A_131 = arith.constant 96 : i32
        %parallel_loop3A_132 = arith.constant 1 : i32
        scf.for %parallel_loop3A_165 = %parallel_loop3A to %parallel_loop3A_131 step %parallel_loop3A_132  : i32 {
          %parallel_loop3A_166 = arith.constant 16 : i32
          %parallel_loop3A_167 = arith.muli %parallel_loop3A_165, %parallel_loop3A_166 : i32
          %parallel_loop3A_168 = arith.index_cast %parallel_loop3A_167 : i32 to index
          %parallel_loop3A_169 = tpu.vector_load %arg8[%parallel_loop3A_168] {strides = array<i32>} : memref<3200xi32, #tpu.memory_space<vmem>>, vector<16xi32>,
          %parallel_loop3A_170 = arith.constant 0 : i32
          %parallel_loop3A_171 = vector.broadcast %parallel_loop3A_170 : i32 to vector<16xi32>
          %parallel_loop3A_172 = arith.addi %parallel_loop3A_169, %parallel_loop3A_171 : vector<16xi32>
          %parallel_loop3A_173 = tpu.vector_load_idx %arg14[%parallel_loop3A_172] : memref<8000xf32, #tpu.memory_space<vmem>>[vector<16xi32>], vector<16xf32>,
          %parallel_loop3A_174 = arith.constant 16 : i32
          %parallel_loop3A_175 = arith.muli %parallel_loop3A_165, %parallel_loop3A_174 : i32
          %parallel_loop3A_176 = arith.constant 0 : i32
          %parallel_loop3A_177 = arith.index_cast %parallel_loop3A_176 : i32 to index
          %parallel_loop3A_178 = arith.index_cast %parallel_loop3A_175 : i32 to index
          %parallel_loop3A_179 = tpu.vector_load %arg16[%parallel_loop3A_177, %parallel_loop3A_178] {strides = array<i32>} : memref<8x3200xf32, #tpu.memory_space<vmem>>, vector<16xf32>,
          tpu.vector_store %arg16[%parallel_loop3A_177, %parallel_loop3A_178], %parallel_loop3A_173 {strides = array<i32>} : memref<8x3200xf32, #tpu.memory_space<vmem>>, vector<16xf32>,
          %parallel_loop3A_180 = arith.constant 1000 : i32
          %parallel_loop3A_181 = vector.broadcast %parallel_loop3A_180 : i32 to vector<16xi32>
          %parallel_loop3A_182 = arith.addi %parallel_loop3A_169, %parallel_loop3A_181 : vector<16xi32>
          %parallel_loop3A_183 = tpu.vector_load_idx %arg14[%parallel_loop3A_182] : memref<8000xf32, #tpu.memory_space<vmem>>[vector<16xi32>], vector<16xf32>,
          %parallel_loop3A_184 = arith.constant 16 : i32
          %parallel_loop3A_185 = arith.muli %parallel_loop3A_165, %parallel_loop3A_184 : i32
          %parallel_loop3A_186 = arith.constant 1 : i32
          %parallel_loop3A_187 = arith.index_cast %parallel_loop3A_186 : i32 to index
          %parallel_loop3A_188 = arith.index_cast %parallel_loop3A_185 : i32 to index
          %parallel_loop3A_189 = tpu.vector_load %arg16[%parallel_loop3A_187, %parallel_loop3A_188] {strides = array<i32>} : memref<8x3200xf32, #tpu.memory_space<vmem>>, vector<16xf32>,
          tpu.vector_store %arg16[%parallel_loop3A_187, %parallel_loop3A_188], %parallel_loop3A_183 {strides = array<i32>} : memref<8x3200xf32, #tpu.memory_space<vmem>>, vector<16xf32>,
          %parallel_loop3A_190 = arith.constant 2000 : i32
          %parallel_loop3A_191 = vector.broadcast %parallel_loop3A_190 : i32 to vector<16xi32>
          %parallel_loop3A_192 = arith.addi %parallel_loop3A_169, %parallel_loop3A_191 : vector<16xi32>
          %parallel_loop3A_193 = tpu.vector_load_idx %arg14[%parallel_loop3A_192] : memref<8000xf32, #tpu.memory_space<vmem>>[vector<16xi32>], vector<16xf32>,
          %parallel_loop3A_194 = arith.constant 16 : i32
          %parallel_loop3A_195 = arith.muli %parallel_loop3A_165, %parallel_loop3A_194 : i32
          %parallel_loop3A_196 = arith.constant 2 : i32
          %parallel_loop3A_197 = arith.index_cast %parallel_loop3A_196 : i32 to index
          %parallel_loop3A_198 = arith.index_cast %parallel_loop3A_195 : i32 to index
          %parallel_loop3A_199 = tpu.vector_load %arg16[%parallel_loop3A_197, %parallel_loop3A_198] {strides = array<i32>} : memref<8x3200xf32, #tpu.memory_space<vmem>>, vector<16xf32>,
          tpu.vector_store %arg16[%parallel_loop3A_197, %parallel_loop3A_198], %parallel_loop3A_193 {strides = array<i32>} : memref<8x3200xf32, #tpu.memory_space<vmem>>, vector<16xf32>,
          %parallel_loop3A_200 = arith.constant 3000 : i32
          %parallel_loop3A_201 = vector.broadcast %parallel_loop3A_200 : i32 to vector<16xi32>
          %parallel_loop3A_202 = arith.addi %parallel_loop3A_169, %parallel_loop3A_201 : vector<16xi32>
          %parallel_loop3A_203 = tpu.vector_load_idx %arg14[%parallel_loop3A_202] : memref<8000xf32, #tpu.memory_space<vmem>>[vector<16xi32>], vector<16xf32>,
          %parallel_loop3A_204 = arith.constant 16 : i32
          %parallel_loop3A_205 = arith.muli %parallel_loop3A_165, %parallel_loop3A_204 : i32
          %parallel_loop3A_206 = arith.constant 3 : i32
          %parallel_loop3A_207 = arith.index_cast %parallel_loop3A_206 : i32 to index
          %parallel_loop3A_208 = arith.index_cast %parallel_loop3A_205 : i32 to index
          %parallel_loop3A_209 = tpu.vector_load %arg16[%parallel_loop3A_207, %parallel_loop3A_208] {strides = array<i32>} : memref<8x3200xf32, #tpu.memory_space<vmem>>, vector<16xf32>,
          tpu.vector_store %arg16[%parallel_loop3A_207, %parallel_loop3A_208], %parallel_loop3A_203 {strides = array<i32>} : memref<8x3200xf32, #tpu.memory_space<vmem>>, vector<16xf32>,
          %parallel_loop3A_210 = arith.constant 4000 : i32
          %parallel_loop3A_211 = vector.broadcast %parallel_loop3A_210 : i32 to vector<16xi32>
          %parallel_loop3A_212 = arith.addi %parallel_loop3A_169, %parallel_loop3A_211 : vector<16xi32>
          %parallel_loop3A_213 = tpu.vector_load_idx %arg14[%parallel_loop3A_212] : memref<8000xf32, #tpu.memory_space<vmem>>[vector<16xi32>], vector<16xf32>,
          %parallel_loop3A_214 = arith.constant 16 : i32
          %parallel_loop3A_215 = arith.muli %parallel_loop3A_165, %parallel_loop3A_214 : i32
          %parallel_loop3A_216 = arith.constant 4 : i32
          %parallel_loop3A_217 = arith.index_cast %parallel_loop3A_216 : i32 to index
          %parallel_loop3A_218 = arith.index_cast %parallel_loop3A_215 : i32 to index
          %parallel_loop3A_219 = tpu.vector_load %arg16[%parallel_loop3A_217, %parallel_loop3A_218] {strides = array<i32>} : memref<8x3200xf32, #tpu.memory_space<vmem>>, vector<16xf32>,
          tpu.vector_store %arg16[%parallel_loop3A_217, %parallel_loop3A_218], %parallel_loop3A_213 {strides = array<i32>} : memref<8x3200xf32, #tpu.memory_space<vmem>>, vector<16xf32>,
          %parallel_loop3A_220 = arith.constant 5000 : i32
          %parallel_loop3A_221 = vector.broadcast %parallel_loop3A_220 : i32 to vector<16xi32>
          %parallel_loop3A_222 = arith.addi %parallel_loop3A_169, %parallel_loop3A_221 : vector<16xi32>
          %parallel_loop3A_223 = tpu.vector_load_idx %arg14[%parallel_loop3A_222] : memref<8000xf32, #tpu.memory_space<vmem>>[vector<16xi32>], vector<16xf32>,
          %parallel_loop3A_224 = arith.constant 16 : i32
          %parallel_loop3A_225 = arith.muli %parallel_loop3A_165, %parallel_loop3A_224 : i32
          %parallel_loop3A_226 = arith.constant 5 : i32
          %parallel_loop3A_227 = arith.index_cast %parallel_loop3A_226 : i32 to index
          %parallel_loop3A_228 = arith.index_cast %parallel_loop3A_225 : i32 to index
          %parallel_loop3A_229 = tpu.vector_load %arg16[%parallel_loop3A_227, %parallel_loop3A_228] {strides = array<i32>} : memref<8x3200xf32, #tpu.memory_space<vmem>>, vector<16xf32>,
          tpu.vector_store %arg16[%parallel_loop3A_227, %parallel_loop3A_228], %parallel_loop3A_223 {strides = array<i32>} : memref<8x3200xf32, #tpu.memory_space<vmem>>, vector<16xf32>,
          %parallel_loop3A_230 = arith.constant 6000 : i32
          %parallel_loop3A_231 = vector.broadcast %parallel_loop3A_230 : i32 to vector<16xi32>
          %parallel_loop3A_232 = arith.addi %parallel_loop3A_169, %parallel_loop3A_231 : vector<16xi32>
          %parallel_loop3A_233 = tpu.vector_load_idx %arg14[%parallel_loop3A_232] : memref<8000xf32, #tpu.memory_space<vmem>>[vector<16xi32>], vector<16xf32>,
          %parallel_loop3A_234 = arith.constant 16 : i32
          %parallel_loop3A_235 = arith.muli %parallel_loop3A_165, %parallel_loop3A_234 : i32
          %parallel_loop3A_236 = arith.constant 6 : i32
          %parallel_loop3A_237 = arith.index_cast %parallel_loop3A_236 : i32 to index
          %parallel_loop3A_238 = arith.index_cast %parallel_loop3A_235 : i32 to index
          %parallel_loop3A_239 = tpu.vector_load %arg16[%parallel_loop3A_237, %parallel_loop3A_238] {strides = array<i32>} : memref<8x3200xf32, #tpu.memory_space<vmem>>, vector<16xf32>,
          tpu.vector_store %arg16[%parallel_loop3A_237, %parallel_loop3A_238], %parallel_loop3A_233 {strides = array<i32>} : memref<8x3200xf32, #tpu.memory_space<vmem>>, vector<16xf32>,
          %parallel_loop3A_240 = arith.constant 7000 : i32
          %parallel_loop3A_241 = vector.broadcast %parallel_loop3A_240 : i32 to vector<16xi32>
          %parallel_loop3A_242 = arith.addi %parallel_loop3A_169, %parallel_loop3A_241 : vector<16xi32>
          %parallel_loop3A_243 = tpu.vector_load_idx %arg14[%parallel_loop3A_242] : memref<8000xf32, #tpu.memory_space<vmem>>[vector<16xi32>], vector<16xf32>,
          %parallel_loop3A_244 = arith.constant 16 : i32
          %parallel_loop3A_245 = arith.muli %parallel_loop3A_165, %parallel_loop3A_244 : i32
          %parallel_loop3A_246 = arith.constant 7 : i32
          %parallel_loop3A_247 = arith.index_cast %parallel_loop3A_246 : i32 to index
          %parallel_loop3A_248 = arith.index_cast %parallel_loop3A_245 : i32 to index
          %parallel_loop3A_249 = tpu.vector_load %arg16[%parallel_loop3A_247, %parallel_loop3A_248] {strides = array<i32>} : memref<8x3200xf32, #tpu.memory_space<vmem>>, vector<16xf32>,
          tpu.vector_store %arg16[%parallel_loop3A_247, %parallel_loop3A_248], %parallel_loop3A_243 {strides = array<i32>} : memref<8x3200xf32, #tpu.memory_space<vmem>>, vector<16xf32>,
        } {sc.loop_unroll_factor = 8 : i64, sc.parallel_access}
        %mul3A_133 = arith.constant 8 : i32
        %mul3A_134 = arith.muli %add3A_104, %mul3A_133 : i32
        %add3A_135 = arith.constant 0 : i32
        %add3A_136 = arith.addi %mul3A_4, %add3A_135 : i32
        %dma_start3A_137 = arith.constant 0 : i32
        %dma_start3A_138 = arith.constant 0 : i32
        %dma_start3A_139 = tpu.memref_slice %arg16[%dma_start3A_137, %dma_start3A_138] : memref<8x3200xf32, #tpu.memory_space<vmem>> -> memref<8x1536xf32, #tpu.memory_space<vmem>>
        %dma_start3A_140 = tpu.memref_slice %arg6[%mul3A_134, %add3A_136] : memref<1000x51200xf32, #tpu.memory_space<hbm>> -> memref<8x1536xf32, #tpu.memory_space<hbm>>
        %dma_start3A_141 = tpu.memref_slice %arg6[%mul3A_134, %add3A_136] : memref<1000x51200xf32, #tpu.memory_space<hbm>> -> memref<8x1536xf32, #tpu.memory_space<hbm>>
        %dma_start3A_142 = arith.constant 0 : i32
        %dma_start3A_143 = arith.constant 0 : i32
        %dma_start3A_144 = tpu.memref_slice %arg16[%dma_start3A_142, %dma_start3A_143] : memref<8x3200xf32, #tpu.memory_space<vmem>> -> memref<8x1536xf32, #tpu.memory_space<vmem>>
        tpu.enqueue_dma source(%dma_start3A_144 : memref<8x1536xf32, #tpu.memory_space<vmem>>) target(%dma_start3A_141 : memref<8x1536xf32, #tpu.memory_space<hbm>>) target_semaphore(%arg22 : memref<!tpu.dma_semaphore, #tpu.memory_space<semaphore_mem>>)
        %ge3A_145 = arith.constant 2 : i32
        %ge3A_146 = arith.cmpi sge, %while3A_102, %ge3A_145 : i32
        %convert_element_type3A_147 = arith.extui %ge3A_146 : i1 to i32
        %cond3A_148 = arith.constant 0 : i32
        %cond3A_149 = arith.cmpi ne, %convert_element_type3A_147, %cond3A_148 : i32
        scf.if %cond3A_149 {
          %add3A_165 = arith.constant 1536 : i32
          %add3A_166 = arith.addi %mul3A_4, %add3A_165 : i32
          %dma_wait3A_167 = arith.constant 0 : i32
          %dma_wait3A_168 = arith.constant 1536 : i32
          %dma_wait3A_169 = tpu.memref_slice %arg16[%dma_wait3A_167, %dma_wait3A_168] : memref<8x3200xf32, #tpu.memory_space<vmem>> -> memref<8x1664xf32, #tpu.memory_space<vmem>>
          %dma_wait3A_170 = arith.constant 0 : i32
          %dma_wait3A_171 = tpu.memref_slice %arg6[%dma_wait3A_170, %add3A_166] : memref<1000x51200xf32, #tpu.memory_space<hbm>> -> memref<8x1664xf32, #tpu.memory_space<hbm>>
          %dma_wait3A_172 = arith.constant 0 : i32
          %dma_wait3A_173 = tpu.memref_slice %arg6[%dma_wait3A_172, %add3A_166] : memref<1000x51200xf32, #tpu.memory_space<hbm>> -> memref<8x1664xf32, #tpu.memory_space<hbm>>
          %dma_wait3A_174 = arith.constant 0 : i32
          %dma_wait3A_175 = arith.constant 1536 : i32
          %dma_wait3A_176 = tpu.memref_slice %arg16[%dma_wait3A_174, %dma_wait3A_175] : memref<8x3200xf32, #tpu.memory_space<vmem>> -> memref<8x1664xf32, #tpu.memory_space<vmem>>
          tpu.wait_dma2 semaphore(%arg23 : memref<!tpu.dma_semaphore, #tpu.memory_space<semaphore_mem>>) src(%dma_wait3A_176 : memref<8x1664xf32, #tpu.memory_space<vmem>>) dst(%dma_wait3A_173 : memref<8x1664xf32, #tpu.memory_space<hbm>>)
        } else {
        }
        %parallel_loop3A_150 = arith.constant 96 : i32
        %parallel_loop3A_151 = arith.constant 200 : i32
        %parallel_loop3A_152 = arith.constant 1 : i32
        scf.for %parallel_loop3A_165 = %parallel_loop3A_150 to %parallel_loop3A_151 step %parallel_loop3A_152  : i32 {
          %parallel_loop3A_166 = arith.constant 16 : i32
          %parallel_loop3A_167 = arith.muli %parallel_loop3A_165, %parallel_loop3A_166 : i32
          %parallel_loop3A_168 = arith.index_cast %parallel_loop3A_167 : i32 to index
          %parallel_loop3A_169 = tpu.vector_load %arg8[%parallel_loop3A_168] {strides = array<i32>} : memref<3200xi32, #tpu.memory_space<vmem>>, vector<16xi32>,
          %parallel_loop3A_170 = arith.constant 0 : i32
          %parallel_loop3A_171 = vector.broadcast %parallel_loop3A_170 : i32 to vector<16xi32>
          %parallel_loop3A_172 = arith.addi %parallel_loop3A_169, %parallel_loop3A_171 : vector<16xi32>
          %parallel_loop3A_173 = tpu.vector_load_idx %arg14[%parallel_loop3A_172] : memref<8000xf32, #tpu.memory_space<vmem>>[vector<16xi32>], vector<16xf32>,
          %parallel_loop3A_174 = arith.constant 16 : i32
          %parallel_loop3A_175 = arith.muli %parallel_loop3A_165, %parallel_loop3A_174 : i32
          %parallel_loop3A_176 = arith.constant 0 : i32
          %parallel_loop3A_177 = arith.index_cast %parallel_loop3A_176 : i32 to index
          %parallel_loop3A_178 = arith.index_cast %parallel_loop3A_175 : i32 to index
          %parallel_loop3A_179 = tpu.vector_load %arg16[%parallel_loop3A_177, %parallel_loop3A_178] {strides = array<i32>} : memref<8x3200xf32, #tpu.memory_space<vmem>>, vector<16xf32>,
          tpu.vector_store %arg16[%parallel_loop3A_177, %parallel_loop3A_178], %parallel_loop3A_173 {strides = array<i32>} : memref<8x3200xf32, #tpu.memory_space<vmem>>, vector<16xf32>,
          %parallel_loop3A_180 = arith.constant 1000 : i32
          %parallel_loop3A_181 = vector.broadcast %parallel_loop3A_180 : i32 to vector<16xi32>
          %parallel_loop3A_182 = arith.addi %parallel_loop3A_169, %parallel_loop3A_181 : vector<16xi32>
          %parallel_loop3A_183 = tpu.vector_load_idx %arg14[%parallel_loop3A_182] : memref<8000xf32, #tpu.memory_space<vmem>>[vector<16xi32>], vector<16xf32>,
          %parallel_loop3A_184 = arith.constant 16 : i32
          %parallel_loop3A_185 = arith.muli %parallel_loop3A_165, %parallel_loop3A_184 : i32
          %parallel_loop3A_186 = arith.constant 1 : i32
          %parallel_loop3A_187 = arith.index_cast %parallel_loop3A_186 : i32 to index
          %parallel_loop3A_188 = arith.index_cast %parallel_loop3A_185 : i32 to index
          %parallel_loop3A_189 = tpu.vector_load %arg16[%parallel_loop3A_187, %parallel_loop3A_188] {strides = array<i32>} : memref<8x3200xf32, #tpu.memory_space<vmem>>, vector<16xf32>,
          tpu.vector_store %arg16[%parallel_loop3A_187, %parallel_loop3A_188], %parallel_loop3A_183 {strides = array<i32>} : memref<8x3200xf32, #tpu.memory_space<vmem>>, vector<16xf32>,
          %parallel_loop3A_190 = arith.constant 2000 : i32
          %parallel_loop3A_191 = vector.broadcast %parallel_loop3A_190 : i32 to vector<16xi32>
          %parallel_loop3A_192 = arith.addi %parallel_loop3A_169, %parallel_loop3A_191 : vector<16xi32>
          %parallel_loop3A_193 = tpu.vector_load_idx %arg14[%parallel_loop3A_192] : memref<8000xf32, #tpu.memory_space<vmem>>[vector<16xi32>], vector<16xf32>,
          %parallel_loop3A_194 = arith.constant 16 : i32
          %parallel_loop3A_195 = arith.muli %parallel_loop3A_165, %parallel_loop3A_194 : i32
          %parallel_loop3A_196 = arith.constant 2 : i32
          %parallel_loop3A_197 = arith.index_cast %parallel_loop3A_196 : i32 to index
          %parallel_loop3A_198 = arith.index_cast %parallel_loop3A_195 : i32 to index
          %parallel_loop3A_199 = tpu.vector_load %arg16[%parallel_loop3A_197, %parallel_loop3A_198] {strides = array<i32>} : memref<8x3200xf32, #tpu.memory_space<vmem>>, vector<16xf32>,
          tpu.vector_store %arg16[%parallel_loop3A_197, %parallel_loop3A_198], %parallel_loop3A_193 {strides = array<i32>} : memref<8x3200xf32, #tpu.memory_space<vmem>>, vector<16xf32>,
          %parallel_loop3A_200 = arith.constant 3000 : i32
          %parallel_loop3A_201 = vector.broadcast %parallel_loop3A_200 : i32 to vector<16xi32>
          %parallel_loop3A_202 = arith.addi %parallel_loop3A_169, %parallel_loop3A_201 : vector<16xi32>
          %parallel_loop3A_203 = tpu.vector_load_idx %arg14[%parallel_loop3A_202] : memref<8000xf32, #tpu.memory_space<vmem>>[vector<16xi32>], vector<16xf32>,
          %parallel_loop3A_204 = arith.constant 16 : i32
          %parallel_loop3A_205 = arith.muli %parallel_loop3A_165, %parallel_loop3A_204 : i32
          %parallel_loop3A_206 = arith.constant 3 : i32
          %parallel_loop3A_207 = arith.index_cast %parallel_loop3A_206 : i32 to index
          %parallel_loop3A_208 = arith.index_cast %parallel_loop3A_205 : i32 to index
          %parallel_loop3A_209 = tpu.vector_load %arg16[%parallel_loop3A_207, %parallel_loop3A_208] {strides = array<i32>} : memref<8x3200xf32, #tpu.memory_space<vmem>>, vector<16xf32>,
          tpu.vector_store %arg16[%parallel_loop3A_207, %parallel_loop3A_208], %parallel_loop3A_203 {strides = array<i32>} : memref<8x3200xf32, #tpu.memory_space<vmem>>, vector<16xf32>,
          %parallel_loop3A_210 = arith.constant 4000 : i32
          %parallel_loop3A_211 = vector.broadcast %parallel_loop3A_210 : i32 to vector<16xi32>
          %parallel_loop3A_212 = arith.addi %parallel_loop3A_169, %parallel_loop3A_211 : vector<16xi32>
          %parallel_loop3A_213 = tpu.vector_load_idx %arg14[%parallel_loop3A_212] : memref<8000xf32, #tpu.memory_space<vmem>>[vector<16xi32>], vector<16xf32>,
          %parallel_loop3A_214 = arith.constant 16 : i32
          %parallel_loop3A_215 = arith.muli %parallel_loop3A_165, %parallel_loop3A_214 : i32
          %parallel_loop3A_216 = arith.constant 4 : i32
          %parallel_loop3A_217 = arith.index_cast %parallel_loop3A_216 : i32 to index
          %parallel_loop3A_218 = arith.index_cast %parallel_loop3A_215 : i32 to index
          %parallel_loop3A_219 = tpu.vector_load %arg16[%parallel_loop3A_217, %parallel_loop3A_218] {strides = array<i32>} : memref<8x3200xf32, #tpu.memory_space<vmem>>, vector<16xf32>,
          tpu.vector_store %arg16[%parallel_loop3A_217, %parallel_loop3A_218], %parallel_loop3A_213 {strides = array<i32>} : memref<8x3200xf32, #tpu.memory_space<vmem>>, vector<16xf32>,
          %parallel_loop3A_220 = arith.constant 5000 : i32
          %parallel_loop3A_221 = vector.broadcast %parallel_loop3A_220 : i32 to vector<16xi32>
          %parallel_loop3A_222 = arith.addi %parallel_loop3A_169, %parallel_loop3A_221 : vector<16xi32>
          %parallel_loop3A_223 = tpu.vector_load_idx %arg14[%parallel_loop3A_222] : memref<8000xf32, #tpu.memory_space<vmem>>[vector<16xi32>], vector<16xf32>,
          %parallel_loop3A_224 = arith.constant 16 : i32
          %parallel_loop3A_225 = arith.muli %parallel_loop3A_165, %parallel_loop3A_224 : i32
          %parallel_loop3A_226 = arith.constant 5 : i32
          %parallel_loop3A_227 = arith.index_cast %parallel_loop3A_226 : i32 to index
          %parallel_loop3A_228 = arith.index_cast %parallel_loop3A_225 : i32 to index
          %parallel_loop3A_229 = tpu.vector_load %arg16[%parallel_loop3A_227, %parallel_loop3A_228] {strides = array<i32>} : memref<8x3200xf32, #tpu.memory_space<vmem>>, vector<16xf32>,
          tpu.vector_store %arg16[%parallel_loop3A_227, %parallel_loop3A_228], %parallel_loop3A_223 {strides = array<i32>} : memref<8x3200xf32, #tpu.memory_space<vmem>>, vector<16xf32>,
          %parallel_loop3A_230 = arith.constant 6000 : i32
          %parallel_loop3A_231 = vector.broadcast %parallel_loop3A_230 : i32 to vector<16xi32>
          %parallel_loop3A_232 = arith.addi %parallel_loop3A_169, %parallel_loop3A_231 : vector<16xi32>
          %parallel_loop3A_233 = tpu.vector_load_idx %arg14[%parallel_loop3A_232] : memref<8000xf32, #tpu.memory_space<vmem>>[vector<16xi32>], vector<16xf32>,
          %parallel_loop3A_234 = arith.constant 16 : i32
          %parallel_loop3A_235 = arith.muli %parallel_loop3A_165, %parallel_loop3A_234 : i32
          %parallel_loop3A_236 = arith.constant 6 : i32
          %parallel_loop3A_237 = arith.index_cast %parallel_loop3A_236 : i32 to index
          %parallel_loop3A_238 = arith.index_cast %parallel_loop3A_235 : i32 to index
          %parallel_loop3A_239 = tpu.vector_load %arg16[%parallel_loop3A_237, %parallel_loop3A_238] {strides = array<i32>} : memref<8x3200xf32, #tpu.memory_space<vmem>>, vector<16xf32>,
          tpu.vector_store %arg16[%parallel_loop3A_237, %parallel_loop3A_238], %parallel_loop3A_233 {strides = array<i32>} : memref<8x3200xf32, #tpu.memory_space<vmem>>, vector<16xf32>,
          %parallel_loop3A_240 = arith.constant 7000 : i32
          %parallel_loop3A_241 = vector.broadcast %parallel_loop3A_240 : i32 to vector<16xi32>
          %parallel_loop3A_242 = arith.addi %parallel_loop3A_169, %parallel_loop3A_241 : vector<16xi32>
          %parallel_loop3A_243 = tpu.vector_load_idx %arg14[%parallel_loop3A_242] : memref<8000xf32, #tpu.memory_space<vmem>>[vector<16xi32>], vector<16xf32>,
          %parallel_loop3A_244 = arith.constant 16 : i32
          %parallel_loop3A_245 = arith.muli %parallel_loop3A_165, %parallel_loop3A_244 : i32
          %parallel_loop3A_246 = arith.constant 7 : i32
          %parallel_loop3A_247 = arith.index_cast %parallel_loop3A_246 : i32 to index
          %parallel_loop3A_248 = arith.index_cast %parallel_loop3A_245 : i32 to index
          %parallel_loop3A_249 = tpu.vector_load %arg16[%parallel_loop3A_247, %parallel_loop3A_248] {strides = array<i32>} : memref<8x3200xf32, #tpu.memory_space<vmem>>, vector<16xf32>,
          tpu.vector_store %arg16[%parallel_loop3A_247, %parallel_loop3A_248], %parallel_loop3A_243 {strides = array<i32>} : memref<8x3200xf32, #tpu.memory_space<vmem>>, vector<16xf32>,
        } {sc.loop_unroll_factor = 8 : i64, sc.parallel_access}
        %mul3A_153 = arith.constant 8 : i32
        %mul3A_154 = arith.muli %add3A_104, %mul3A_153 : i32
        %add3A_155 = arith.constant 1536 : i32
        %add3A_156 = arith.addi %mul3A_4, %add3A_155 : i32
        %dma_start3A_157 = arith.constant 0 : i32
        %dma_start3A_158 = arith.constant 1536 : i32
        %dma_start3A_159 = tpu.memref_slice %arg16[%dma_start3A_157, %dma_start3A_158] : memref<8x3200xf32, #tpu.memory_space<vmem>> -> memref<8x1664xf32, #tpu.memory_space<vmem>>
        %dma_start3A_160 = tpu.memref_slice %arg6[%mul3A_154, %add3A_156] : memref<1000x51200xf32, #tpu.memory_space<hbm>> -> memref<8x1664xf32, #tpu.memory_space<hbm>>
        %dma_start3A_161 = tpu.memref_slice %arg6[%mul3A_154, %add3A_156] : memref<1000x51200xf32, #tpu.memory_space<hbm>> -> memref<8x1664xf32, #tpu.memory_space<hbm>>
        %dma_start3A_162 = arith.constant 0 : i32
        %dma_start3A_163 = arith.constant 1536 : i32
        %dma_start3A_164 = tpu.memref_slice %arg16[%dma_start3A_162, %dma_start3A_163] : memref<8x3200xf32, #tpu.memory_space<vmem>> -> memref<8x1664xf32, #tpu.memory_space<vmem>>
        tpu.enqueue_dma source(%dma_start3A_164 : memref<8x1664xf32, #tpu.memory_space<vmem>>) target(%dma_start3A_161 : memref<8x1664xf32, #tpu.memory_space<hbm>>) target_semaphore(%arg23 : memref<!tpu.dma_semaphore, #tpu.memory_space<semaphore_mem>>)
      } else {
      }
      %rem3A_110 = arith.constant 2 : i32
      %rem3A_111 = arith.remsi %while3A_102, %rem3A_110 : i32
      %eq3A_112 = arith.constant 1 : i32
      %eq3A_113 = arith.cmpi eq, %rem3A_111, %eq3A_112 : i32
      %convert_element_type3A_114 = arith.extui %eq3A_113 : i1 to i32
      %cond3A_115 = arith.constant 0 : i32
      %cond3A_116 = arith.cmpi ne, %convert_element_type3A_114, %cond3A_115 : i32
      scf.if %cond3A_116 {
        %mul3A_118 = arith.constant 8000 : i32
        %mul3A_119 = arith.muli %add3A_104, %mul3A_118 : i32
        %dma_wait3A_120 = tpu.memref_slice %arg4[%mul3A_119] : memref<1000000xf32, #tpu.memory_space<hbm>> -> memref<8000xf32, #tpu.memory_space<hbm>>
        %dma_wait3A_121 = tpu.memref_slice %arg4[%mul3A_119] : memref<1000000xf32, #tpu.memory_space<hbm>> -> memref<8000xf32, #tpu.memory_space<hbm>>
        tpu.wait_dma2 semaphore(%arg21 : memref<!tpu.dma_semaphore, #tpu.memory_space<semaphore_mem>>) src(%dma_wait3A_121 : memref<8000xf32, #tpu.memory_space<hbm>>) dst(%arg15 : memref<8000xf32, #tpu.memory_space<vmem>>)
        %add3A_122 = arith.constant 1 : i32
        %add3A_123 = arith.addi %while3A_102, %add3A_122 : i32
        %lt3A = arith.cmpi slt, %add3A_123, %select_n3A : i32
        %convert_element_type3A_124 = arith.extui %lt3A : i1 to i32
        %cond3A_125 = arith.constant 0 : i32
        %cond3A_126 = arith.cmpi ne, %convert_element_type3A_124, %cond3A_125 : i32
        scf.if %cond3A_126 {
          %add3A_165 = arith.constant 1 : i32
          %add3A_166 = arith.addi %add3A_104, %add3A_165 : i32
          %mul3A_167 = arith.constant 8000 : i32
          %mul3A_168 = arith.muli %add3A_166, %mul3A_167 : i32
          %dma_start3A_169 = tpu.memref_slice %arg4[%mul3A_168] : memref<1000000xf32, #tpu.memory_space<hbm>> -> memref<8000xf32, #tpu.memory_space<hbm>>
          %dma_start3A_170 = tpu.memref_slice %arg4[%mul3A_168] : memref<1000000xf32, #tpu.memory_space<hbm>> -> memref<8000xf32, #tpu.memory_space<hbm>>
          tpu.enqueue_dma source(%dma_start3A_170 : memref<8000xf32, #tpu.memory_space<hbm>>) target(%arg14 : memref<8000xf32, #tpu.memory_space<vmem>>) target_semaphore(%arg20 : memref<!tpu.dma_semaphore, #tpu.memory_space<semaphore_mem>>)
        } else {
        }
        %ge3A = arith.constant 2 : i32
        %ge3A_127 = arith.cmpi sge, %while3A_102, %ge3A : i32
        %convert_element_type3A_128 = arith.extui %ge3A_127 : i1 to i32
        %cond3A_129 = arith.constant 0 : i32
        %cond3A_130 = arith.cmpi ne, %convert_element_type3A_128, %cond3A_129 : i32
        scf.if %cond3A_130 {
          %add3A_165 = arith.constant 0 : i32
          %add3A_166 = arith.addi %mul3A_4, %add3A_165 : i32
          %dma_wait3A_167 = arith.constant 0 : i32
          %dma_wait3A_168 = arith.constant 0 : i32
          %dma_wait3A_169 = tpu.memref_slice %arg17[%dma_wait3A_167, %dma_wait3A_168] : memref<8x3200xf32, #tpu.memory_space<vmem>> -> memref<8x1536xf32, #tpu.memory_space<vmem>>
          %dma_wait3A_170 = arith.constant 0 : i32
          %dma_wait3A_171 = tpu.memref_slice %arg6[%dma_wait3A_170, %add3A_166] : memref<1000x51200xf32, #tpu.memory_space<hbm>> -> memref<8x1536xf32, #tpu.memory_space<hbm>>
          %dma_wait3A_172 = arith.constant 0 : i32
          %dma_wait3A_173 = tpu.memref_slice %arg6[%dma_wait3A_172, %add3A_166] : memref<1000x51200xf32, #tpu.memory_space<hbm>> -> memref<8x1536xf32, #tpu.memory_space<hbm>>
          %dma_wait3A_174 = arith.constant 0 : i32
          %dma_wait3A_175 = arith.constant 0 : i32
          %dma_wait3A_176 = tpu.memref_slice %arg17[%dma_wait3A_174, %dma_wait3A_175] : memref<8x3200xf32, #tpu.memory_space<vmem>> -> memref<8x1536xf32, #tpu.memory_space<vmem>>
          tpu.wait_dma2 semaphore(%arg24 : memref<!tpu.dma_semaphore, #tpu.memory_space<semaphore_mem>>) src(%dma_wait3A_176 : memref<8x1536xf32, #tpu.memory_space<vmem>>) dst(%dma_wait3A_173 : memref<8x1536xf32, #tpu.memory_space<hbm>>)
        } else {
        }
        %parallel_loop3A = arith.constant 0 : i32
        %parallel_loop3A_131 = arith.constant 96 : i32
        %parallel_loop3A_132 = arith.constant 1 : i32
        scf.for %parallel_loop3A_165 = %parallel_loop3A to %parallel_loop3A_131 step %parallel_loop3A_132  : i32 {
          %parallel_loop3A_166 = arith.constant 16 : i32
          %parallel_loop3A_167 = arith.muli %parallel_loop3A_165, %parallel_loop3A_166 : i32
          %parallel_loop3A_168 = arith.index_cast %parallel_loop3A_167 : i32 to index
          %parallel_loop3A_169 = tpu.vector_load %arg8[%parallel_loop3A_168] {strides = array<i32>} : memref<3200xi32, #tpu.memory_space<vmem>>, vector<16xi32>,
          %parallel_loop3A_170 = arith.constant 0 : i32
          %parallel_loop3A_171 = vector.broadcast %parallel_loop3A_170 : i32 to vector<16xi32>
          %parallel_loop3A_172 = arith.addi %parallel_loop3A_169, %parallel_loop3A_171 : vector<16xi32>
          %parallel_loop3A_173 = tpu.vector_load_idx %arg15[%parallel_loop3A_172] : memref<8000xf32, #tpu.memory_space<vmem>>[vector<16xi32>], vector<16xf32>,
          %parallel_loop3A_174 = arith.constant 16 : i32
          %parallel_loop3A_175 = arith.muli %parallel_loop3A_165, %parallel_loop3A_174 : i32
          %parallel_loop3A_176 = arith.constant 0 : i32
          %parallel_loop3A_177 = arith.index_cast %parallel_loop3A_176 : i32 to index
          %parallel_loop3A_178 = arith.index_cast %parallel_loop3A_175 : i32 to index
          %parallel_loop3A_179 = tpu.vector_load %arg17[%parallel_loop3A_177, %parallel_loop3A_178] {strides = array<i32>} : memref<8x3200xf32, #tpu.memory_space<vmem>>, vector<16xf32>,
          tpu.vector_store %arg17[%parallel_loop3A_177, %parallel_loop3A_178], %parallel_loop3A_173 {strides = array<i32>} : memref<8x3200xf32, #tpu.memory_space<vmem>>, vector<16xf32>,
          %parallel_loop3A_180 = arith.constant 1000 : i32
          %parallel_loop3A_181 = vector.broadcast %parallel_loop3A_180 : i32 to vector<16xi32>
          %parallel_loop3A_182 = arith.addi %parallel_loop3A_169, %parallel_loop3A_181 : vector<16xi32>
          %parallel_loop3A_183 = tpu.vector_load_idx %arg15[%parallel_loop3A_182] : memref<8000xf32, #tpu.memory_space<vmem>>[vector<16xi32>], vector<16xf32>,
          %parallel_loop3A_184 = arith.constant 16 : i32
          %parallel_loop3A_185 = arith.muli %parallel_loop3A_165, %parallel_loop3A_184 : i32
          %parallel_loop3A_186 = arith.constant 1 : i32
          %parallel_loop3A_187 = arith.index_cast %parallel_loop3A_186 : i32 to index
          %parallel_loop3A_188 = arith.index_cast %parallel_loop3A_185 : i32 to index
          %parallel_loop3A_189 = tpu.vector_load %arg17[%parallel_loop3A_187, %parallel_loop3A_188] {strides = array<i32>} : memref<8x3200xf32, #tpu.memory_space<vmem>>, vector<16xf32>,
          tpu.vector_store %arg17[%parallel_loop3A_187, %parallel_loop3A_188], %parallel_loop3A_183 {strides = array<i32>} : memref<8x3200xf32, #tpu.memory_space<vmem>>, vector<16xf32>,
          %parallel_loop3A_190 = arith.constant 2000 : i32
          %parallel_loop3A_191 = vector.broadcast %parallel_loop3A_190 : i32 to vector<16xi32>
          %parallel_loop3A_192 = arith.addi %parallel_loop3A_169, %parallel_loop3A_191 : vector<16xi32>
          %parallel_loop3A_193 = tpu.vector_load_idx %arg15[%parallel_loop3A_192] : memref<8000xf32, #tpu.memory_space<vmem>>[vector<16xi32>], vector<16xf32>,
          %parallel_loop3A_194 = arith.constant 16 : i32
          %parallel_loop3A_195 = arith.muli %parallel_loop3A_165, %parallel_loop3A_194 : i32
          %parallel_loop3A_196 = arith.constant 2 : i32
          %parallel_loop3A_197 = arith.index_cast %parallel_loop3A_196 : i32 to index
          %parallel_loop3A_198 = arith.index_cast %parallel_loop3A_195 : i32 to index
          %parallel_loop3A_199 = tpu.vector_load %arg17[%parallel_loop3A_197, %parallel_loop3A_198] {strides = array<i32>} : memref<8x3200xf32, #tpu.memory_space<vmem>>, vector<16xf32>,
          tpu.vector_store %arg17[%parallel_loop3A_197, %parallel_loop3A_198], %parallel_loop3A_193 {strides = array<i32>} : memref<8x3200xf32, #tpu.memory_space<vmem>>, vector<16xf32>,
          %parallel_loop3A_200 = arith.constant 3000 : i32
          %parallel_loop3A_201 = vector.broadcast %parallel_loop3A_200 : i32 to vector<16xi32>
          %parallel_loop3A_202 = arith.addi %parallel_loop3A_169, %parallel_loop3A_201 : vector<16xi32>
          %parallel_loop3A_203 = tpu.vector_load_idx %arg15[%parallel_loop3A_202] : memref<8000xf32, #tpu.memory_space<vmem>>[vector<16xi32>], vector<16xf32>,
          %parallel_loop3A_204 = arith.constant 16 : i32
          %parallel_loop3A_205 = arith.muli %parallel_loop3A_165, %parallel_loop3A_204 : i32
          %parallel_loop3A_206 = arith.constant 3 : i32
          %parallel_loop3A_207 = arith.index_cast %parallel_loop3A_206 : i32 to index
          %parallel_loop3A_208 = arith.index_cast %parallel_loop3A_205 : i32 to index
          %parallel_loop3A_209 = tpu.vector_load %arg17[%parallel_loop3A_207, %parallel_loop3A_208] {strides = array<i32>} : memref<8x3200xf32, #tpu.memory_space<vmem>>, vector<16xf32>,
          tpu.vector_store %arg17[%parallel_loop3A_207, %parallel_loop3A_208], %parallel_loop3A_203 {strides = array<i32>} : memref<8x3200xf32, #tpu.memory_space<vmem>>, vector<16xf32>,
          %parallel_loop3A_210 = arith.constant 4000 : i32
          %parallel_loop3A_211 = vector.broadcast %parallel_loop3A_210 : i32 to vector<16xi32>
          %parallel_loop3A_212 = arith.addi %parallel_loop3A_169, %parallel_loop3A_211 : vector<16xi32>
          %parallel_loop3A_213 = tpu.vector_load_idx %arg15[%parallel_loop3A_212] : memref<8000xf32, #tpu.memory_space<vmem>>[vector<16xi32>], vector<16xf32>,
          %parallel_loop3A_214 = arith.constant 16 : i32
          %parallel_loop3A_215 = arith.muli %parallel_loop3A_165, %parallel_loop3A_214 : i32
          %parallel_loop3A_216 = arith.constant 4 : i32
          %parallel_loop3A_217 = arith.index_cast %parallel_loop3A_216 : i32 to index
          %parallel_loop3A_218 = arith.index_cast %parallel_loop3A_215 : i32 to index
          %parallel_loop3A_219 = tpu.vector_load %arg17[%parallel_loop3A_217, %parallel_loop3A_218] {strides = array<i32>} : memref<8x3200xf32, #tpu.memory_space<vmem>>, vector<16xf32>,
          tpu.vector_store %arg17[%parallel_loop3A_217, %parallel_loop3A_218], %parallel_loop3A_213 {strides = array<i32>} : memref<8x3200xf32, #tpu.memory_space<vmem>>, vector<16xf32>,
          %parallel_loop3A_220 = arith.constant 5000 : i32
          %parallel_loop3A_221 = vector.broadcast %parallel_loop3A_220 : i32 to vector<16xi32>
          %parallel_loop3A_222 = arith.addi %parallel_loop3A_169, %parallel_loop3A_221 : vector<16xi32>
          %parallel_loop3A_223 = tpu.vector_load_idx %arg15[%parallel_loop3A_222] : memref<8000xf32, #tpu.memory_space<vmem>>[vector<16xi32>], vector<16xf32>,
          %parallel_loop3A_224 = arith.constant 16 : i32
          %parallel_loop3A_225 = arith.muli %parallel_loop3A_165, %parallel_loop3A_224 : i32
          %parallel_loop3A_226 = arith.constant 5 : i32
          %parallel_loop3A_227 = arith.index_cast %parallel_loop3A_226 : i32 to index
          %parallel_loop3A_228 = arith.index_cast %parallel_loop3A_225 : i32 to index
          %parallel_loop3A_229 = tpu.vector_load %arg17[%parallel_loop3A_227, %parallel_loop3A_228] {strides = array<i32>} : memref<8x3200xf32, #tpu.memory_space<vmem>>, vector<16xf32>,
          tpu.vector_store %arg17[%parallel_loop3A_227, %parallel_loop3A_228], %parallel_loop3A_223 {strides = array<i32>} : memref<8x3200xf32, #tpu.memory_space<vmem>>, vector<16xf32>,
          %parallel_loop3A_230 = arith.constant 6000 : i32
          %parallel_loop3A_231 = vector.broadcast %parallel_loop3A_230 : i32 to vector<16xi32>
          %parallel_loop3A_232 = arith.addi %parallel_loop3A_169, %parallel_loop3A_231 : vector<16xi32>
          %parallel_loop3A_233 = tpu.vector_load_idx %arg15[%parallel_loop3A_232] : memref<8000xf32, #tpu.memory_space<vmem>>[vector<16xi32>], vector<16xf32>,
          %parallel_loop3A_234 = arith.constant 16 : i32
          %parallel_loop3A_235 = arith.muli %parallel_loop3A_165, %parallel_loop3A_234 : i32
          %parallel_loop3A_236 = arith.constant 6 : i32
          %parallel_loop3A_237 = arith.index_cast %parallel_loop3A_236 : i32 to index
          %parallel_loop3A_238 = arith.index_cast %parallel_loop3A_235 : i32 to index
          %parallel_loop3A_239 = tpu.vector_load %arg17[%parallel_loop3A_237, %parallel_loop3A_238] {strides = array<i32>} : memref<8x3200xf32, #tpu.memory_space<vmem>>, vector<16xf32>,
          tpu.vector_store %arg17[%parallel_loop3A_237, %parallel_loop3A_238], %parallel_loop3A_233 {strides = array<i32>} : memref<8x3200xf32, #tpu.memory_space<vmem>>, vector<16xf32>,
          %parallel_loop3A_240 = arith.constant 7000 : i32
          %parallel_loop3A_241 = vector.broadcast %parallel_loop3A_240 : i32 to vector<16xi32>
          %parallel_loop3A_242 = arith.addi %parallel_loop3A_169, %parallel_loop3A_241 : vector<16xi32>
          %parallel_loop3A_243 = tpu.vector_load_idx %arg15[%parallel_loop3A_242] : memref<8000xf32, #tpu.memory_space<vmem>>[vector<16xi32>], vector<16xf32>,
          %parallel_loop3A_244 = arith.constant 16 : i32
          %parallel_loop3A_245 = arith.muli %parallel_loop3A_165, %parallel_loop3A_244 : i32
          %parallel_loop3A_246 = arith.constant 7 : i32
          %parallel_loop3A_247 = arith.index_cast %parallel_loop3A_246 : i32 to index
          %parallel_loop3A_248 = arith.index_cast %parallel_loop3A_245 : i32 to index
          %parallel_loop3A_249 = tpu.vector_load %arg17[%parallel_loop3A_247, %parallel_loop3A_248] {strides = array<i32>} : memref<8x3200xf32, #tpu.memory_space<vmem>>, vector<16xf32>,
          tpu.vector_store %arg17[%parallel_loop3A_247, %parallel_loop3A_248], %parallel_loop3A_243 {strides = array<i32>} : memref<8x3200xf32, #tpu.memory_space<vmem>>, vector<16xf32>,
        } {sc.loop_unroll_factor = 8 : i64, sc.parallel_access}
        %mul3A_133 = arith.constant 8 : i32
        %mul3A_134 = arith.muli %add3A_104, %mul3A_133 : i32
        %add3A_135 = arith.constant 0 : i32
        %add3A_136 = arith.addi %mul3A_4, %add3A_135 : i32
        %dma_start3A_137 = arith.constant 0 : i32
        %dma_start3A_138 = arith.constant 0 : i32
        %dma_start3A_139 = tpu.memref_slice %arg17[%dma_start3A_137, %dma_start3A_138] : memref<8x3200xf32, #tpu.memory_space<vmem>> -> memref<8x1536xf32, #tpu.memory_space<vmem>>
        %dma_start3A_140 = tpu.memref_slice %arg6[%mul3A_134, %add3A_136] : memref<1000x51200xf32, #tpu.memory_space<hbm>> -> memref<8x1536xf32, #tpu.memory_space<hbm>>
        %dma_start3A_141 = tpu.memref_slice %arg6[%mul3A_134, %add3A_136] : memref<1000x51200xf32, #tpu.memory_space<hbm>> -> memref<8x1536xf32, #tpu.memory_space<hbm>>
        %dma_start3A_142 = arith.constant 0 : i32
        %dma_start3A_143 = arith.constant 0 : i32
        %dma_start3A_144 = tpu.memref_slice %arg17[%dma_start3A_142, %dma_start3A_143] : memref<8x3200xf32, #tpu.memory_space<vmem>> -> memref<8x1536xf32, #tpu.memory_space<vmem>>
        tpu.enqueue_dma source(%dma_start3A_144 : memref<8x1536xf32, #tpu.memory_space<vmem>>) target(%dma_start3A_141 : memref<8x1536xf32, #tpu.memory_space<hbm>>) target_semaphore(%arg24 : memref<!tpu.dma_semaphore, #tpu.memory_space<semaphore_mem>>)
        %ge3A_145 = arith.constant 2 : i32
        %ge3A_146 = arith.cmpi sge, %while3A_102, %ge3A_145 : i32
        %convert_element_type3A_147 = arith.extui %ge3A_146 : i1 to i32
        %cond3A_148 = arith.constant 0 : i32
        %cond3A_149 = arith.cmpi ne, %convert_element_type3A_147, %cond3A_148 : i32
        scf.if %cond3A_149 {
          %add3A_165 = arith.constant 1536 : i32
          %add3A_166 = arith.addi %mul3A_4, %add3A_165 : i32
          %dma_wait3A_167 = arith.constant 0 : i32
          %dma_wait3A_168 = arith.constant 1536 : i32
          %dma_wait3A_169 = tpu.memref_slice %arg17[%dma_wait3A_167, %dma_wait3A_168] : memref<8x3200xf32, #tpu.memory_space<vmem>> -> memref<8x1664xf32, #tpu.memory_space<vmem>>
          %dma_wait3A_170 = arith.constant 0 : i32
          %dma_wait3A_171 = tpu.memref_slice %arg6[%dma_wait3A_170, %add3A_166] : memref<1000x51200xf32, #tpu.memory_space<hbm>> -> memref<8x1664xf32, #tpu.memory_space<hbm>>
          %dma_wait3A_172 = arith.constant 0 : i32
          %dma_wait3A_173 = tpu.memref_slice %arg6[%dma_wait3A_172, %add3A_166] : memref<1000x51200xf32, #tpu.memory_space<hbm>> -> memref<8x1664xf32, #tpu.memory_space<hbm>>
          %dma_wait3A_174 = arith.constant 0 : i32
          %dma_wait3A_175 = arith.constant 1536 : i32
          %dma_wait3A_176 = tpu.memref_slice %arg17[%dma_wait3A_174, %dma_wait3A_175] : memref<8x3200xf32, #tpu.memory_space<vmem>> -> memref<8x1664xf32, #tpu.memory_space<vmem>>
          tpu.wait_dma2 semaphore(%arg25 : memref<!tpu.dma_semaphore, #tpu.memory_space<semaphore_mem>>) src(%dma_wait3A_176 : memref<8x1664xf32, #tpu.memory_space<vmem>>) dst(%dma_wait3A_173 : memref<8x1664xf32, #tpu.memory_space<hbm>>)
        } else {
        }
        %parallel_loop3A_150 = arith.constant 96 : i32
        %parallel_loop3A_151 = arith.constant 200 : i32
        %parallel_loop3A_152 = arith.constant 1 : i32
        scf.for %parallel_loop3A_165 = %parallel_loop3A_150 to %parallel_loop3A_151 step %parallel_loop3A_152  : i32 {
          %parallel_loop3A_166 = arith.constant 16 : i32
          %parallel_loop3A_167 = arith.muli %parallel_loop3A_165, %parallel_loop3A_166 : i32
          %parallel_loop3A_168 = arith.index_cast %parallel_loop3A_167 : i32 to index
          %parallel_loop3A_169 = tpu.vector_load %arg8[%parallel_loop3A_168] {strides = array<i32>} : memref<3200xi32, #tpu.memory_space<vmem>>, vector<16xi32>,
          %parallel_loop3A_170 = arith.constant 0 : i32
          %parallel_loop3A_171 = vector.broadcast %parallel_loop3A_170 : i32 to vector<16xi32>
          %parallel_loop3A_172 = arith.addi %parallel_loop3A_169, %parallel_loop3A_171 : vector<16xi32>
          %parallel_loop3A_173 = tpu.vector_load_idx %arg15[%parallel_loop3A_172] : memref<8000xf32, #tpu.memory_space<vmem>>[vector<16xi32>], vector<16xf32>,
          %parallel_loop3A_174 = arith.constant 16 : i32
          %parallel_loop3A_175 = arith.muli %parallel_loop3A_165, %parallel_loop3A_174 : i32
          %parallel_loop3A_176 = arith.constant 0 : i32
          %parallel_loop3A_177 = arith.index_cast %parallel_loop3A_176 : i32 to index
          %parallel_loop3A_178 = arith.index_cast %parallel_loop3A_175 : i32 to index
          %parallel_loop3A_179 = tpu.vector_load %arg17[%parallel_loop3A_177, %parallel_loop3A_178] {strides = array<i32>} : memref<8x3200xf32, #tpu.memory_space<vmem>>, vector<16xf32>,
          tpu.vector_store %arg17[%parallel_loop3A_177, %parallel_loop3A_178], %parallel_loop3A_173 {strides = array<i32>} : memref<8x3200xf32, #tpu.memory_space<vmem>>, vector<16xf32>,
          %parallel_loop3A_180 = arith.constant 1000 : i32
          %parallel_loop3A_181 = vector.broadcast %parallel_loop3A_180 : i32 to vector<16xi32>
          %parallel_loop3A_182 = arith.addi %parallel_loop3A_169, %parallel_loop3A_181 : vector<16xi32>
          %parallel_loop3A_183 = tpu.vector_load_idx %arg15[%parallel_loop3A_182] : memref<8000xf32, #tpu.memory_space<vmem>>[vector<16xi32>], vector<16xf32>,
          %parallel_loop3A_184 = arith.constant 16 : i32
          %parallel_loop3A_185 = arith.muli %parallel_loop3A_165, %parallel_loop3A_184 : i32
          %parallel_loop3A_186 = arith.constant 1 : i32
          %parallel_loop3A_187 = arith.index_cast %parallel_loop3A_186 : i32 to index
          %parallel_loop3A_188 = arith.index_cast %parallel_loop3A_185 : i32 to index
          %parallel_loop3A_189 = tpu.vector_load %arg17[%parallel_loop3A_187, %parallel_loop3A_188] {strides = array<i32>} : memref<8x3200xf32, #tpu.memory_space<vmem>>, vector<16xf32>,
          tpu.vector_store %arg17[%parallel_loop3A_187, %parallel_loop3A_188], %parallel_loop3A_183 {strides = array<i32>} : memref<8x3200xf32, #tpu.memory_space<vmem>>, vector<16xf32>,
          %parallel_loop3A_190 = arith.constant 2000 : i32
          %parallel_loop3A_191 = vector.broadcast %parallel_loop3A_190 : i32 to vector<16xi32>
          %parallel_loop3A_192 = arith.addi %parallel_loop3A_169, %parallel_loop3A_191 : vector<16xi32>
          %parallel_loop3A_193 = tpu.vector_load_idx %arg15[%parallel_loop3A_192] : memref<8000xf32, #tpu.memory_space<vmem>>[vector<16xi32>], vector<16xf32>,
          %parallel_loop3A_194 = arith.constant 16 : i32
          %parallel_loop3A_195 = arith.muli %parallel_loop3A_165, %parallel_loop3A_194 : i32
          %parallel_loop3A_196 = arith.constant 2 : i32
          %parallel_loop3A_197 = arith.index_cast %parallel_loop3A_196 : i32 to index
          %parallel_loop3A_198 = arith.index_cast %parallel_loop3A_195 : i32 to index
          %parallel_loop3A_199 = tpu.vector_load %arg17[%parallel_loop3A_197, %parallel_loop3A_198] {strides = array<i32>} : memref<8x3200xf32, #tpu.memory_space<vmem>>, vector<16xf32>,
          tpu.vector_store %arg17[%parallel_loop3A_197, %parallel_loop3A_198], %parallel_loop3A_193 {strides = array<i32>} : memref<8x3200xf32, #tpu.memory_space<vmem>>, vector<16xf32>,
          %parallel_loop3A_200 = arith.constant 3000 : i32
          %parallel_loop3A_201 = vector.broadcast %parallel_loop3A_200 : i32 to vector<16xi32>
          %parallel_loop3A_202 = arith.addi %parallel_loop3A_169, %parallel_loop3A_201 : vector<16xi32>
          %parallel_loop3A_203 = tpu.vector_load_idx %arg15[%parallel_loop3A_202] : memref<8000xf32, #tpu.memory_space<vmem>>[vector<16xi32>], vector<16xf32>,
          %parallel_loop3A_204 = arith.constant 16 : i32
          %parallel_loop3A_205 = arith.muli %parallel_loop3A_165, %parallel_loop3A_204 : i32
          %parallel_loop3A_206 = arith.constant 3 : i32
          %parallel_loop3A_207 = arith.index_cast %parallel_loop3A_206 : i32 to index
          %parallel_loop3A_208 = arith.index_cast %parallel_loop3A_205 : i32 to index
          %parallel_loop3A_209 = tpu.vector_load %arg17[%parallel_loop3A_207, %parallel_loop3A_208] {strides = array<i32>} : memref<8x3200xf32, #tpu.memory_space<vmem>>, vector<16xf32>,
          tpu.vector_store %arg17[%parallel_loop3A_207, %parallel_loop3A_208], %parallel_loop3A_203 {strides = array<i32>} : memref<8x3200xf32, #tpu.memory_space<vmem>>, vector<16xf32>,
          %parallel_loop3A_210 = arith.constant 4000 : i32
          %parallel_loop3A_211 = vector.broadcast %parallel_loop3A_210 : i32 to vector<16xi32>
          %parallel_loop3A_212 = arith.addi %parallel_loop3A_169, %parallel_loop3A_211 : vector<16xi32>
          %parallel_loop3A_213 = tpu.vector_load_idx %arg15[%parallel_loop3A_212] : memref<8000xf32, #tpu.memory_space<vmem>>[vector<16xi32>], vector<16xf32>,
          %parallel_loop3A_214 = arith.constant 16 : i32
          %parallel_loop3A_215 = arith.muli %parallel_loop3A_165, %parallel_loop3A_214 : i32
          %parallel_loop3A_216 = arith.constant 4 : i32
          %parallel_loop3A_217 = arith.index_cast %parallel_loop3A_216 : i32 to index
          %parallel_loop3A_218 = arith.index_cast %parallel_loop3A_215 : i32 to index
          %parallel_loop3A_219 = tpu.vector_load %arg17[%parallel_loop3A_217, %parallel_loop3A_218] {strides = array<i32>} : memref<8x3200xf32, #tpu.memory_space<vmem>>, vector<16xf32>,
          tpu.vector_store %arg17[%parallel_loop3A_217, %parallel_loop3A_218], %parallel_loop3A_213 {strides = array<i32>} : memref<8x3200xf32, #tpu.memory_space<vmem>>, vector<16xf32>,
          %parallel_loop3A_220 = arith.constant 5000 : i32
          %parallel_loop3A_221 = vector.broadcast %parallel_loop3A_220 : i32 to vector<16xi32>
          %parallel_loop3A_222 = arith.addi %parallel_loop3A_169, %parallel_loop3A_221 : vector<16xi32>
          %parallel_loop3A_223 = tpu.vector_load_idx %arg15[%parallel_loop3A_222] : memref<8000xf32, #tpu.memory_space<vmem>>[vector<16xi32>], vector<16xf32>,
          %parallel_loop3A_224 = arith.constant 16 : i32
          %parallel_loop3A_225 = arith.muli %parallel_loop3A_165, %parallel_loop3A_224 : i32
          %parallel_loop3A_226 = arith.constant 5 : i32
          %parallel_loop3A_227 = arith.index_cast %parallel_loop3A_226 : i32 to index
          %parallel_loop3A_228 = arith.index_cast %parallel_loop3A_225 : i32 to index
          %parallel_loop3A_229 = tpu.vector_load %arg17[%parallel_loop3A_227, %parallel_loop3A_228] {strides = array<i32>} : memref<8x3200xf32, #tpu.memory_space<vmem>>, vector<16xf32>,
          tpu.vector_store %arg17[%parallel_loop3A_227, %parallel_loop3A_228], %parallel_loop3A_223 {strides = array<i32>} : memref<8x3200xf32, #tpu.memory_space<vmem>>, vector<16xf32>,
          %parallel_loop3A_230 = arith.constant 6000 : i32
          %parallel_loop3A_231 = vector.broadcast %parallel_loop3A_230 : i32 to vector<16xi32>
          %parallel_loop3A_232 = arith.addi %parallel_loop3A_169, %parallel_loop3A_231 : vector<16xi32>
          %parallel_loop3A_233 = tpu.vector_load_idx %arg15[%parallel_loop3A_232] : memref<8000xf32, #tpu.memory_space<vmem>>[vector<16xi32>], vector<16xf32>,
          %parallel_loop3A_234 = arith.constant 16 : i32
          %parallel_loop3A_235 = arith.muli %parallel_loop3A_165, %parallel_loop3A_234 : i32
          %parallel_loop3A_236 = arith.constant 6 : i32
          %parallel_loop3A_237 = arith.index_cast %parallel_loop3A_236 : i32 to index
          %parallel_loop3A_238 = arith.index_cast %parallel_loop3A_235 : i32 to index
          %parallel_loop3A_239 = tpu.vector_load %arg17[%parallel_loop3A_237, %parallel_loop3A_238] {strides = array<i32>} : memref<8x3200xf32, #tpu.memory_space<vmem>>, vector<16xf32>,
          tpu.vector_store %arg17[%parallel_loop3A_237, %parallel_loop3A_238], %parallel_loop3A_233 {strides = array<i32>} : memref<8x3200xf32, #tpu.memory_space<vmem>>, vector<16xf32>,
          %parallel_loop3A_240 = arith.constant 7000 : i32
          %parallel_loop3A_241 = vector.broadcast %parallel_loop3A_240 : i32 to vector<16xi32>
          %parallel_loop3A_242 = arith.addi %parallel_loop3A_169, %parallel_loop3A_241 : vector<16xi32>
          %parallel_loop3A_243 = tpu.vector_load_idx %arg15[%parallel_loop3A_242] : memref<8000xf32, #tpu.memory_space<vmem>>[vector<16xi32>], vector<16xf32>,
          %parallel_loop3A_244 = arith.constant 16 : i32
          %parallel_loop3A_245 = arith.muli %parallel_loop3A_165, %parallel_loop3A_244 : i32
          %parallel_loop3A_246 = arith.constant 7 : i32
          %parallel_loop3A_247 = arith.index_cast %parallel_loop3A_246 : i32 to index
          %parallel_loop3A_248 = arith.index_cast %parallel_loop3A_245 : i32 to index
          %parallel_loop3A_249 = tpu.vector_load %arg17[%parallel_loop3A_247, %parallel_loop3A_248] {strides = array<i32>} : memref<8x3200xf32, #tpu.memory_space<vmem>>, vector<16xf32>,
          tpu.vector_store %arg17[%parallel_loop3A_247, %parallel_loop3A_248], %parallel_loop3A_243 {strides = array<i32>} : memref<8x3200xf32, #tpu.memory_space<vmem>>, vector<16xf32>,
        } {sc.loop_unroll_factor = 8 : i64, sc.parallel_access}
        %mul3A_153 = arith.constant 8 : i32
        %mul3A_154 = arith.muli %add3A_104, %mul3A_153 : i32
        %add3A_155 = arith.constant 1536 : i32
        %add3A_156 = arith.addi %mul3A_4, %add3A_155 : i32
        %dma_start3A_157 = arith.constant 0 : i32
        %dma_start3A_158 = arith.constant 1536 : i32
        %dma_start3A_159 = tpu.memref_slice %arg17[%dma_start3A_157, %dma_start3A_158] : memref<8x3200xf32, #tpu.memory_space<vmem>> -> memref<8x1664xf32, #tpu.memory_space<vmem>>
        %dma_start3A_160 = tpu.memref_slice %arg6[%mul3A_154, %add3A_156] : memref<1000x51200xf32, #tpu.memory_space<hbm>> -> memref<8x1664xf32, #tpu.memory_space<hbm>>
        %dma_start3A_161 = tpu.memref_slice %arg6[%mul3A_154, %add3A_156] : memref<1000x51200xf32, #tpu.memory_space<hbm>> -> memref<8x1664xf32, #tpu.memory_space<hbm>>
        %dma_start3A_162 = arith.constant 0 : i32
        %dma_start3A_163 = arith.constant 1536 : i32
        %dma_start3A_164 = tpu.memref_slice %arg17[%dma_start3A_162, %dma_start3A_163] : memref<8x3200xf32, #tpu.memory_space<vmem>> -> memref<8x1664xf32, #tpu.memory_space<vmem>>
        tpu.enqueue_dma source(%dma_start3A_164 : memref<8x1664xf32, #tpu.memory_space<vmem>>) target(%dma_start3A_161 : memref<8x1664xf32, #tpu.memory_space<hbm>>) target_semaphore(%arg25 : memref<!tpu.dma_semaphore, #tpu.memory_space<semaphore_mem>>)
      } else {
      }
      %while3A_117 = arith.constant 0 : i32
      scf.yield %while3A_117 : i32
    }
    %while3A_36 = arith.constant 1 : i32
    %while3A_37 = scf.for %while3A_102 = %while3A_33 to %while3A_29 step %while3A_36 iter_args(%while3A_103 = %while3A_35) -> (i32)  : i32 {
      %add3A_104 = arith.addi %mul3A_6, %while3A_102 : i32
      %rem3A_105 = arith.constant 2 : i32
      %rem3A_106 = arith.remsi %while3A_102, %rem3A_105 : i32
      %eq3A_107 = arith.constant 0 : i32
      %eq3A_108 = arith.cmpi eq, %rem3A_106, %eq3A_107 : i32
      %convert_element_type3A = arith.extui %eq3A_108 : i1 to i32
      %cond3A = arith.constant 0 : i32
      %cond3A_109 = arith.cmpi ne, %convert_element_type3A, %cond3A : i32
      scf.if %cond3A_109 {
        %mul3A_118 = arith.constant 8000 : i32
        %mul3A_119 = arith.muli %add3A_104, %mul3A_118 : i32
        %dma_wait3A_120 = tpu.memref_slice %arg4[%mul3A_119] : memref<1000000xf32, #tpu.memory_space<hbm>> -> memref<8000xf32, #tpu.memory_space<hbm>>
        %dma_wait3A_121 = tpu.memref_slice %arg4[%mul3A_119] : memref<1000000xf32, #tpu.memory_space<hbm>> -> memref<8000xf32, #tpu.memory_space<hbm>>
        tpu.wait_dma2 semaphore(%arg20 : memref<!tpu.dma_semaphore, #tpu.memory_space<semaphore_mem>>) src(%dma_wait3A_121 : memref<8000xf32, #tpu.memory_space<hbm>>) dst(%arg14 : memref<8000xf32, #tpu.memory_space<vmem>>)
        %add3A_122 = arith.constant 1 : i32
        %add3A_123 = arith.addi %while3A_102, %add3A_122 : i32
        %lt3A = arith.cmpi slt, %add3A_123, %select_n3A : i32
        %convert_element_type3A_124 = arith.extui %lt3A : i1 to i32
        %cond3A_125 = arith.constant 0 : i32
        %cond3A_126 = arith.cmpi ne, %convert_element_type3A_124, %cond3A_125 : i32
        scf.if %cond3A_126 {
          %add3A_165 = arith.constant 1 : i32
          %add3A_166 = arith.addi %add3A_104, %add3A_165 : i32
          %mul3A_167 = arith.constant 8000 : i32
          %mul3A_168 = arith.muli %add3A_166, %mul3A_167 : i32
          %dma_start3A_169 = tpu.memref_slice %arg4[%mul3A_168] : memref<1000000xf32, #tpu.memory_space<hbm>> -> memref<8000xf32, #tpu.memory_space<hbm>>
          %dma_start3A_170 = tpu.memref_slice %arg4[%mul3A_168] : memref<1000000xf32, #tpu.memory_space<hbm>> -> memref<8000xf32, #tpu.memory_space<hbm>>
          tpu.enqueue_dma source(%dma_start3A_170 : memref<8000xf32, #tpu.memory_space<hbm>>) target(%arg15 : memref<8000xf32, #tpu.memory_space<vmem>>) target_semaphore(%arg21 : memref<!tpu.dma_semaphore, #tpu.memory_space<semaphore_mem>>)
        } else {
        }
        %ge3A = arith.constant 2 : i32
        %ge3A_127 = arith.cmpi sge, %while3A_102, %ge3A : i32
        %convert_element_type3A_128 = arith.extui %ge3A_127 : i1 to i32
        %cond3A_129 = arith.constant 0 : i32
        %cond3A_130 = arith.cmpi ne, %convert_element_type3A_128, %cond3A_129 : i32
        scf.if %cond3A_130 {
          %add3A_165 = arith.constant 0 : i32
          %add3A_166 = arith.addi %mul3A_4, %add3A_165 : i32
          %dma_wait3A_167 = arith.constant 0 : i32
          %dma_wait3A_168 = arith.constant 0 : i32
          %dma_wait3A_169 = tpu.memref_slice %arg16[%dma_wait3A_167, %dma_wait3A_168] : memref<8x3200xf32, #tpu.memory_space<vmem>> -> memref<8x1536xf32, #tpu.memory_space<vmem>>
          %dma_wait3A_170 = arith.constant 0 : i32
          %dma_wait3A_171 = tpu.memref_slice %arg6[%dma_wait3A_170, %add3A_166] : memref<1000x51200xf32, #tpu.memory_space<hbm>> -> memref<8x1536xf32, #tpu.memory_space<hbm>>
          %dma_wait3A_172 = arith.constant 0 : i32
          %dma_wait3A_173 = tpu.memref_slice %arg6[%dma_wait3A_172, %add3A_166] : memref<1000x51200xf32, #tpu.memory_space<hbm>> -> memref<8x1536xf32, #tpu.memory_space<hbm>>
          %dma_wait3A_174 = arith.constant 0 : i32
          %dma_wait3A_175 = arith.constant 0 : i32
          %dma_wait3A_176 = tpu.memref_slice %arg16[%dma_wait3A_174, %dma_wait3A_175] : memref<8x3200xf32, #tpu.memory_space<vmem>> -> memref<8x1536xf32, #tpu.memory_space<vmem>>
          tpu.wait_dma2 semaphore(%arg22 : memref<!tpu.dma_semaphore, #tpu.memory_space<semaphore_mem>>) src(%dma_wait3A_176 : memref<8x1536xf32, #tpu.memory_space<vmem>>) dst(%dma_wait3A_173 : memref<8x1536xf32, #tpu.memory_space<hbm>>)
        } else {
        }
        %parallel_loop3A = arith.constant 0 : i32
        %parallel_loop3A_131 = arith.constant 96 : i32
        %parallel_loop3A_132 = arith.constant 1 : i32
        scf.for %parallel_loop3A_165 = %parallel_loop3A to %parallel_loop3A_131 step %parallel_loop3A_132  : i32 {
          %parallel_loop3A_166 = arith.constant 16 : i32
          %parallel_loop3A_167 = arith.muli %parallel_loop3A_165, %parallel_loop3A_166 : i32
          %parallel_loop3A_168 = arith.index_cast %parallel_loop3A_167 : i32 to index
          %parallel_loop3A_169 = tpu.vector_load %arg8[%parallel_loop3A_168] {strides = array<i32>} : memref<3200xi32, #tpu.memory_space<vmem>>, vector<16xi32>,
          %parallel_loop3A_170 = arith.constant 0 : i32
          %parallel_loop3A_171 = vector.broadcast %parallel_loop3A_170 : i32 to vector<16xi32>
          %parallel_loop3A_172 = arith.addi %parallel_loop3A_169, %parallel_loop3A_171 : vector<16xi32>
          %parallel_loop3A_173 = tpu.vector_load_idx %arg14[%parallel_loop3A_172] : memref<8000xf32, #tpu.memory_space<vmem>>[vector<16xi32>], vector<16xf32>,
          %parallel_loop3A_174 = arith.constant 16 : i32
          %parallel_loop3A_175 = arith.muli %parallel_loop3A_165, %parallel_loop3A_174 : i32
          %parallel_loop3A_176 = arith.constant 0 : i32
          %parallel_loop3A_177 = arith.index_cast %parallel_loop3A_176 : i32 to index
          %parallel_loop3A_178 = arith.index_cast %parallel_loop3A_175 : i32 to index
          %parallel_loop3A_179 = tpu.vector_load %arg16[%parallel_loop3A_177, %parallel_loop3A_178] {strides = array<i32>} : memref<8x3200xf32, #tpu.memory_space<vmem>>, vector<16xf32>,
          tpu.vector_store %arg16[%parallel_loop3A_177, %parallel_loop3A_178], %parallel_loop3A_173 {strides = array<i32>} : memref<8x3200xf32, #tpu.memory_space<vmem>>, vector<16xf32>,
          %parallel_loop3A_180 = arith.constant 1000 : i32
          %parallel_loop3A_181 = vector.broadcast %parallel_loop3A_180 : i32 to vector<16xi32>
          %parallel_loop3A_182 = arith.addi %parallel_loop3A_169, %parallel_loop3A_181 : vector<16xi32>
          %parallel_loop3A_183 = tpu.vector_load_idx %arg14[%parallel_loop3A_182] : memref<8000xf32, #tpu.memory_space<vmem>>[vector<16xi32>], vector<16xf32>,
          %parallel_loop3A_184 = arith.constant 16 : i32
          %parallel_loop3A_185 = arith.muli %parallel_loop3A_165, %parallel_loop3A_184 : i32
          %parallel_loop3A_186 = arith.constant 1 : i32
          %parallel_loop3A_187 = arith.index_cast %parallel_loop3A_186 : i32 to index
          %parallel_loop3A_188 = arith.index_cast %parallel_loop3A_185 : i32 to index
          %parallel_loop3A_189 = tpu.vector_load %arg16[%parallel_loop3A_187, %parallel_loop3A_188] {strides = array<i32>} : memref<8x3200xf32, #tpu.memory_space<vmem>>, vector<16xf32>,
          tpu.vector_store %arg16[%parallel_loop3A_187, %parallel_loop3A_188], %parallel_loop3A_183 {strides = array<i32>} : memref<8x3200xf32, #tpu.memory_space<vmem>>, vector<16xf32>,
          %parallel_loop3A_190 = arith.constant 2000 : i32
          %parallel_loop3A_191 = vector.broadcast %parallel_loop3A_190 : i32 to vector<16xi32>
          %parallel_loop3A_192 = arith.addi %parallel_loop3A_169, %parallel_loop3A_191 : vector<16xi32>
          %parallel_loop3A_193 = tpu.vector_load_idx %arg14[%parallel_loop3A_192] : memref<8000xf32, #tpu.memory_space<vmem>>[vector<16xi32>], vector<16xf32>,
          %parallel_loop3A_194 = arith.constant 16 : i32
          %parallel_loop3A_195 = arith.muli %parallel_loop3A_165, %parallel_loop3A_194 : i32
          %parallel_loop3A_196 = arith.constant 2 : i32
          %parallel_loop3A_197 = arith.index_cast %parallel_loop3A_196 : i32 to index
          %parallel_loop3A_198 = arith.index_cast %parallel_loop3A_195 : i32 to index
          %parallel_loop3A_199 = tpu.vector_load %arg16[%parallel_loop3A_197, %parallel_loop3A_198] {strides = array<i32>} : memref<8x3200xf32, #tpu.memory_space<vmem>>, vector<16xf32>,
          tpu.vector_store %arg16[%parallel_loop3A_197, %parallel_loop3A_198], %parallel_loop3A_193 {strides = array<i32>} : memref<8x3200xf32, #tpu.memory_space<vmem>>, vector<16xf32>,
          %parallel_loop3A_200 = arith.constant 3000 : i32
          %parallel_loop3A_201 = vector.broadcast %parallel_loop3A_200 : i32 to vector<16xi32>
          %parallel_loop3A_202 = arith.addi %parallel_loop3A_169, %parallel_loop3A_201 : vector<16xi32>
          %parallel_loop3A_203 = tpu.vector_load_idx %arg14[%parallel_loop3A_202] : memref<8000xf32, #tpu.memory_space<vmem>>[vector<16xi32>], vector<16xf32>,
          %parallel_loop3A_204 = arith.constant 16 : i32
          %parallel_loop3A_205 = arith.muli %parallel_loop3A_165, %parallel_loop3A_204 : i32
          %parallel_loop3A_206 = arith.constant 3 : i32
          %parallel_loop3A_207 = arith.index_cast %parallel_loop3A_206 : i32 to index
          %parallel_loop3A_208 = arith.index_cast %parallel_loop3A_205 : i32 to index
          %parallel_loop3A_209 = tpu.vector_load %arg16[%parallel_loop3A_207, %parallel_loop3A_208] {strides = array<i32>} : memref<8x3200xf32, #tpu.memory_space<vmem>>, vector<16xf32>,
          tpu.vector_store %arg16[%parallel_loop3A_207, %parallel_loop3A_208], %parallel_loop3A_203 {strides = array<i32>} : memref<8x3200xf32, #tpu.memory_space<vmem>>, vector<16xf32>,
          %parallel_loop3A_210 = arith.constant 4000 : i32
          %parallel_loop3A_211 = vector.broadcast %parallel_loop3A_210 : i32 to vector<16xi32>
          %parallel_loop3A_212 = arith.addi %parallel_loop3A_169, %parallel_loop3A_211 : vector<16xi32>
          %parallel_loop3A_213 = tpu.vector_load_idx %arg14[%parallel_loop3A_212] : memref<8000xf32, #tpu.memory_space<vmem>>[vector<16xi32>], vector<16xf32>,
          %parallel_loop3A_214 = arith.constant 16 : i32
          %parallel_loop3A_215 = arith.muli %parallel_loop3A_165, %parallel_loop3A_214 : i32
          %parallel_loop3A_216 = arith.constant 4 : i32
          %parallel_loop3A_217 = arith.index_cast %parallel_loop3A_216 : i32 to index
          %parallel_loop3A_218 = arith.index_cast %parallel_loop3A_215 : i32 to index
          %parallel_loop3A_219 = tpu.vector_load %arg16[%parallel_loop3A_217, %parallel_loop3A_218] {strides = array<i32>} : memref<8x3200xf32, #tpu.memory_space<vmem>>, vector<16xf32>,
          tpu.vector_store %arg16[%parallel_loop3A_217, %parallel_loop3A_218], %parallel_loop3A_213 {strides = array<i32>} : memref<8x3200xf32, #tpu.memory_space<vmem>>, vector<16xf32>,
          %parallel_loop3A_220 = arith.constant 5000 : i32
          %parallel_loop3A_221 = vector.broadcast %parallel_loop3A_220 : i32 to vector<16xi32>
          %parallel_loop3A_222 = arith.addi %parallel_loop3A_169, %parallel_loop3A_221 : vector<16xi32>
          %parallel_loop3A_223 = tpu.vector_load_idx %arg14[%parallel_loop3A_222] : memref<8000xf32, #tpu.memory_space<vmem>>[vector<16xi32>], vector<16xf32>,
          %parallel_loop3A_224 = arith.constant 16 : i32
          %parallel_loop3A_225 = arith.muli %parallel_loop3A_165, %parallel_loop3A_224 : i32
          %parallel_loop3A_226 = arith.constant 5 : i32
          %parallel_loop3A_227 = arith.index_cast %parallel_loop3A_226 : i32 to index
          %parallel_loop3A_228 = arith.index_cast %parallel_loop3A_225 : i32 to index
          %parallel_loop3A_229 = tpu.vector_load %arg16[%parallel_loop3A_227, %parallel_loop3A_228] {strides = array<i32>} : memref<8x3200xf32, #tpu.memory_space<vmem>>, vector<16xf32>,
          tpu.vector_store %arg16[%parallel_loop3A_227, %parallel_loop3A_228], %parallel_loop3A_223 {strides = array<i32>} : memref<8x3200xf32, #tpu.memory_space<vmem>>, vector<16xf32>,
          %parallel_loop3A_230 = arith.constant 6000 : i32
          %parallel_loop3A_231 = vector.broadcast %parallel_loop3A_230 : i32 to vector<16xi32>
          %parallel_loop3A_232 = arith.addi %parallel_loop3A_169, %parallel_loop3A_231 : vector<16xi32>
          %parallel_loop3A_233 = tpu.vector_load_idx %arg14[%parallel_loop3A_232] : memref<8000xf32, #tpu.memory_space<vmem>>[vector<16xi32>], vector<16xf32>,
          %parallel_loop3A_234 = arith.constant 16 : i32
          %parallel_loop3A_235 = arith.muli %parallel_loop3A_165, %parallel_loop3A_234 : i32
          %parallel_loop3A_236 = arith.constant 6 : i32
          %parallel_loop3A_237 = arith.index_cast %parallel_loop3A_236 : i32 to index
          %parallel_loop3A_238 = arith.index_cast %parallel_loop3A_235 : i32 to index
          %parallel_loop3A_239 = tpu.vector_load %arg16[%parallel_loop3A_237, %parallel_loop3A_238] {strides = array<i32>} : memref<8x3200xf32, #tpu.memory_space<vmem>>, vector<16xf32>,
          tpu.vector_store %arg16[%parallel_loop3A_237, %parallel_loop3A_238], %parallel_loop3A_233 {strides = array<i32>} : memref<8x3200xf32, #tpu.memory_space<vmem>>, vector<16xf32>,
          %parallel_loop3A_240 = arith.constant 7000 : i32
          %parallel_loop3A_241 = vector.broadcast %parallel_loop3A_240 : i32 to vector<16xi32>
          %parallel_loop3A_242 = arith.addi %parallel_loop3A_169, %parallel_loop3A_241 : vector<16xi32>
          %parallel_loop3A_243 = tpu.vector_load_idx %arg14[%parallel_loop3A_242] : memref<8000xf32, #tpu.memory_space<vmem>>[vector<16xi32>], vector<16xf32>,
          %parallel_loop3A_244 = arith.constant 16 : i32
          %parallel_loop3A_245 = arith.muli %parallel_loop3A_165, %parallel_loop3A_244 : i32
          %parallel_loop3A_246 = arith.constant 7 : i32
          %parallel_loop3A_247 = arith.index_cast %parallel_loop3A_246 : i32 to index
          %parallel_loop3A_248 = arith.index_cast %parallel_loop3A_245 : i32 to index
          %parallel_loop3A_249 = tpu.vector_load %arg16[%parallel_loop3A_247, %parallel_loop3A_248] {strides = array<i32>} : memref<8x3200xf32, #tpu.memory_space<vmem>>, vector<16xf32>,
          tpu.vector_store %arg16[%parallel_loop3A_247, %parallel_loop3A_248], %parallel_loop3A_243 {strides = array<i32>} : memref<8x3200xf32, #tpu.memory_space<vmem>>, vector<16xf32>,
        } {sc.loop_unroll_factor = 8 : i64, sc.parallel_access}
        %mul3A_133 = arith.constant 8 : i32
        %mul3A_134 = arith.muli %add3A_104, %mul3A_133 : i32
        %add3A_135 = arith.constant 0 : i32
        %add3A_136 = arith.addi %mul3A_4, %add3A_135 : i32
        %dma_start3A_137 = arith.constant 0 : i32
        %dma_start3A_138 = arith.constant 0 : i32
        %dma_start3A_139 = tpu.memref_slice %arg16[%dma_start3A_137, %dma_start3A_138] : memref<8x3200xf32, #tpu.memory_space<vmem>> -> memref<8x1536xf32, #tpu.memory_space<vmem>>
        %dma_start3A_140 = tpu.memref_slice %arg6[%mul3A_134, %add3A_136] : memref<1000x51200xf32, #tpu.memory_space<hbm>> -> memref<8x1536xf32, #tpu.memory_space<hbm>>
        %dma_start3A_141 = tpu.memref_slice %arg6[%mul3A_134, %add3A_136] : memref<1000x51200xf32, #tpu.memory_space<hbm>> -> memref<8x1536xf32, #tpu.memory_space<hbm>>
        %dma_start3A_142 = arith.constant 0 : i32
        %dma_start3A_143 = arith.constant 0 : i32
        %dma_start3A_144 = tpu.memref_slice %arg16[%dma_start3A_142, %dma_start3A_143] : memref<8x3200xf32, #tpu.memory_space<vmem>> -> memref<8x1536xf32, #tpu.memory_space<vmem>>
        tpu.enqueue_dma source(%dma_start3A_144 : memref<8x1536xf32, #tpu.memory_space<vmem>>) target(%dma_start3A_141 : memref<8x1536xf32, #tpu.memory_space<hbm>>) target_semaphore(%arg22 : memref<!tpu.dma_semaphore, #tpu.memory_space<semaphore_mem>>)
        %ge3A_145 = arith.constant 2 : i32
        %ge3A_146 = arith.cmpi sge, %while3A_102, %ge3A_145 : i32
        %convert_element_type3A_147 = arith.extui %ge3A_146 : i1 to i32
        %cond3A_148 = arith.constant 0 : i32
        %cond3A_149 = arith.cmpi ne, %convert_element_type3A_147, %cond3A_148 : i32
        scf.if %cond3A_149 {
          %add3A_165 = arith.constant 1536 : i32
          %add3A_166 = arith.addi %mul3A_4, %add3A_165 : i32
          %dma_wait3A_167 = arith.constant 0 : i32
          %dma_wait3A_168 = arith.constant 1536 : i32
          %dma_wait3A_169 = tpu.memref_slice %arg16[%dma_wait3A_167, %dma_wait3A_168] : memref<8x3200xf32, #tpu.memory_space<vmem>> -> memref<8x1664xf32, #tpu.memory_space<vmem>>
          %dma_wait3A_170 = arith.constant 0 : i32
          %dma_wait3A_171 = tpu.memref_slice %arg6[%dma_wait3A_170, %add3A_166] : memref<1000x51200xf32, #tpu.memory_space<hbm>> -> memref<8x1664xf32, #tpu.memory_space<hbm>>
          %dma_wait3A_172 = arith.constant 0 : i32
          %dma_wait3A_173 = tpu.memref_slice %arg6[%dma_wait3A_172, %add3A_166] : memref<1000x51200xf32, #tpu.memory_space<hbm>> -> memref<8x1664xf32, #tpu.memory_space<hbm>>
          %dma_wait3A_174 = arith.constant 0 : i32
          %dma_wait3A_175 = arith.constant 1536 : i32
          %dma_wait3A_176 = tpu.memref_slice %arg16[%dma_wait3A_174, %dma_wait3A_175] : memref<8x3200xf32, #tpu.memory_space<vmem>> -> memref<8x1664xf32, #tpu.memory_space<vmem>>
          tpu.wait_dma2 semaphore(%arg23 : memref<!tpu.dma_semaphore, #tpu.memory_space<semaphore_mem>>) src(%dma_wait3A_176 : memref<8x1664xf32, #tpu.memory_space<vmem>>) dst(%dma_wait3A_173 : memref<8x1664xf32, #tpu.memory_space<hbm>>)
        } else {
        }
        %parallel_loop3A_150 = arith.constant 96 : i32
        %parallel_loop3A_151 = arith.constant 200 : i32
        %parallel_loop3A_152 = arith.constant 1 : i32
        scf.for %parallel_loop3A_165 = %parallel_loop3A_150 to %parallel_loop3A_151 step %parallel_loop3A_152  : i32 {
          %parallel_loop3A_166 = arith.constant 16 : i32
          %parallel_loop3A_167 = arith.muli %parallel_loop3A_165, %parallel_loop3A_166 : i32
          %parallel_loop3A_168 = arith.index_cast %parallel_loop3A_167 : i32 to index
          %parallel_loop3A_169 = tpu.vector_load %arg8[%parallel_loop3A_168] {strides = array<i32>} : memref<3200xi32, #tpu.memory_space<vmem>>, vector<16xi32>,
          %parallel_loop3A_170 = arith.constant 0 : i32
          %parallel_loop3A_171 = vector.broadcast %parallel_loop3A_170 : i32 to vector<16xi32>
          %parallel_loop3A_172 = arith.addi %parallel_loop3A_169, %parallel_loop3A_171 : vector<16xi32>
          %parallel_loop3A_173 = tpu.vector_load_idx %arg14[%parallel_loop3A_172] : memref<8000xf32, #tpu.memory_space<vmem>>[vector<16xi32>], vector<16xf32>,
          %parallel_loop3A_174 = arith.constant 16 : i32
          %parallel_loop3A_175 = arith.muli %parallel_loop3A_165, %parallel_loop3A_174 : i32
          %parallel_loop3A_176 = arith.constant 0 : i32
          %parallel_loop3A_177 = arith.index_cast %parallel_loop3A_176 : i32 to index
          %parallel_loop3A_178 = arith.index_cast %parallel_loop3A_175 : i32 to index
          %parallel_loop3A_179 = tpu.vector_load %arg16[%parallel_loop3A_177, %parallel_loop3A_178] {strides = array<i32>} : memref<8x3200xf32, #tpu.memory_space<vmem>>, vector<16xf32>,
          tpu.vector_store %arg16[%parallel_loop3A_177, %parallel_loop3A_178], %parallel_loop3A_173 {strides = array<i32>} : memref<8x3200xf32, #tpu.memory_space<vmem>>, vector<16xf32>,
          %parallel_loop3A_180 = arith.constant 1000 : i32
          %parallel_loop3A_181 = vector.broadcast %parallel_loop3A_180 : i32 to vector<16xi32>
          %parallel_loop3A_182 = arith.addi %parallel_loop3A_169, %parallel_loop3A_181 : vector<16xi32>
          %parallel_loop3A_183 = tpu.vector_load_idx %arg14[%parallel_loop3A_182] : memref<8000xf32, #tpu.memory_space<vmem>>[vector<16xi32>], vector<16xf32>,
          %parallel_loop3A_184 = arith.constant 16 : i32
          %parallel_loop3A_185 = arith.muli %parallel_loop3A_165, %parallel_loop3A_184 : i32
          %parallel_loop3A_186 = arith.constant 1 : i32
          %parallel_loop3A_187 = arith.index_cast %parallel_loop3A_186 : i32 to index
          %parallel_loop3A_188 = arith.index_cast %parallel_loop3A_185 : i32 to index
          %parallel_loop3A_189 = tpu.vector_load %arg16[%parallel_loop3A_187, %parallel_loop3A_188] {strides = array<i32>} : memref<8x3200xf32, #tpu.memory_space<vmem>>, vector<16xf32>,
          tpu.vector_store %arg16[%parallel_loop3A_187, %parallel_loop3A_188], %parallel_loop3A_183 {strides = array<i32>} : memref<8x3200xf32, #tpu.memory_space<vmem>>, vector<16xf32>,
          %parallel_loop3A_190 = arith.constant 2000 : i32
          %parallel_loop3A_191 = vector.broadcast %parallel_loop3A_190 : i32 to vector<16xi32>
          %parallel_loop3A_192 = arith.addi %parallel_loop3A_169, %parallel_loop3A_191 : vector<16xi32>
          %parallel_loop3A_193 = tpu.vector_load_idx %arg14[%parallel_loop3A_192] : memref<8000xf32, #tpu.memory_space<vmem>>[vector<16xi32>], vector<16xf32>,
          %parallel_loop3A_194 = arith.constant 16 : i32
          %parallel_loop3A_195 = arith.muli %parallel_loop3A_165, %parallel_loop3A_194 : i32
          %parallel_loop3A_196 = arith.constant 2 : i32
          %parallel_loop3A_197 = arith.index_cast %parallel_loop3A_196 : i32 to index
          %parallel_loop3A_198 = arith.index_cast %parallel_loop3A_195 : i32 to index
          %parallel_loop3A_199 = tpu.vector_load %arg16[%parallel_loop3A_197, %parallel_loop3A_198] {strides = array<i32>} : memref<8x3200xf32, #tpu.memory_space<vmem>>, vector<16xf32>,
          tpu.vector_store %arg16[%parallel_loop3A_197, %parallel_loop3A_198], %parallel_loop3A_193 {strides = array<i32>} : memref<8x3200xf32, #tpu.memory_space<vmem>>, vector<16xf32>,
          %parallel_loop3A_200 = arith.constant 3000 : i32
          %parallel_loop3A_201 = vector.broadcast %parallel_loop3A_200 : i32 to vector<16xi32>
          %parallel_loop3A_202 = arith.addi %parallel_loop3A_169, %parallel_loop3A_201 : vector<16xi32>
          %parallel_loop3A_203 = tpu.vector_load_idx %arg14[%parallel_loop3A_202] : memref<8000xf32, #tpu.memory_space<vmem>>[vector<16xi32>], vector<16xf32>,
          %parallel_loop3A_204 = arith.constant 16 : i32
          %parallel_loop3A_205 = arith.muli %parallel_loop3A_165, %parallel_loop3A_204 : i32
          %parallel_loop3A_206 = arith.constant 3 : i32
          %parallel_loop3A_207 = arith.index_cast %parallel_loop3A_206 : i32 to index
          %parallel_loop3A_208 = arith.index_cast %parallel_loop3A_205 : i32 to index
          %parallel_loop3A_209 = tpu.vector_load %arg16[%parallel_loop3A_207, %parallel_loop3A_208] {strides = array<i32>} : memref<8x3200xf32, #tpu.memory_space<vmem>>, vector<16xf32>,
          tpu.vector_store %arg16[%parallel_loop3A_207, %parallel_loop3A_208], %parallel_loop3A_203 {strides = array<i32>} : memref<8x3200xf32, #tpu.memory_space<vmem>>, vector<16xf32>,
          %parallel_loop3A_210 = arith.constant 4000 : i32
          %parallel_loop3A_211 = vector.broadcast %parallel_loop3A_210 : i32 to vector<16xi32>
          %parallel_loop3A_212 = arith.addi %parallel_loop3A_169, %parallel_loop3A_211 : vector<16xi32>
          %parallel_loop3A_213 = tpu.vector_load_idx %arg14[%parallel_loop3A_212] : memref<8000xf32, #tpu.memory_space<vmem>>[vector<16xi32>], vector<16xf32>,
          %parallel_loop3A_214 = arith.constant 16 : i32
          %parallel_loop3A_215 = arith.muli %parallel_loop3A_165, %parallel_loop3A_214 : i32
          %parallel_loop3A_216 = arith.constant 4 : i32
          %parallel_loop3A_217 = arith.index_cast %parallel_loop3A_216 : i32 to index
          %parallel_loop3A_218 = arith.index_cast %parallel_loop3A_215 : i32 to index
          %parallel_loop3A_219 = tpu.vector_load %arg16[%parallel_loop3A_217, %parallel_loop3A_218] {strides = array<i32>} : memref<8x3200xf32, #tpu.memory_space<vmem>>, vector<16xf32>,
          tpu.vector_store %arg16[%parallel_loop3A_217, %parallel_loop3A_218], %parallel_loop3A_213 {strides = array<i32>} : memref<8x3200xf32, #tpu.memory_space<vmem>>, vector<16xf32>,
          %parallel_loop3A_220 = arith.constant 5000 : i32
          %parallel_loop3A_221 = vector.broadcast %parallel_loop3A_220 : i32 to vector<16xi32>
          %parallel_loop3A_222 = arith.addi %parallel_loop3A_169, %parallel_loop3A_221 : vector<16xi32>
          %parallel_loop3A_223 = tpu.vector_load_idx %arg14[%parallel_loop3A_222] : memref<8000xf32, #tpu.memory_space<vmem>>[vector<16xi32>], vector<16xf32>,
          %parallel_loop3A_224 = arith.constant 16 : i32
          %parallel_loop3A_225 = arith.muli %parallel_loop3A_165, %parallel_loop3A_224 : i32
          %parallel_loop3A_226 = arith.constant 5 : i32
          %parallel_loop3A_227 = arith.index_cast %parallel_loop3A_226 : i32 to index
          %parallel_loop3A_228 = arith.index_cast %parallel_loop3A_225 : i32 to index
          %parallel_loop3A_229 = tpu.vector_load %arg16[%parallel_loop3A_227, %parallel_loop3A_228] {strides = array<i32>} : memref<8x3200xf32, #tpu.memory_space<vmem>>, vector<16xf32>,
          tpu.vector_store %arg16[%parallel_loop3A_227, %parallel_loop3A_228], %parallel_loop3A_223 {strides = array<i32>} : memref<8x3200xf32, #tpu.memory_space<vmem>>, vector<16xf32>,
          %parallel_loop3A_230 = arith.constant 6000 : i32
          %parallel_loop3A_231 = vector.broadcast %parallel_loop3A_230 : i32 to vector<16xi32>
          %parallel_loop3A_232 = arith.addi %parallel_loop3A_169, %parallel_loop3A_231 : vector<16xi32>
          %parallel_loop3A_233 = tpu.vector_load_idx %arg14[%parallel_loop3A_232] : memref<8000xf32, #tpu.memory_space<vmem>>[vector<16xi32>], vector<16xf32>,
          %parallel_loop3A_234 = arith.constant 16 : i32
          %parallel_loop3A_235 = arith.muli %parallel_loop3A_165, %parallel_loop3A_234 : i32
          %parallel_loop3A_236 = arith.constant 6 : i32
          %parallel_loop3A_237 = arith.index_cast %parallel_loop3A_236 : i32 to index
          %parallel_loop3A_238 = arith.index_cast %parallel_loop3A_235 : i32 to index
          %parallel_loop3A_239 = tpu.vector_load %arg16[%parallel_loop3A_237, %parallel_loop3A_238] {strides = array<i32>} : memref<8x3200xf32, #tpu.memory_space<vmem>>, vector<16xf32>,
          tpu.vector_store %arg16[%parallel_loop3A_237, %parallel_loop3A_238], %parallel_loop3A_233 {strides = array<i32>} : memref<8x3200xf32, #tpu.memory_space<vmem>>, vector<16xf32>,
          %parallel_loop3A_240 = arith.constant 7000 : i32
          %parallel_loop3A_241 = vector.broadcast %parallel_loop3A_240 : i32 to vector<16xi32>
          %parallel_loop3A_242 = arith.addi %parallel_loop3A_169, %parallel_loop3A_241 : vector<16xi32>
          %parallel_loop3A_243 = tpu.vector_load_idx %arg14[%parallel_loop3A_242] : memref<8000xf32, #tpu.memory_space<vmem>>[vector<16xi32>], vector<16xf32>,
          %parallel_loop3A_244 = arith.constant 16 : i32
          %parallel_loop3A_245 = arith.muli %parallel_loop3A_165, %parallel_loop3A_244 : i32
          %parallel_loop3A_246 = arith.constant 7 : i32
          %parallel_loop3A_247 = arith.index_cast %parallel_loop3A_246 : i32 to index
          %parallel_loop3A_248 = arith.index_cast %parallel_loop3A_245 : i32 to index
          %parallel_loop3A_249 = tpu.vector_load %arg16[%parallel_loop3A_247, %parallel_loop3A_248] {strides = array<i32>} : memref<8x3200xf32, #tpu.memory_space<vmem>>, vector<16xf32>,
          tpu.vector_store %arg16[%parallel_loop3A_247, %parallel_loop3A_248], %parallel_loop3A_243 {strides = array<i32>} : memref<8x3200xf32, #tpu.memory_space<vmem>>, vector<16xf32>,
        } {sc.loop_unroll_factor = 8 : i64, sc.parallel_access}
        %mul3A_153 = arith.constant 8 : i32
        %mul3A_154 = arith.muli %add3A_104, %mul3A_153 : i32
        %add3A_155 = arith.constant 1536 : i32
        %add3A_156 = arith.addi %mul3A_4, %add3A_155 : i32
        %dma_start3A_157 = arith.constant 0 : i32
        %dma_start3A_158 = arith.constant 1536 : i32
        %dma_start3A_159 = tpu.memref_slice %arg16[%dma_start3A_157, %dma_start3A_158] : memref<8x3200xf32, #tpu.memory_space<vmem>> -> memref<8x1664xf32, #tpu.memory_space<vmem>>
        %dma_start3A_160 = tpu.memref_slice %arg6[%mul3A_154, %add3A_156] : memref<1000x51200xf32, #tpu.memory_space<hbm>> -> memref<8x1664xf32, #tpu.memory_space<hbm>>
        %dma_start3A_161 = tpu.memref_slice %arg6[%mul3A_154, %add3A_156] : memref<1000x51200xf32, #tpu.memory_space<hbm>> -> memref<8x1664xf32, #tpu.memory_space<hbm>>
        %dma_start3A_162 = arith.constant 0 : i32
        %dma_start3A_163 = arith.constant 1536 : i32
        %dma_start3A_164 = tpu.memref_slice %arg16[%dma_start3A_162, %dma_start3A_163] : memref<8x3200xf32, #tpu.memory_space<vmem>> -> memref<8x1664xf32, #tpu.memory_space<vmem>>
        tpu.enqueue_dma source(%dma_start3A_164 : memref<8x1664xf32, #tpu.memory_space<vmem>>) target(%dma_start3A_161 : memref<8x1664xf32, #tpu.memory_space<hbm>>) target_semaphore(%arg23 : memref<!tpu.dma_semaphore, #tpu.memory_space<semaphore_mem>>)
      } else {
      }
      %rem3A_110 = arith.constant 2 : i32
      %rem3A_111 = arith.remsi %while3A_102, %rem3A_110 : i32
      %eq3A_112 = arith.constant 1 : i32
      %eq3A_113 = arith.cmpi eq, %rem3A_111, %eq3A_112 : i32
      %convert_element_type3A_114 = arith.extui %eq3A_113 : i1 to i32
      %cond3A_115 = arith.constant 0 : i32
      %cond3A_116 = arith.cmpi ne, %convert_element_type3A_114, %cond3A_115 : i32
      scf.if %cond3A_116 {
        %mul3A_118 = arith.constant 8000 : i32
        %mul3A_119 = arith.muli %add3A_104, %mul3A_118 : i32
        %dma_wait3A_120 = tpu.memref_slice %arg4[%mul3A_119] : memref<1000000xf32, #tpu.memory_space<hbm>> -> memref<8000xf32, #tpu.memory_space<hbm>>
        %dma_wait3A_121 = tpu.memref_slice %arg4[%mul3A_119] : memref<1000000xf32, #tpu.memory_space<hbm>> -> memref<8000xf32, #tpu.memory_space<hbm>>
        tpu.wait_dma2 semaphore(%arg21 : memref<!tpu.dma_semaphore, #tpu.memory_space<semaphore_mem>>) src(%dma_wait3A_121 : memref<8000xf32, #tpu.memory_space<hbm>>) dst(%arg15 : memref<8000xf32, #tpu.memory_space<vmem>>)
        %add3A_122 = arith.constant 1 : i32
        %add3A_123 = arith.addi %while3A_102, %add3A_122 : i32
        %lt3A = arith.cmpi slt, %add3A_123, %select_n3A : i32
        %convert_element_type3A_124 = arith.extui %lt3A : i1 to i32
        %cond3A_125 = arith.constant 0 : i32
        %cond3A_126 = arith.cmpi ne, %convert_element_type3A_124, %cond3A_125 : i32
        scf.if %cond3A_126 {
          %add3A_165 = arith.constant 1 : i32
          %add3A_166 = arith.addi %add3A_104, %add3A_165 : i32
          %mul3A_167 = arith.constant 8000 : i32
          %mul3A_168 = arith.muli %add3A_166, %mul3A_167 : i32
          %dma_start3A_169 = tpu.memref_slice %arg4[%mul3A_168] : memref<1000000xf32, #tpu.memory_space<hbm>> -> memref<8000xf32, #tpu.memory_space<hbm>>
          %dma_start3A_170 = tpu.memref_slice %arg4[%mul3A_168] : memref<1000000xf32, #tpu.memory_space<hbm>> -> memref<8000xf32, #tpu.memory_space<hbm>>
          tpu.enqueue_dma source(%dma_start3A_170 : memref<8000xf32, #tpu.memory_space<hbm>>) target(%arg14 : memref<8000xf32, #tpu.memory_space<vmem>>) target_semaphore(%arg20 : memref<!tpu.dma_semaphore, #tpu.memory_space<semaphore_mem>>)
        } else {
        }
        %ge3A = arith.constant 2 : i32
        %ge3A_127 = arith.cmpi sge, %while3A_102, %ge3A : i32
        %convert_element_type3A_128 = arith.extui %ge3A_127 : i1 to i32
        %cond3A_129 = arith.constant 0 : i32
        %cond3A_130 = arith.cmpi ne, %convert_element_type3A_128, %cond3A_129 : i32
        scf.if %cond3A_130 {
          %add3A_165 = arith.constant 0 : i32
          %add3A_166 = arith.addi %mul3A_4, %add3A_165 : i32
          %dma_wait3A_167 = arith.constant 0 : i32
          %dma_wait3A_168 = arith.constant 0 : i32
          %dma_wait3A_169 = tpu.memref_slice %arg17[%dma_wait3A_167, %dma_wait3A_168] : memref<8x3200xf32, #tpu.memory_space<vmem>> -> memref<8x1536xf32, #tpu.memory_space<vmem>>
          %dma_wait3A_170 = arith.constant 0 : i32
          %dma_wait3A_171 = tpu.memref_slice %arg6[%dma_wait3A_170, %add3A_166] : memref<1000x51200xf32, #tpu.memory_space<hbm>> -> memref<8x1536xf32, #tpu.memory_space<hbm>>
          %dma_wait3A_172 = arith.constant 0 : i32
          %dma_wait3A_173 = tpu.memref_slice %arg6[%dma_wait3A_172, %add3A_166] : memref<1000x51200xf32, #tpu.memory_space<hbm>> -> memref<8x1536xf32, #tpu.memory_space<hbm>>
          %dma_wait3A_174 = arith.constant 0 : i32
          %dma_wait3A_175 = arith.constant 0 : i32
          %dma_wait3A_176 = tpu.memref_slice %arg17[%dma_wait3A_174, %dma_wait3A_175] : memref<8x3200xf32, #tpu.memory_space<vmem>> -> memref<8x1536xf32, #tpu.memory_space<vmem>>
          tpu.wait_dma2 semaphore(%arg24 : memref<!tpu.dma_semaphore, #tpu.memory_space<semaphore_mem>>) src(%dma_wait3A_176 : memref<8x1536xf32, #tpu.memory_space<vmem>>) dst(%dma_wait3A_173 : memref<8x1536xf32, #tpu.memory_space<hbm>>)
        } else {
        }
        %parallel_loop3A = arith.constant 0 : i32
        %parallel_loop3A_131 = arith.constant 96 : i32
        %parallel_loop3A_132 = arith.constant 1 : i32
        scf.for %parallel_loop3A_165 = %parallel_loop3A to %parallel_loop3A_131 step %parallel_loop3A_132  : i32 {
          %parallel_loop3A_166 = arith.constant 16 : i32
          %parallel_loop3A_167 = arith.muli %parallel_loop3A_165, %parallel_loop3A_166 : i32
          %parallel_loop3A_168 = arith.index_cast %parallel_loop3A_167 : i32 to index
          %parallel_loop3A_169 = tpu.vector_load %arg8[%parallel_loop3A_168] {strides = array<i32>} : memref<3200xi32, #tpu.memory_space<vmem>>, vector<16xi32>,
          %parallel_loop3A_170 = arith.constant 0 : i32
          %parallel_loop3A_171 = vector.broadcast %parallel_loop3A_170 : i32 to vector<16xi32>
          %parallel_loop3A_172 = arith.addi %parallel_loop3A_169, %parallel_loop3A_171 : vector<16xi32>
          %parallel_loop3A_173 = tpu.vector_load_idx %arg15[%parallel_loop3A_172] : memref<8000xf32, #tpu.memory_space<vmem>>[vector<16xi32>], vector<16xf32>,
          %parallel_loop3A_174 = arith.constant 16 : i32
          %parallel_loop3A_175 = arith.muli %parallel_loop3A_165, %parallel_loop3A_174 : i32
          %parallel_loop3A_176 = arith.constant 0 : i32
          %parallel_loop3A_177 = arith.index_cast %parallel_loop3A_176 : i32 to index
          %parallel_loop3A_178 = arith.index_cast %parallel_loop3A_175 : i32 to index
          %parallel_loop3A_179 = tpu.vector_load %arg17[%parallel_loop3A_177, %parallel_loop3A_178] {strides = array<i32>} : memref<8x3200xf32, #tpu.memory_space<vmem>>, vector<16xf32>,
          tpu.vector_store %arg17[%parallel_loop3A_177, %parallel_loop3A_178], %parallel_loop3A_173 {strides = array<i32>} : memref<8x3200xf32, #tpu.memory_space<vmem>>, vector<16xf32>,
          %parallel_loop3A_180 = arith.constant 1000 : i32
          %parallel_loop3A_181 = vector.broadcast %parallel_loop3A_180 : i32 to vector<16xi32>
          %parallel_loop3A_182 = arith.addi %parallel_loop3A_169, %parallel_loop3A_181 : vector<16xi32>
          %parallel_loop3A_183 = tpu.vector_load_idx %arg15[%parallel_loop3A_182] : memref<8000xf32, #tpu.memory_space<vmem>>[vector<16xi32>], vector<16xf32>,
          %parallel_loop3A_184 = arith.constant 16 : i32
          %parallel_loop3A_185 = arith.muli %parallel_loop3A_165, %parallel_loop3A_184 : i32
          %parallel_loop3A_186 = arith.constant 1 : i32
          %parallel_loop3A_187 = arith.index_cast %parallel_loop3A_186 : i32 to index
          %parallel_loop3A_188 = arith.index_cast %parallel_loop3A_185 : i32 to index
          %parallel_loop3A_189 = tpu.vector_load %arg17[%parallel_loop3A_187, %parallel_loop3A_188] {strides = array<i32>} : memref<8x3200xf32, #tpu.memory_space<vmem>>, vector<16xf32>,
          tpu.vector_store %arg17[%parallel_loop3A_187, %parallel_loop3A_188], %parallel_loop3A_183 {strides = array<i32>} : memref<8x3200xf32, #tpu.memory_space<vmem>>, vector<16xf32>,
          %parallel_loop3A_190 = arith.constant 2000 : i32
          %parallel_loop3A_191 = vector.broadcast %parallel_loop3A_190 : i32 to vector<16xi32>
          %parallel_loop3A_192 = arith.addi %parallel_loop3A_169, %parallel_loop3A_191 : vector<16xi32>
          %parallel_loop3A_193 = tpu.vector_load_idx %arg15[%parallel_loop3A_192] : memref<8000xf32, #tpu.memory_space<vmem>>[vector<16xi32>], vector<16xf32>,
          %parallel_loop3A_194 = arith.constant 16 : i32
          %parallel_loop3A_195 = arith.muli %parallel_loop3A_165, %parallel_loop3A_194 : i32
          %parallel_loop3A_196 = arith.constant 2 : i32
          %parallel_loop3A_197 = arith.index_cast %parallel_loop3A_196 : i32 to index
          %parallel_loop3A_198 = arith.index_cast %parallel_loop3A_195 : i32 to index
          %parallel_loop3A_199 = tpu.vector_load %arg17[%parallel_loop3A_197, %parallel_loop3A_198] {strides = array<i32>} : memref<8x3200xf32, #tpu.memory_space<vmem>>, vector<16xf32>,
          tpu.vector_store %arg17[%parallel_loop3A_197, %parallel_loop3A_198], %parallel_loop3A_193 {strides = array<i32>} : memref<8x3200xf32, #tpu.memory_space<vmem>>, vector<16xf32>,
          %parallel_loop3A_200 = arith.constant 3000 : i32
          %parallel_loop3A_201 = vector.broadcast %parallel_loop3A_200 : i32 to vector<16xi32>
          %parallel_loop3A_202 = arith.addi %parallel_loop3A_169, %parallel_loop3A_201 : vector<16xi32>
          %parallel_loop3A_203 = tpu.vector_load_idx %arg15[%parallel_loop3A_202] : memref<8000xf32, #tpu.memory_space<vmem>>[vector<16xi32>], vector<16xf32>,
          %parallel_loop3A_204 = arith.constant 16 : i32
          %parallel_loop3A_205 = arith.muli %parallel_loop3A_165, %parallel_loop3A_204 : i32
          %parallel_loop3A_206 = arith.constant 3 : i32
          %parallel_loop3A_207 = arith.index_cast %parallel_loop3A_206 : i32 to index
          %parallel_loop3A_208 = arith.index_cast %parallel_loop3A_205 : i32 to index
          %parallel_loop3A_209 = tpu.vector_load %arg17[%parallel_loop3A_207, %parallel_loop3A_208] {strides = array<i32>} : memref<8x3200xf32, #tpu.memory_space<vmem>>, vector<16xf32>,
          tpu.vector_store %arg17[%parallel_loop3A_207, %parallel_loop3A_208], %parallel_loop3A_203 {strides = array<i32>} : memref<8x3200xf32, #tpu.memory_space<vmem>>, vector<16xf32>,
          %parallel_loop3A_210 = arith.constant 4000 : i32
          %parallel_loop3A_211 = vector.broadcast %parallel_loop3A_210 : i32 to vector<16xi32>
          %parallel_loop3A_212 = arith.addi %parallel_loop3A_169, %parallel_loop3A_211 : vector<16xi32>
          %parallel_loop3A_213 = tpu.vector_load_idx %arg15[%parallel_loop3A_212] : memref<8000xf32, #tpu.memory_space<vmem>>[vector<16xi32>], vector<16xf32>,
          %parallel_loop3A_214 = arith.constant 16 : i32
          %parallel_loop3A_215 = arith.muli %parallel_loop3A_165, %parallel_loop3A_214 : i32
          %parallel_loop3A_216 = arith.constant 4 : i32
          %parallel_loop3A_217 = arith.index_cast %parallel_loop3A_216 : i32 to index
          %parallel_loop3A_218 = arith.index_cast %parallel_loop3A_215 : i32 to index
          %parallel_loop3A_219 = tpu.vector_load %arg17[%parallel_loop3A_217, %parallel_loop3A_218] {strides = array<i32>} : memref<8x3200xf32, #tpu.memory_space<vmem>>, vector<16xf32>,
          tpu.vector_store %arg17[%parallel_loop3A_217, %parallel_loop3A_218], %parallel_loop3A_213 {strides = array<i32>} : memref<8x3200xf32, #tpu.memory_space<vmem>>, vector<16xf32>,
          %parallel_loop3A_220 = arith.constant 5000 : i32
          %parallel_loop3A_221 = vector.broadcast %parallel_loop3A_220 : i32 to vector<16xi32>
          %parallel_loop3A_222 = arith.addi %parallel_loop3A_169, %parallel_loop3A_221 : vector<16xi32>
          %parallel_loop3A_223 = tpu.vector_load_idx %arg15[%parallel_loop3A_222] : memref<8000xf32, #tpu.memory_space<vmem>>[vector<16xi32>], vector<16xf32>,
          %parallel_loop3A_224 = arith.constant 16 : i32
          %parallel_loop3A_225 = arith.muli %parallel_loop3A_165, %parallel_loop3A_224 : i32
          %parallel_loop3A_226 = arith.constant 5 : i32
          %parallel_loop3A_227 = arith.index_cast %parallel_loop3A_226 : i32 to index
          %parallel_loop3A_228 = arith.index_cast %parallel_loop3A_225 : i32 to index
          %parallel_loop3A_229 = tpu.vector_load %arg17[%parallel_loop3A_227, %parallel_loop3A_228] {strides = array<i32>} : memref<8x3200xf32, #tpu.memory_space<vmem>>, vector<16xf32>,
          tpu.vector_store %arg17[%parallel_loop3A_227, %parallel_loop3A_228], %parallel_loop3A_223 {strides = array<i32>} : memref<8x3200xf32, #tpu.memory_space<vmem>>, vector<16xf32>,
          %parallel_loop3A_230 = arith.constant 6000 : i32
          %parallel_loop3A_231 = vector.broadcast %parallel_loop3A_230 : i32 to vector<16xi32>
          %parallel_loop3A_232 = arith.addi %parallel_loop3A_169, %parallel_loop3A_231 : vector<16xi32>
          %parallel_loop3A_233 = tpu.vector_load_idx %arg15[%parallel_loop3A_232] : memref<8000xf32, #tpu.memory_space<vmem>>[vector<16xi32>], vector<16xf32>,
          %parallel_loop3A_234 = arith.constant 16 : i32
          %parallel_loop3A_235 = arith.muli %parallel_loop3A_165, %parallel_loop3A_234 : i32
          %parallel_loop3A_236 = arith.constant 6 : i32
          %parallel_loop3A_237 = arith.index_cast %parallel_loop3A_236 : i32 to index
          %parallel_loop3A_238 = arith.index_cast %parallel_loop3A_235 : i32 to index
          %parallel_loop3A_239 = tpu.vector_load %arg17[%parallel_loop3A_237, %parallel_loop3A_238] {strides = array<i32>} : memref<8x3200xf32, #tpu.memory_space<vmem>>, vector<16xf32>,
          tpu.vector_store %arg17[%parallel_loop3A_237, %parallel_loop3A_238], %parallel_loop3A_233 {strides = array<i32>} : memref<8x3200xf32, #tpu.memory_space<vmem>>, vector<16xf32>,
          %parallel_loop3A_240 = arith.constant 7000 : i32
          %parallel_loop3A_241 = vector.broadcast %parallel_loop3A_240 : i32 to vector<16xi32>
          %parallel_loop3A_242 = arith.addi %parallel_loop3A_169, %parallel_loop3A_241 : vector<16xi32>
          %parallel_loop3A_243 = tpu.vector_load_idx %arg15[%parallel_loop3A_242] : memref<8000xf32, #tpu.memory_space<vmem>>[vector<16xi32>], vector<16xf32>,
          %parallel_loop3A_244 = arith.constant 16 : i32
          %parallel_loop3A_245 = arith.muli %parallel_loop3A_165, %parallel_loop3A_244 : i32
          %parallel_loop3A_246 = arith.constant 7 : i32
          %parallel_loop3A_247 = arith.index_cast %parallel_loop3A_246 : i32 to index
          %parallel_loop3A_248 = arith.index_cast %parallel_loop3A_245 : i32 to index
          %parallel_loop3A_249 = tpu.vector_load %arg17[%parallel_loop3A_247, %parallel_loop3A_248] {strides = array<i32>} : memref<8x3200xf32, #tpu.memory_space<vmem>>, vector<16xf32>,
          tpu.vector_store %arg17[%parallel_loop3A_247, %parallel_loop3A_248], %parallel_loop3A_243 {strides = array<i32>} : memref<8x3200xf32, #tpu.memory_space<vmem>>, vector<16xf32>,
        } {sc.loop_unroll_factor = 8 : i64, sc.parallel_access}
        %mul3A_133 = arith.constant 8 : i32
        %mul3A_134 = arith.muli %add3A_104, %mul3A_133 : i32
        %add3A_135 = arith.constant 0 : i32
        %add3A_136 = arith.addi %mul3A_4, %add3A_135 : i32
        %dma_start3A_137 = arith.constant 0 : i32
        %dma_start3A_138 = arith.constant 0 : i32
        %dma_start3A_139 = tpu.memref_slice %arg17[%dma_start3A_137, %dma_start3A_138] : memref<8x3200xf32, #tpu.memory_space<vmem>> -> memref<8x1536xf32, #tpu.memory_space<vmem>>
        %dma_start3A_140 = tpu.memref_slice %arg6[%mul3A_134, %add3A_136] : memref<1000x51200xf32, #tpu.memory_space<hbm>> -> memref<8x1536xf32, #tpu.memory_space<hbm>>
        %dma_start3A_141 = tpu.memref_slice %arg6[%mul3A_134, %add3A_136] : memref<1000x51200xf32, #tpu.memory_space<hbm>> -> memref<8x1536xf32, #tpu.memory_space<hbm>>
        %dma_start3A_142 = arith.constant 0 : i32
        %dma_start3A_143 = arith.constant 0 : i32
        %dma_start3A_144 = tpu.memref_slice %arg17[%dma_start3A_142, %dma_start3A_143] : memref<8x3200xf32, #tpu.memory_space<vmem>> -> memref<8x1536xf32, #tpu.memory_space<vmem>>
        tpu.enqueue_dma source(%dma_start3A_144 : memref<8x1536xf32, #tpu.memory_space<vmem>>) target(%dma_start3A_141 : memref<8x1536xf32, #tpu.memory_space<hbm>>) target_semaphore(%arg24 : memref<!tpu.dma_semaphore, #tpu.memory_space<semaphore_mem>>)
        %ge3A_145 = arith.constant 2 : i32
        %ge3A_146 = arith.cmpi sge, %while3A_102, %ge3A_145 : i32
        %convert_element_type3A_147 = arith.extui %ge3A_146 : i1 to i32
        %cond3A_148 = arith.constant 0 : i32
        %cond3A_149 = arith.cmpi ne, %convert_element_type3A_147, %cond3A_148 : i32
        scf.if %cond3A_149 {
          %add3A_165 = arith.constant 1536 : i32
          %add3A_166 = arith.addi %mul3A_4, %add3A_165 : i32
          %dma_wait3A_167 = arith.constant 0 : i32
          %dma_wait3A_168 = arith.constant 1536 : i32
          %dma_wait3A_169 = tpu.memref_slice %arg17[%dma_wait3A_167, %dma_wait3A_168] : memref<8x3200xf32, #tpu.memory_space<vmem>> -> memref<8x1664xf32, #tpu.memory_space<vmem>>
          %dma_wait3A_170 = arith.constant 0 : i32
          %dma_wait3A_171 = tpu.memref_slice %arg6[%dma_wait3A_170, %add3A_166] : memref<1000x51200xf32, #tpu.memory_space<hbm>> -> memref<8x1664xf32, #tpu.memory_space<hbm>>
          %dma_wait3A_172 = arith.constant 0 : i32
          %dma_wait3A_173 = tpu.memref_slice %arg6[%dma_wait3A_172, %add3A_166] : memref<1000x51200xf32, #tpu.memory_space<hbm>> -> memref<8x1664xf32, #tpu.memory_space<hbm>>
          %dma_wait3A_174 = arith.constant 0 : i32
          %dma_wait3A_175 = arith.constant 1536 : i32
          %dma_wait3A_176 = tpu.memref_slice %arg17[%dma_wait3A_174, %dma_wait3A_175] : memref<8x3200xf32, #tpu.memory_space<vmem>> -> memref<8x1664xf32, #tpu.memory_space<vmem>>
          tpu.wait_dma2 semaphore(%arg25 : memref<!tpu.dma_semaphore, #tpu.memory_space<semaphore_mem>>) src(%dma_wait3A_176 : memref<8x1664xf32, #tpu.memory_space<vmem>>) dst(%dma_wait3A_173 : memref<8x1664xf32, #tpu.memory_space<hbm>>)
        } else {
        }
        %parallel_loop3A_150 = arith.constant 96 : i32
        %parallel_loop3A_151 = arith.constant 200 : i32
        %parallel_loop3A_152 = arith.constant 1 : i32
        scf.for %parallel_loop3A_165 = %parallel_loop3A_150 to %parallel_loop3A_151 step %parallel_loop3A_152  : i32 {
          %parallel_loop3A_166 = arith.constant 16 : i32
          %parallel_loop3A_167 = arith.muli %parallel_loop3A_165, %parallel_loop3A_166 : i32
          %parallel_loop3A_168 = arith.index_cast %parallel_loop3A_167 : i32 to index
          %parallel_loop3A_169 = tpu.vector_load %arg8[%parallel_loop3A_168] {strides = array<i32>} : memref<3200xi32, #tpu.memory_space<vmem>>, vector<16xi32>,
          %parallel_loop3A_170 = arith.constant 0 : i32
          %parallel_loop3A_171 = vector.broadcast %parallel_loop3A_170 : i32 to vector<16xi32>
          %parallel_loop3A_172 = arith.addi %parallel_loop3A_169, %parallel_loop3A_171 : vector<16xi32>
          %parallel_loop3A_173 = tpu.vector_load_idx %arg15[%parallel_loop3A_172] : memref<8000xf32, #tpu.memory_space<vmem>>[vector<16xi32>], vector<16xf32>,
          %parallel_loop3A_174 = arith.constant 16 : i32
          %parallel_loop3A_175 = arith.muli %parallel_loop3A_165, %parallel_loop3A_174 : i32
          %parallel_loop3A_176 = arith.constant 0 : i32
          %parallel_loop3A_177 = arith.index_cast %parallel_loop3A_176 : i32 to index
          %parallel_loop3A_178 = arith.index_cast %parallel_loop3A_175 : i32 to index
          %parallel_loop3A_179 = tpu.vector_load %arg17[%parallel_loop3A_177, %parallel_loop3A_178] {strides = array<i32>} : memref<8x3200xf32, #tpu.memory_space<vmem>>, vector<16xf32>,
          tpu.vector_store %arg17[%parallel_loop3A_177, %parallel_loop3A_178], %parallel_loop3A_173 {strides = array<i32>} : memref<8x3200xf32, #tpu.memory_space<vmem>>, vector<16xf32>,
          %parallel_loop3A_180 = arith.constant 1000 : i32
          %parallel_loop3A_181 = vector.broadcast %parallel_loop3A_180 : i32 to vector<16xi32>
          %parallel_loop3A_182 = arith.addi %parallel_loop3A_169, %parallel_loop3A_181 : vector<16xi32>
          %parallel_loop3A_183 = tpu.vector_load_idx %arg15[%parallel_loop3A_182] : memref<8000xf32, #tpu.memory_space<vmem>>[vector<16xi32>], vector<16xf32>,
          %parallel_loop3A_184 = arith.constant 16 : i32
          %parallel_loop3A_185 = arith.muli %parallel_loop3A_165, %parallel_loop3A_184 : i32
          %parallel_loop3A_186 = arith.constant 1 : i32
          %parallel_loop3A_187 = arith.index_cast %parallel_loop3A_186 : i32 to index
          %parallel_loop3A_188 = arith.index_cast %parallel_loop3A_185 : i32 to index
          %parallel_loop3A_189 = tpu.vector_load %arg17[%parallel_loop3A_187, %parallel_loop3A_188] {strides = array<i32>} : memref<8x3200xf32, #tpu.memory_space<vmem>>, vector<16xf32>,
          tpu.vector_store %arg17[%parallel_loop3A_187, %parallel_loop3A_188], %parallel_loop3A_183 {strides = array<i32>} : memref<8x3200xf32, #tpu.memory_space<vmem>>, vector<16xf32>,
          %parallel_loop3A_190 = arith.constant 2000 : i32
          %parallel_loop3A_191 = vector.broadcast %parallel_loop3A_190 : i32 to vector<16xi32>
          %parallel_loop3A_192 = arith.addi %parallel_loop3A_169, %parallel_loop3A_191 : vector<16xi32>
          %parallel_loop3A_193 = tpu.vector_load_idx %arg15[%parallel_loop3A_192] : memref<8000xf32, #tpu.memory_space<vmem>>[vector<16xi32>], vector<16xf32>,
          %parallel_loop3A_194 = arith.constant 16 : i32
          %parallel_loop3A_195 = arith.muli %parallel_loop3A_165, %parallel_loop3A_194 : i32
          %parallel_loop3A_196 = arith.constant 2 : i32
          %parallel_loop3A_197 = arith.index_cast %parallel_loop3A_196 : i32 to index
          %parallel_loop3A_198 = arith.index_cast %parallel_loop3A_195 : i32 to index
          %parallel_loop3A_199 = tpu.vector_load %arg17[%parallel_loop3A_197, %parallel_loop3A_198] {strides = array<i32>} : memref<8x3200xf32, #tpu.memory_space<vmem>>, vector<16xf32>,
          tpu.vector_store %arg17[%parallel_loop3A_197, %parallel_loop3A_198], %parallel_loop3A_193 {strides = array<i32>} : memref<8x3200xf32, #tpu.memory_space<vmem>>, vector<16xf32>,
          %parallel_loop3A_200 = arith.constant 3000 : i32
          %parallel_loop3A_201 = vector.broadcast %parallel_loop3A_200 : i32 to vector<16xi32>
          %parallel_loop3A_202 = arith.addi %parallel_loop3A_169, %parallel_loop3A_201 : vector<16xi32>
          %parallel_loop3A_203 = tpu.vector_load_idx %arg15[%parallel_loop3A_202] : memref<8000xf32, #tpu.memory_space<vmem>>[vector<16xi32>], vector<16xf32>,
          %parallel_loop3A_204 = arith.constant 16 : i32
          %parallel_loop3A_205 = arith.muli %parallel_loop3A_165, %parallel_loop3A_204 : i32
          %parallel_loop3A_206 = arith.constant 3 : i32
          %parallel_loop3A_207 = arith.index_cast %parallel_loop3A_206 : i32 to index
          %parallel_loop3A_208 = arith.index_cast %parallel_loop3A_205 : i32 to index
          %parallel_loop3A_209 = tpu.vector_load %arg17[%parallel_loop3A_207, %parallel_loop3A_208] {strides = array<i32>} : memref<8x3200xf32, #tpu.memory_space<vmem>>, vector<16xf32>,
          tpu.vector_store %arg17[%parallel_loop3A_207, %parallel_loop3A_208], %parallel_loop3A_203 {strides = array<i32>} : memref<8x3200xf32, #tpu.memory_space<vmem>>, vector<16xf32>,
          %parallel_loop3A_210 = arith.constant 4000 : i32
          %parallel_loop3A_211 = vector.broadcast %parallel_loop3A_210 : i32 to vector<16xi32>
          %parallel_loop3A_212 = arith.addi %parallel_loop3A_169, %parallel_loop3A_211 : vector<16xi32>
          %parallel_loop3A_213 = tpu.vector_load_idx %arg15[%parallel_loop3A_212] : memref<8000xf32, #tpu.memory_space<vmem>>[vector<16xi32>], vector<16xf32>,
          %parallel_loop3A_214 = arith.constant 16 : i32
          %parallel_loop3A_215 = arith.muli %parallel_loop3A_165, %parallel_loop3A_214 : i32
          %parallel_loop3A_216 = arith.constant 4 : i32
          %parallel_loop3A_217 = arith.index_cast %parallel_loop3A_216 : i32 to index
          %parallel_loop3A_218 = arith.index_cast %parallel_loop3A_215 : i32 to index
          %parallel_loop3A_219 = tpu.vector_load %arg17[%parallel_loop3A_217, %parallel_loop3A_218] {strides = array<i32>} : memref<8x3200xf32, #tpu.memory_space<vmem>>, vector<16xf32>,
          tpu.vector_store %arg17[%parallel_loop3A_217, %parallel_loop3A_218], %parallel_loop3A_213 {strides = array<i32>} : memref<8x3200xf32, #tpu.memory_space<vmem>>, vector<16xf32>,
          %parallel_loop3A_220 = arith.constant 5000 : i32
          %parallel_loop3A_221 = vector.broadcast %parallel_loop3A_220 : i32 to vector<16xi32>
          %parallel_loop3A_222 = arith.addi %parallel_loop3A_169, %parallel_loop3A_221 : vector<16xi32>
          %parallel_loop3A_223 = tpu.vector_load_idx %arg15[%parallel_loop3A_222] : memref<8000xf32, #tpu.memory_space<vmem>>[vector<16xi32>], vector<16xf32>,
          %parallel_loop3A_224 = arith.constant 16 : i32
          %parallel_loop3A_225 = arith.muli %parallel_loop3A_165, %parallel_loop3A_224 : i32
          %parallel_loop3A_226 = arith.constant 5 : i32
          %parallel_loop3A_227 = arith.index_cast %parallel_loop3A_226 : i32 to index
          %parallel_loop3A_228 = arith.index_cast %parallel_loop3A_225 : i32 to index
          %parallel_loop3A_229 = tpu.vector_load %arg17[%parallel_loop3A_227, %parallel_loop3A_228] {strides = array<i32>} : memref<8x3200xf32, #tpu.memory_space<vmem>>, vector<16xf32>,
          tpu.vector_store %arg17[%parallel_loop3A_227, %parallel_loop3A_228], %parallel_loop3A_223 {strides = array<i32>} : memref<8x3200xf32, #tpu.memory_space<vmem>>, vector<16xf32>,
          %parallel_loop3A_230 = arith.constant 6000 : i32
          %parallel_loop3A_231 = vector.broadcast %parallel_loop3A_230 : i32 to vector<16xi32>
          %parallel_loop3A_232 = arith.addi %parallel_loop3A_169, %parallel_loop3A_231 : vector<16xi32>
          %parallel_loop3A_233 = tpu.vector_load_idx %arg15[%parallel_loop3A_232] : memref<8000xf32, #tpu.memory_space<vmem>>[vector<16xi32>], vector<16xf32>,
          %parallel_loop3A_234 = arith.constant 16 : i32
          %parallel_loop3A_235 = arith.muli %parallel_loop3A_165, %parallel_loop3A_234 : i32
          %parallel_loop3A_236 = arith.constant 6 : i32
          %parallel_loop3A_237 = arith.index_cast %parallel_loop3A_236 : i32 to index
          %parallel_loop3A_238 = arith.index_cast %parallel_loop3A_235 : i32 to index
          %parallel_loop3A_239 = tpu.vector_load %arg17[%parallel_loop3A_237, %parallel_loop3A_238] {strides = array<i32>} : memref<8x3200xf32, #tpu.memory_space<vmem>>, vector<16xf32>,
          tpu.vector_store %arg17[%parallel_loop3A_237, %parallel_loop3A_238], %parallel_loop3A_233 {strides = array<i32>} : memref<8x3200xf32, #tpu.memory_space<vmem>>, vector<16xf32>,
          %parallel_loop3A_240 = arith.constant 7000 : i32
          %parallel_loop3A_241 = vector.broadcast %parallel_loop3A_240 : i32 to vector<16xi32>
          %parallel_loop3A_242 = arith.addi %parallel_loop3A_169, %parallel_loop3A_241 : vector<16xi32>
          %parallel_loop3A_243 = tpu.vector_load_idx %arg15[%parallel_loop3A_242] : memref<8000xf32, #tpu.memory_space<vmem>>[vector<16xi32>], vector<16xf32>,
          %parallel_loop3A_244 = arith.constant 16 : i32
          %parallel_loop3A_245 = arith.muli %parallel_loop3A_165, %parallel_loop3A_244 : i32
          %parallel_loop3A_246 = arith.constant 7 : i32
          %parallel_loop3A_247 = arith.index_cast %parallel_loop3A_246 : i32 to index
          %parallel_loop3A_248 = arith.index_cast %parallel_loop3A_245 : i32 to index
          %parallel_loop3A_249 = tpu.vector_load %arg17[%parallel_loop3A_247, %parallel_loop3A_248] {strides = array<i32>} : memref<8x3200xf32, #tpu.memory_space<vmem>>, vector<16xf32>,
          tpu.vector_store %arg17[%parallel_loop3A_247, %parallel_loop3A_248], %parallel_loop3A_243 {strides = array<i32>} : memref<8x3200xf32, #tpu.memory_space<vmem>>, vector<16xf32>,
        } {sc.loop_unroll_factor = 8 : i64, sc.parallel_access}
        %mul3A_153 = arith.constant 8 : i32
        %mul3A_154 = arith.muli %add3A_104, %mul3A_153 : i32
        %add3A_155 = arith.constant 1536 : i32
        %add3A_156 = arith.addi %mul3A_4, %add3A_155 : i32
        %dma_start3A_157 = arith.constant 0 : i32
        %dma_start3A_158 = arith.constant 1536 : i32
        %dma_start3A_159 = tpu.memref_slice %arg17[%dma_start3A_157, %dma_start3A_158] : memref<8x3200xf32, #tpu.memory_space<vmem>> -> memref<8x1664xf32, #tpu.memory_space<vmem>>
        %dma_start3A_160 = tpu.memref_slice %arg6[%mul3A_154, %add3A_156] : memref<1000x51200xf32, #tpu.memory_space<hbm>> -> memref<8x1664xf32, #tpu.memory_space<hbm>>
        %dma_start3A_161 = tpu.memref_slice %arg6[%mul3A_154, %add3A_156] : memref<1000x51200xf32, #tpu.memory_space<hbm>> -> memref<8x1664xf32, #tpu.memory_space<hbm>>
        %dma_start3A_162 = arith.constant 0 : i32
        %dma_start3A_163 = arith.constant 1536 : i32
        %dma_start3A_164 = tpu.memref_slice %arg17[%dma_start3A_162, %dma_start3A_163] : memref<8x3200xf32, #tpu.memory_space<vmem>> -> memref<8x1664xf32, #tpu.memory_space<vmem>>
        tpu.enqueue_dma source(%dma_start3A_164 : memref<8x1664xf32, #tpu.memory_space<vmem>>) target(%dma_start3A_161 : memref<8x1664xf32, #tpu.memory_space<hbm>>) target_semaphore(%arg25 : memref<!tpu.dma_semaphore, #tpu.memory_space<semaphore_mem>>)
      } else {
      }
      %while3A_117 = arith.constant 0 : i32
      scf.yield %while3A_117 : i32
    }
    %scan3A_38 = arith.constant 0 : i32
    %scan3A_39 = arith.constant 0 : i32
    %scan3A_40 = arith.constant 25 : i32
    %scan3A_41 = arith.addi %scan3A_39, %scan3A_40 : i32
    %scan3A_42 = arith.constant 1 : i32
    %scan3A_43 = scf.for %scan3A_102 = %scan3A_39 to %scan3A_41 step %scan3A_42 iter_args(%scan3A_103 = %scan3A_38) -> (i32)  : i32 {
      %mul3A_104 = arith.constant 64 : i32
      %mul3A_105 = arith.muli %scan3A_102, %mul3A_104 : i32
      %dma_wait3A_106 = tpu.memref_slice %arg12[%mul3A_105] : memref<1600xf32, #tpu.memory_space<vmem>> -> memref<64xf32, #tpu.memory_space<vmem>>
      %dma_wait3A_107 = tpu.memref_slice %arg11[%mul3A_105] : memref<1600xi32, #tpu.memory_space<vmem>> -> memref<64xi32, #tpu.memory_space<vmem>>
      %dma_wait3A_108 = arith.constant 0 : i32
      %dma_wait3A_109 = tpu.memref_slice %arg4[%dma_wait3A_108] : memref<1000000xf32, #tpu.memory_space<hbm>> -> memref<1000000xf32, #tpu.memory_space<hbm>>
      tpu.wait_indirect_dma semaphore(%arg19 : memref<!tpu.dma_semaphore, #tpu.memory_space<semaphore_mem>>) src(%dma_wait3A_109 : memref<1000000xf32, #tpu.memory_space<hbm>>) dst(%dma_wait3A_106 : memref<64xf32, #tpu.memory_space<vmem>>)
      %dma_wait3A_110 = tpu.memref_slice %arg13[%mul3A_105] : memref<1600xf32, #tpu.memory_space<vmem>> -> memref<64xf32, #tpu.memory_space<vmem>>
      %dma_wait3A_111 = tpu.memref_slice %arg9[%mul3A_105] : memref<1600xi32, #tpu.memory_space<vmem>> -> memref<64xi32, #tpu.memory_space<vmem>>
      %dma_wait3A_112 = arith.constant 0 : i32
      %dma_wait3A_113 = tpu.memref_slice %arg5[%dma_wait3A_112] : memref<1000xf32, #tpu.memory_space<hbm>> -> memref<1000xf32, #tpu.memory_space<hbm>>
      tpu.wait_indirect_dma semaphore(%arg19 : memref<!tpu.dma_semaphore, #tpu.memory_space<semaphore_mem>>) src(%dma_wait3A_113 : memref<1000xf32, #tpu.memory_space<hbm>>) dst(%dma_wait3A_110 : memref<64xf32, #tpu.memory_space<vmem>>)
      %scan3A_114 = arith.constant 0 : i32
      scf.yield %scan3A_114 : i32
    }
    %scan3A_44 = arith.constant 25 : i32
    %broadcast_in_dim3A = arith.constant 0.000000e+00 : f32
    %broadcast_in_dim3A_45 = vector.broadcast %broadcast_in_dim3A : f32 to vector<16xf32>
    %scan3A_46 = arith.constant 0 : i32
    %scan3A_47 = arith.constant 100 : i32
    %scan3A_48 = arith.addi %scan3A_46, %scan3A_47 : i32
    %scan3A_49 = arith.constant 1 : i32
    %scan3A_50 = scf.for %scan3A_102 = %scan3A_46 to %scan3A_48 step %scan3A_49 iter_args(%scan3A_103 = %broadcast_in_dim3A_45) -> (vector<16xf32>)  : i32 {
      %mul3A_104 = arith.constant 16 : i32
      %mul3A_105 = arith.muli %scan3A_102, %mul3A_104 : i32
      %get3A = arith.index_cast %mul3A_105 : i32 to index
      %get3A_106 = tpu.vector_load %arg13[%get3A] {strides = array<i32>} : memref<1600xf32, #tpu.memory_space<vmem>>, vector<16xf32>,
      %get3A_107 = arith.index_cast %mul3A_105 : i32 to index
      %get3A_108 = tpu.vector_load %arg12[%get3A_107] {strides = array<i32>} : memref<1600xf32, #tpu.memory_space<vmem>>, vector<16xf32>,
      %sub3A = arith.subf %get3A_106, %get3A_108 : vector<16xf32>
      %add3A_109 = arith.addf %scan3A_103, %sub3A : vector<16xf32>
      scf.yield %add3A_109 : vector<16xf32>
    }
    %scan3A_51 = arith.constant 100 : i32
    %swap3A = arith.constant 0 : index
    %swap3A_52 = tpu.vector_load %arg18[%swap3A] {strides = array<i32>} : memref<16xf32, #tpu.memory_space<vmem>>, vector<16xf32>,
    tpu.vector_store %arg18[%swap3A], %scan3A_50 {strides = array<i32>} : memref<16xf32, #tpu.memory_space<vmem>>, vector<16xf32>,
    %mul3A_53 = arith.constant 16 : i32
    %mul3A_54 = arith.muli %add3A, %mul3A_53 : i32
    "tpu.region"() ({
      %run_scoped3A = tpu.sem_alloc : memref<!tpu.dma_semaphore, #tpu.memory_space<semaphore_mem>>
      %dma_start3A_102 = tpu.memref_slice %arg7[%mul3A_54] : memref<512xf32, #tpu.memory_space<hbm>> -> memref<16xf32, #tpu.memory_space<hbm>>
      %dma_start3A_103 = tpu.memref_slice %arg7[%mul3A_54] : memref<512xf32, #tpu.memory_space<hbm>> -> memref<16xf32, #tpu.memory_space<hbm>>
      tpu.enqueue_dma source(%arg18 : memref<16xf32, #tpu.memory_space<vmem>>) target(%dma_start3A_103 : memref<16xf32, #tpu.memory_space<hbm>>) target_semaphore(%run_scoped3A : memref<!tpu.dma_semaphore, #tpu.memory_space<semaphore_mem>>)
      %dma_wait3A_104 = tpu.memref_slice %arg7[%mul3A_54] : memref<512xf32, #tpu.memory_space<hbm>> -> memref<16xf32, #tpu.memory_space<hbm>>
      %dma_wait3A_105 = tpu.memref_slice %arg7[%mul3A_54] : memref<512xf32, #tpu.memory_space<hbm>> -> memref<16xf32, #tpu.memory_space<hbm>>
      tpu.wait_dma2 semaphore(%run_scoped3A : memref<!tpu.dma_semaphore, #tpu.memory_space<semaphore_mem>>) src(%arg18 : memref<16xf32, #tpu.memory_space<vmem>>) dst(%dma_wait3A_105 : memref<16xf32, #tpu.memory_space<hbm>>)
      tpu.yield
    }) : () -> ()
    %add3A_55 = arith.constant 0 : i32
    %add3A_56 = arith.addi %mul3A_4, %add3A_55 : i32
    %dma_wait3A = arith.constant 0 : i32
    %dma_wait3A_57 = arith.constant 0 : i32
    %dma_wait3A_58 = tpu.memref_slice %arg16[%dma_wait3A, %dma_wait3A_57] : memref<8x3200xf32, #tpu.memory_space<vmem>> -> memref<8x1536xf32, #tpu.memory_space<vmem>>
    %dma_wait3A_59 = arith.constant 0 : i32
    %dma_wait3A_60 = tpu.memref_slice %arg6[%dma_wait3A_59, %add3A_56] : memref<1000x51200xf32, #tpu.memory_space<hbm>> -> memref<8x1536xf32, #tpu.memory_space<hbm>>
    %dma_wait3A_61 = arith.constant 0 : i32
    %dma_wait3A_62 = tpu.memref_slice %arg6[%dma_wait3A_61, %add3A_56] : memref<1000x51200xf32, #tpu.memory_space<hbm>> -> memref<8x1536xf32, #tpu.memory_space<hbm>>
    %dma_wait3A_63 = arith.constant 0 : i32
    %dma_wait3A_64 = arith.constant 0 : i32
    %dma_wait3A_65 = tpu.memref_slice %arg16[%dma_wait3A_63, %dma_wait3A_64] : memref<8x3200xf32, #tpu.memory_space<vmem>> -> memref<8x1536xf32, #tpu.memory_space<vmem>>
    tpu.wait_dma2 semaphore(%arg22 : memref<!tpu.dma_semaphore, #tpu.memory_space<semaphore_mem>>) src(%dma_wait3A_65 : memref<8x1536xf32, #tpu.memory_space<vmem>>) dst(%dma_wait3A_62 : memref<8x1536xf32, #tpu.memory_space<hbm>>)
    %add3A_66 = arith.constant 1536 : i32
    %add3A_67 = arith.addi %mul3A_4, %add3A_66 : i32
    %dma_wait3A_68 = arith.constant 0 : i32
    %dma_wait3A_69 = arith.constant 1536 : i32
    %dma_wait3A_70 = tpu.memref_slice %arg16[%dma_wait3A_68, %dma_wait3A_69] : memref<8x3200xf32, #tpu.memory_space<vmem>> -> memref<8x1664xf32, #tpu.memory_space<vmem>>
    %dma_wait3A_71 = arith.constant 0 : i32
    %dma_wait3A_72 = tpu.memref_slice %arg6[%dma_wait3A_71, %add3A_67] : memref<1000x51200xf32, #tpu.memory_space<hbm>> -> memref<8x1664xf32, #tpu.memory_space<hbm>>
    %dma_wait3A_73 = arith.constant 0 : i32
    %dma_wait3A_74 = tpu.memref_slice %arg6[%dma_wait3A_73, %add3A_67] : memref<1000x51200xf32, #tpu.memory_space<hbm>> -> memref<8x1664xf32, #tpu.memory_space<hbm>>
    %dma_wait3A_75 = arith.constant 0 : i32
    %dma_wait3A_76 = arith.constant 1536 : i32
    %dma_wait3A_77 = tpu.memref_slice %arg16[%dma_wait3A_75, %dma_wait3A_76] : memref<8x3200xf32, #tpu.memory_space<vmem>> -> memref<8x1664xf32, #tpu.memory_space<vmem>>
    tpu.wait_dma2 semaphore(%arg23 : memref<!tpu.dma_semaphore, #tpu.memory_space<semaphore_mem>>) src(%dma_wait3A_77 : memref<8x1664xf32, #tpu.memory_space<vmem>>) dst(%dma_wait3A_74 : memref<8x1664xf32, #tpu.memory_space<hbm>>)
    %add3A_78 = arith.constant 0 : i32
    %add3A_79 = arith.addi %mul3A_4, %add3A_78 : i32
    %dma_wait3A_80 = arith.constant 0 : i32
    %dma_wait3A_81 = arith.constant 0 : i32
    %dma_wait3A_82 = tpu.memref_slice %arg17[%dma_wait3A_80, %dma_wait3A_81] : memref<8x3200xf32, #tpu.memory_space<vmem>> -> memref<8x1536xf32, #tpu.memory_space<vmem>>
    %dma_wait3A_83 = arith.constant 0 : i32
    %dma_wait3A_84 = tpu.memref_slice %arg6[%dma_wait3A_83, %add3A_79] : memref<1000x51200xf32, #tpu.memory_space<hbm>> -> memref<8x1536xf32, #tpu.memory_space<hbm>>
    %dma_wait3A_85 = arith.constant 0 : i32
    %dma_wait3A_86 = tpu.memref_slice %arg6[%dma_wait3A_85, %add3A_79] : memref<1000x51200xf32, #tpu.memory_space<hbm>> -> memref<8x1536xf32, #tpu.memory_space<hbm>>
    %dma_wait3A_87 = arith.constant 0 : i32
    %dma_wait3A_88 = arith.constant 0 : i32
    %dma_wait3A_89 = tpu.memref_slice %arg17[%dma_wait3A_87, %dma_wait3A_88] : memref<8x3200xf32, #tpu.memory_space<vmem>> -> memref<8x1536xf32, #tpu.memory_space<vmem>>
    tpu.wait_dma2 semaphore(%arg24 : memref<!tpu.dma_semaphore, #tpu.memory_space<semaphore_mem>>) src(%dma_wait3A_89 : memref<8x1536xf32, #tpu.memory_space<vmem>>) dst(%dma_wait3A_86 : memref<8x1536xf32, #tpu.memory_space<hbm>>)
    %add3A_90 = arith.constant 1536 : i32
    %add3A_91 = arith.addi %mul3A_4, %add3A_90 : i32
    %dma_wait3A_92 = arith.constant 0 : i32
    %dma_wait3A_93 = arith.constant 1536 : i32
    %dma_wait3A_94 = tpu.memref_slice %arg17[%dma_wait3A_92, %dma_wait3A_93] : memref<8x3200xf32, #tpu.memory_space<vmem>> -> memref<8x1664xf32, #tpu.memory_space<vmem>>
    %dma_wait3A_95 = arith.constant 0 : i32
    %dma_wait3A_96 = tpu.memref_slice %arg6[%dma_wait3A_95, %add3A_91] : memref<1000x51200xf32, #tpu.memory_space<hbm>> -> memref<8x1664xf32, #tpu.memory_space<hbm>>
    %dma_wait3A_97 = arith.constant 0 : i32
    %dma_wait3A_98 = tpu.memref_slice %arg6[%dma_wait3A_97, %add3A_91] : memref<1000x51200xf32, #tpu.memory_space<hbm>> -> memref<8x1664xf32, #tpu.memory_space<hbm>>
    %dma_wait3A_99 = arith.constant 0 : i32
    %dma_wait3A_100 = arith.constant 1536 : i32
    %dma_wait3A_101 = tpu.memref_slice %arg17[%dma_wait3A_99, %dma_wait3A_100] : memref<8x3200xf32, #tpu.memory_space<vmem>> -> memref<8x1664xf32, #tpu.memory_space<vmem>>
    tpu.wait_dma2 semaphore(%arg25 : memref<!tpu.dma_semaphore, #tpu.memory_space<semaphore_mem>>) src(%dma_wait3A_101 : memref<8x1664xf32, #tpu.memory_space<vmem>>) dst(%dma_wait3A_98 : memref<8x1664xf32, #tpu.memory_space<hbm>>)
    return
  }
}

module attributes {stable_mosaic.version = 14 : i64} {
  func.func @_lse_body(%arg0: memref<1000x1000xf32, #tpu.memory_space<vmem>>, %arg1: memref<1000x1xf32, #tpu.memory_space<vmem>>) attributes {dimension_semantics = [], scalar_prefetch = 0 : i64, scratch_operands = 0 : i64, tpu.core_type = #tpu.core_type<tc>} {
    %get3A = arith.constant 0 : index
    %get3A_0 = arith.constant 0 : index
    %get3A_1 = vector.load %arg0[%get3A, %get3A_0] : memref<1000x1000xf32, #tpu.memory_space<vmem>>, vector<1000x1000xf32>
    %reduce_max3A = arith.constant dense<0xFF800000> : vector<1000xf32>
    %reduce_max3A_2 = vector.multi_reduction <maximumf>, %get3A_1, %reduce_max3A [1] : vector<1000x1000xf32> to vector<1000xf32>
    %broadcast_in_dim3A = vector.shape_cast %reduce_max3A_2 : vector<1000xf32> to vector<1000x1xf32>
    %sub3A = vector.broadcast %broadcast_in_dim3A : vector<1000x1xf32> to vector<1000x1000xf32>
    %sub3A_3 = arith.subf %get3A_1, %sub3A : vector<1000x1000xf32>
    %exp3A = math.exp %sub3A_3 : vector<1000x1000xf32>
    %reduce_sum3A = arith.constant dense<0.000000e+00> : vector<1000xf32>
    %reduce_sum3A_4 = vector.multi_reduction <add>, %exp3A, %reduce_sum3A [1] : vector<1000x1000xf32> to vector<1000xf32>
    %broadcast_in_dim3A_5 = vector.shape_cast %reduce_sum3A_4 : vector<1000xf32> to vector<1000x1xf32>
    %log3A = math.log %broadcast_in_dim3A_5 : vector<1000x1xf32>
    %add3A = arith.addf %broadcast_in_dim3A, %log3A : vector<1000x1xf32>
    %swap3A = arith.constant 0 : index
    %swap3A_6 = arith.constant 0 : index
    %swap3A_7 = vector.load %arg1[%swap3A, %swap3A_6] : memref<1000x1xf32, #tpu.memory_space<vmem>>, vector<1000x1xf32>
    tpu.vector_store %arg1[%swap3A, %swap3A_6], %add3A {strides = array<i32>} : memref<1000x1xf32, #tpu.memory_space<vmem>>, vector<1000x1xf32>,
    return
  }
}

module attributes {stable_mosaic.version = 14 : i64} {
  func.func @_fin_body(%arg0: memref<512xf32, #tpu.memory_space<vmem>>, %arg1: memref<1x1xf32, #tpu.memory_space<vmem>>) attributes {dimension_semantics = [], scalar_prefetch = 0 : i64, scratch_operands = 0 : i64, tpu.core_type = #tpu.core_type<tc>} {
    %get3A = arith.constant 0 : index
    %get3A_0 = vector.load %arg0[%get3A] : memref<512xf32, #tpu.memory_space<vmem>>, vector<512xf32>
    %reduce_sum3A = vector.shape_cast %get3A_0 : vector<512xf32> to vector<1x512xf32>
    %reduce_sum3A_1 = arith.constant dense<0.000000e+00> : vector<1xf32>
    %reduce_sum3A_2 = vector.multi_reduction <add>, %reduce_sum3A, %reduce_sum3A_1 [1] : vector<1x512xf32> to vector<1xf32>
    %reduce_sum3A_3 = vector.shape_cast %reduce_sum3A_2 : vector<1xf32> to vector<1x1xf32>
    %reduce_sum3A_4 = vector.extract %reduce_sum3A_3[0, 0] : f32 from vector<1x1xf32>
    %mul3A = arith.constant 1.95312496E-5 : f32
    %mul3A_5 = arith.mulf %reduce_sum3A_4, %mul3A : f32
    %reshape3A = vector.broadcast %mul3A_5 : f32 to vector<1x1xf32>
    %swap3A = arith.constant 0 : index
    %swap3A_6 = arith.constant 0 : index
    %swap3A_7 = vector.load %arg1[%swap3A, %swap3A_6] : memref<1x1xf32, #tpu.memory_space<vmem>>, vector<1x1xf32>
    tpu.vector_store %arg1[%swap3A, %swap3A_6], %reshape3A {strides = array<i32>} : memref<1x1xf32, #tpu.memory_space<vmem>>, vector<1x1xf32>,
    return
  }
}

</mosaic_0001>

<sc_bundles>
// kernel: kernel.5.cloned.1.call-start
scs
__scs_entry_jumppad:
0x0: {  	(pc) =	sbr.rel $0x88, $3  }
0x1: {  	(tag) =	ssettag $0x0;
	lr =	simm.s32 $0x1  }
0x2: {  	[smem:$0x3F9E] =	sst lr;
	_ =	strace $0xD0000000  }
0x3: {  	_ = 	snop  }
0x4: {  	_ = 	snop  }
0x5: {  	_ = 	snop  }
0x6: {  	_ = 	snop  }
0x7: {  	_ = 	snop  }
__scs_overlays_trampoline_lowered:
0x8: {  	[smem:$0x3FAD] =	sst s0  }
0x9: {  	[smem:$0x3FAE] =	sst s1  }
0xa: {  	[smem:$0x3FAF] =	sst s2  }
0xb: {  	[smem:$0x3FB0] =	sst s3  }
0xc: {  	[smem:$0x3FB1] =	sst s4  }
0xd: {  	[smem:$0x3FB2] =	sst s5  }
0xe: {  	[smem:$0x3FB3] =	sst s6  }
0xf: {  	[smem:$0x3FB4] =	sst s7  }
0x10: {  	[smem:$0x3FB5] =	sst s8  }
0x11: {  	[smem:$0x3FB6] =	sst s9;
	s0 =	simm.s32 @!p0 $0x0  }
0x12: {  	s1 =	sld [smem:$0x3F9C];
	s0 =	simm.s32 @p0 $0x1  }
0x13: {  	[smem:$0x3FB7] =	sst s0;
	s0 =	simm.s32 @!p1 $0x0  }
0x14: {  	s2 =	sld [smem:$0x3F9B];
	s0 =	simm.s32 @p1 $0x1  }
0x15: {  	[smem:$0x3FB8] =	sst s0;
	s0 =	simm.s32 @!p2 $0x0  }
0x16: {  	s3 =	sld [smem:$0x3FDB];
	s0 =	simm.s32 @p2 $0x1  }
0x17: {  	s4 =	simm.s32 $0x1BF5;
	[smem:$0x3FBA] =	sst s0  }
0x18: {  	s0 =	sld [smem:$0x3F9D];
	_ =	swait.ge [sflag:s4], $0x0  }
0x19: {  	s7 =	sld [smem:$0x3F9E]  }
0x1a: {  	s8 =	sadd.s32 $0xFFFFE003, lr  }
0x1b: {  	s9 =	sadd.s32 $0xFFFFFEF7, lr;
	s5 =	simm.s32 $0xFFFFFFFF;
	p2 =	slt.u32 s8, $0xFFFFF086  }
0x1c: {  	p1 =	slt.u32 s9, $0xF7A;
	s5 =	simm.s32 @!p2 $0x0  }
0x1d: {  	s5 =	simm.s32 @p1 $0x1;
	p0 =	seq.s32 s7, s2  }
0x1e: {  	s7 =	smul.u32 @!p0 $0xF7A, s2;
	p2 =	seq.s32 @!p0 s5, $0x0  }
0x1f: {  	s9 =	smul.u32 $0xF7A, s1;
	s8 =	simm.s32 @!p0 $0x1BF5;
	p2 =	por !p2, p0  }
0x20: {  	[sflag:s8] =	ssyncset.s32 @!p0 $0xFFFFF086;
	s6 =	sadd.s32 @!p0 s3, s7;
	s7 =	simm.s32 @!p0 $0x108  }
0x21: {  	s3 =	sadd.s32 s3, s9;
	s6 =	sadd.s32 @!p0 $0x88, s6;
	s7 =	simm.s32 @p2 $0x1082  }
0x22: {  	[simem:s7], [sflag:s8] =	dma.local @!p0 [hbm:s6], $0xF7A  }
0x23: {  	s9 =	sor.u32 $0xD0000000, s2;
	s6 =	simm.s32 $0x108;
	_ =	swait.ge @!p0 [sflag:s8], $0x0  }
0x24: {  	s3 =	sadd.s32 $0x88, s3;
	s6 =	simm.s32 @!p1 $0x1082;
	[sflag:s4] =	ssyncset.s32 $0xFFFFF086  }
0x25: {  	[simem:s6], [sflag:s4] =	dma.local [hbm:s3], $0xF7A  }
0x26: {  	[smem:$0x3F9E] =	sst s1;
	(tag) =	ssettag s2;
	_ =	strace s9  }
0x27: {  	s1 =	sld [smem:$0x3FAE]  }
0x28: {  	s2 =	sld [smem:$0x3FAF]  }
0x29: {  	s4 =	sld [smem:$0x3FB1]  }
0x2a: {  	p0 =	seq.s32 s5, $0x0;
	s5 =	sld [smem:$0x3FB2]  }
0x2b: {  	s6 =	sld [smem:$0x3FB3]  }
0x2c: {  	s7 =	sld [smem:$0x3FB4]  }
0x2d: {  	s3 =	simm.s32 $0x108;
	s8 =	sld [smem:$0x3FB5]  }
0x2e: {  	s3 =	simm.s32 @!p0 $0x1082;
	s9 =	sld [smem:$0x3FB6]  }
0x2f: {  	lr =	sadd.s32 s0, s3;
	s0 =	sld [smem:$0x3FAD]  }
0x30: {  	s3 =	sld [smem:$0x3FB0]  }
0x31: {  	[smem:$0x3FB9] =	sst s10  }
0x32: {  	s10 =	sld [smem:$0x3FB7];
	_ =	sdelay $0x3  }
0x33: {  	p0 =	seq.s32 s10, $0x1;
	s10 =	sld [smem:$0x3FB9];
	_ =	sdelay $0x3  }
0x34: {  	[smem:$0x3FB9] =	sst s10  }
0x35: {  	s10 =	sld [smem:$0x3FB8];
	_ =	sdelay $0x3  }
0x36: {  	p1 =	seq.s32 s10, $0x1;
	s10 =	sld [smem:$0x3FB9];
	_ =	sdelay $0x3  }
0x37: {  	[smem:$0x3FB9] =	sst s10  }
0x38: {  	s10 =	sld [smem:$0x3FBA]  }
0x39: {  	_ = 	snop;
	(pc) =	sbr.ind lr, $3  }
0x3a: {  	_ = 	snop  }
0x3b: {  	_ = 	snop  }
0x3c: {  	p2 =	seq.s32 s10, $0x1;
	s10 =	sld [smem:$0x3FB9]  }
0x3d: {  	_ =	shalt  }
0x3e: {  	_ =	shalt  }
0x3f: {  	_ =	shalt  }
0x40: {  	_ =	shalt  }
0x41: {  	_ =	shalt  }
0x42: {  	_ =	shalt  }
0x43: {  	_ =	shalt  }
0x44: {  	_ =	shalt  }
0x45: {  	_ =	shalt  }
0x46: {  	_ =	shalt  }
0x47: {  	_ =	shalt  }
0x48: {  	_ =	shalt  }
0x49: {  	_ =	shalt  }
0x4a: {  	_ =	shalt  }
0x4b: {  	_ =	shalt  }
0x4c: {  	_ =	shalt  }
0x4d: {  	_ =	shalt  }
0x4e: {  	_ =	shalt  }
0x4f: {  	_ =	shalt  }
0x50: {  	_ =	shalt  }
0x51: {  	_ =	shalt  }
0x52: {  	_ =	shalt  }
0x53: {  	_ =	shalt  }
0x54: {  	_ =	shalt  }
0x55: {  	_ =	shalt  }
0x56: {  	_ =	shalt  }
0x57: {  	_ =	shalt  }
0x58: {  	_ =	shalt  }
0x59: {  	_ =	shalt  }
0x5a: {  	_ =	shalt  }
0x5b: {  	_ =	shalt  }
0x5c: {  	_ =	shalt  }
0x5d: {  	_ =	shalt  }
0x5e: {  	_ =	shalt  }
0x5f: {  	_ =	shalt  }
0x60: {  	_ =	shalt  }
0x61: {  	_ =	shalt  }
0x62: {  	_ =	shalt  }
0x63: {  	_ =	shalt  }
0x64: {  	_ =	shalt  }
0x65: {  	_ =	shalt  }
0x66: {  	_ =	shalt  }
0x67: {  	_ =	shalt  }
0x68: {  	_ =	shalt  }
0x69: {  	_ =	shalt  }
0x6a: {  	_ =	shalt  }
0x6b: {  	_ =	shalt  }
0x6c: {  	_ =	shalt  }
0x6d: {  	_ =	shalt  }
0x6e: {  	_ =	shalt  }
0x6f: {  	_ =	shalt  }
0x70: {  	_ =	shalt  }
0x71: {  	_ =	shalt  }
0x72: {  	_ =	shalt  }
0x73: {  	_ =	shalt  }
0x74: {  	_ =	shalt  }
0x75: {  	_ =	shalt  }
0x76: {  	_ =	shalt  }
0x77: {  	_ =	shalt  }
0x78: {  	_ =	shalt  }
0x79: {  	_ =	shalt  }
0x7a: {  	_ =	shalt  }
0x7b: {  	_ =	shalt  }
0x7c: {  	_ =	shalt  }
0x7d: {  	_ =	shalt  }
0x7e: {  	_ =	shalt  }
0x7f: {  	_ =	shalt  }
0x80: {  	_ =	shalt  }
0x81: {  	_ =	shalt  }
0x82: {  	_ =	shalt  }
0x83: {  	_ =	shalt  }
0x84: {  	_ =	shalt  }
0x85: {  	_ =	shalt  }
0x86: {  	_ =	shalt  }
0x87: {  	_ =	shalt  }
.Lfunc_end0:
.L_simem_size_0:
called_computation_lowered:
.L_overlay_start_0:
0x88: {  	s2 =	sld [smem:$0x3FD9]  }
0x89: {  	s3 =	sld [smem:$0x3FFE];
	_ =	sdelay $0x1  }
0x8a: {  	s1 =	srdreg.scid  }
0x8b: {  	s0 =	sand.u32 $0x1, s1  }
0x8c: {  	s14 =	sshll.u32 s0, $0xA;
	s2 =	sadd.s32 s3, s2  }
0x8d: {  	s2 =	sadd.s32 s2, s14  }
0x8e: {  	[smem:$0x3FC5] =	sst s2  }
0x8f: {  	_ = 	snop  }
0x90: {  	s2 =	sld [smem:$0x3FD0];
	_ =	sdelay $0x2  }
0x91: {  	s15 =	simm.s32 $0xA;
	s4 =	simm.s32 $0x10  }
0x92: {  	[smem:s4], [sflag:s15] =	dma.local [hbm:s2], $0x1  }
0x93: {  	_ =	swait.eq [sflag:s15], $0x1  }
0x94: {  	[sflag:s15] =	ssyncset.done $0x0  }
0x95: {  	[sflag:s15] =	ssyncadd.s32 $0xFFFFFFFF  }
0x96: {  	s16 =	sld [smem:$0x10];
	(tm) =	ssettm $0x1  }
0x97: {  	s17 =	sld [smem:$0x3FFB];
	_ =	sdelay $0x3  }
0x98: {  	_ =	strace s17  }
0x99: {  	s3 =	sld [smem:$0x3FFC];
	_ =	sdelay $0x3  }
0x9a: {  	_ =	strace s3  }
0x9b: {  	s3 =	sld [smem:$0x3FFD];
	_ =	sdelay $0x3  }
0x9c: {  	_ =	strace s3  }
0x9d: {  	_ =	strace $0x8FFFFFFF  }
0x9e: {  	s18 =	sld [smem:$0x3FDB];
	_ =	sdelay $0x1  }
0x9f: {  	s19 =	simm.s32 $_scs_section_size  }
0xa0: {  	s5 =	simm.s32 $_size__tile_overlayer_lowered;
	s6 =	simm.s32 $_tile_overlayer_lowered  }
0xa1: {  	s22 =	simm.s32 $0x1BFF;
	s21 =	sshll.u32 s6, $0x1;
	s3 =	sadd.s32 s19, s18  }
0xa2: {  	s7 =	simm.s32 $0x0;
	s20 =	sshll.u32 s5, $0x1;
	s5 =	sadd.s32 s21, s3  }
0xa3: {  	[timem:s7], [sflag:s22] =	dma.local [hbm:s5], s20  }
0xa4: {  	_ =	swait.ge [sflag:s22], s20  }
0xa5: {  	s4 =	ssub.s32 $0x0, s20;
	[sflag:s22] =	ssyncset.done $0x0  }
0xa6: {  	[sflag:s22] =	ssyncadd.s32 s4;
	_ =	sdelay $0x1  }
0xa7: {  	s23 =	simm.s32 $0x1B8B  }
0xa8: {  	_ =	swait.ge [sflag:s23], $0x1  }
0xa9: {  	[sflag:s23] =	ssyncset.done $0x0  }
0xaa: {  	s25 =	simm.s32 $0x1B8E;
	s24 =	sld [smem:$0x3FFE];
	[sflag:s23] =	ssyncadd.s32 $0xFFFFFFFF  }
0xab: {  	s26 =	simm.s32 $execute0_lowered;
	[smem:$0x3FD2] =	sst s25  }
0xac: {  	s5 =	sshll.u32 s26, $0x1;
	_ =	strace $0x80000046;
	[dreg:$0x1] =	wrdreg $0xFFFFFFFF  }
0xad: {  	s28 =	simm.s32 $_size_execute0_lowered;
	s3 =	sadd.s32 s3, s5;
	[dreg:$0x0] =	wrdreg $0x0  }
0xae: {  	s5 =	sshll.u32 s28, $0x1;
	[dreg:$0x2] =	wrdreg s3  }
0xaf: {  	[dreg:$0x3] =	wrdreg s5  }
0xb0: {  	[dreg:$0x4] =	wrdreg $0xC0  }
0xb1: {  	_ =	task [dreg:s7], $0x5FFFF  }
0xb2: {  	[dreg:$0x1] =	wrdreg $0xFFFFFFFF  }
0xb3: {  	[dreg:$0x0] =	wrdreg $0x60  }
0xb4: {  	[dreg:$0x2] =	wrdreg s24  }
0xb5: {  	[dreg:$0x3] =	wrdreg s16  }
0xb6: {  	[dreg:$0x4] =	wrdreg $0x9  }
0xb7: {  	_ =	task.clear_ibuf [dreg:s7], $0x5FFFF;
	_ =	strace $0x90000046  }
0xb8: {  	s29 =	simm.s32 $0x9;
	_ =	strace $0x80000048  }
0xb9: {  	_ =	swait.ge [sflag:s29], $0x1  }
0xba: {  	[sflag:s29] =	ssyncadd.s32 $0xFFFFFFFF  }
0xbb: {  	_ =	strace $0x90000048  }
0xbc: {  	_ =	sfence  }
0xbd: {  	s30 =	sld [smem:$0x0];
	_ =	sdelay $0x2  }
0xbe: {  	s31 =	sshll.u32 s1, $0xD;
	s1 =	sshrl.u32 s1, $0x2  }
0xbf: {  	s3 =	sand.u32 $0x4000, s31;
	s1 =	sadd.s32 s1, s30  }
0xc0: {  	s0 =	sor.u32 s3, s0;
	s1 =	sshll.u32 s1, $0x11  }
0xc1: {  	s0 =	sor.u32 s1, s0  }
0xc2: {  	s0 =	sadd.s32 $0x8F2B, s0  }
0xc3: {  	[sflag:s0] =	ssyncadd.remote.s32 $0x1  }
0xc4: {  	_ =	sfence.sel $0xFFFF  }
0xc5: {  	[dreg:$0x0] =	wrdreg $0xFFFFFFFF;
	(pc) =	sbr.abs _section_cstart, $3  }
0xc6: {  	[dreg:$0x1] =	wrdreg $0xFFFFFFFF  }
0xc7: {  	_ =	task.clear_ibuf [dreg:s7], $0x2FFFF;
	_ =	strace $0x9FFFFFFF  }
0xc8: {  	(tm) =	ssettm $0x7FFFFFFF  }
0xc9: {  	_ =	shalt  }
tec
execute0_lowered:
.L_overlay_start_1:
0x0: {  	(tag) =	ssettag $0x1  }
0x1: {  	s0 =	rddreg [dreg:$0x0];
	s1 =	srdreg.scid  }
0x2: {  	s15 =	stileid.u32;
	s2 =	rddreg [dreg:$0x1];
	s4 =	simm.s32 $0x0  }
0x3: {  	s17 =	simm.s32 $0x8;
	s20 =	simm.s32 $0x40;
	s21 =	simm.s32 $0x2D00  }
0x4: {  	s22 =	simm.s32 $0x3;
	s29 =	simm.s32 $0x4;
	s30 =	simm.s32 $0x5  }
0x5: {  	s31 =	simm.s32 $0x6;
	s18 =	simm.s32 $0x6C00;
	s19 =	simm.s32 $0x9C00  }
0x6: {  	s28 =	simm.s32 $0x0;
	s3 =	sand.u32 $0x1, s1;
	s23 =	sshll.u32 s15, $0x1  }
0x7: {  	[smem:$0x7FF] =	sst s4;
	s10 =	sadd.s32 $0xC00, s0;
	s12 =	smul.u32 $0x190, s15  }
0x8: {  	s5 =	sadd.s32 $0x4000, s0;
	s7 =	sadd.s32 $0x22A00, s0;
	s6 =	smul.u32 $0x3F, s3  }
0x9: {  	s1 =	sor.u32 s3, s23;
	_ =	strace $0x80000047;
	s14 =	smul.u32 $0xF618, s3  }
0xa: {  	s8 =	ssub.s32 $0x2, s3;
	s23 =	simm.s32 $0x4C80;
	s9 =	smul.u32 $0xC8, s1  }
0xb: {  	s1 =	sshll.u32 s1, $0x1;
	s13 =	sshrl.u32 s8, $0x1;
	s12 =	sadd.s32 s10, s12  }
0xc: {  	s24 =	ssub.s32 s8, s13;
	s8 =	smul.u32 $0x6400, s15;
	[dreg:$0x3] =	wrdreg s12  }
0xd: {  	s26 =	sadd.s32 s5, s14;
	s13 =	ssub.s32 $0x3E, s3;
	s11 =	sadd.s32 s9, s0  }
0xe: {  	s0 =	sadd.s32 s1, s0;
	s9 =	sadd.s32 s10, s9;
	[dreg:$0x6] =	wrdreg s26  }
0xf: {  	s16 =	smax.u32 s24, $0x1;
	s24 =	simm.s32 $0xD000;
	s26 =	simm.s32 $0x1  }
0x10: {  	s1 =	simm.s32 $0x7;
	[dreg:$0x4] =	wrdreg s9;
	s25 =	sadd.s32 $0x2600, s11  }
0x11: {  	s14 =	sadd.s32 $0x3000, s8;
	s0 =	sadd.s32 $0x22C00, s0;
	[dreg:$0x5] =	wrdreg s25  }
0x12: {  	[dreg:$0x7] =	wrdreg s0;
	s25 =	simm.s32 $0x10000;
	s0 =	simm.s32 $0x2  }
.LBB2_1:
0x13: {  	s9 =	rddreg [dreg:$0x3]  }
0x14: {  	[tilespmem:s4], [sflag:$0x8] =	stream.linear.gather [hbm4b:s9+s4], $0xC80, $0x38;
	[tilespmem:$0x13480] =	vst v63  }
0x15: {  	_ =	swait.ge [sflag:s17], $0xC80  }
0x16: {  	[sflag:s17] =	ssyncset.done $0x0  }
0x17: {  	s10 =	simm.s32 $0xC80;
	s11 =	rddreg [dreg:$0x4];
	[sflag:s17] =	ssyncadd.s32 $0xFFFFF380  }
0x18: {  	[tilespmem:s10], [sflag:$0x8] =	stream.linear.gather [hbm4b:s11+s4], $0x640, $0x38;
	[tilespmem:$0x13480] =	vst v63  }
0x19: {  	_ =	swait.ge [sflag:s17], $0x640  }
0x1a: {  	[sflag:s17] =	ssyncset.done $0x0  }
0x1b: {  	s15 =	simm.s32 $0x1300;
	s12 =	rddreg [dreg:$0x5];
	[sflag:s17] =	ssyncadd.s32 $0xFFFFF9C0  }
0x1c: {  	[tilespmem:s15], [sflag:$0x8] =	stream.linear.gather [hbm4b:s12+s4], $0x640, $0x38;
	[tilespmem:$0x13480] =	vst v63  }
0x1d: {  	_ =	swait.ge [sflag:s17], $0x640  }
0x1e: {  	[sflag:s17] =	ssyncset.done $0x0  }
0x1f: {  	s9 =	simm.s32 $0x0;
	[sflag:s17] =	ssyncadd.s32 $0xFFFFF9C0  }
0x20: {  	v0 =	vld [tilespmem:s9+$0x1300]  }
0x21: {  	s10 =	simm.s32 $0x40;
	v1 =	vld [tilespmem:s9+$0xC80]  }
.LBB2_2:
0x22: {  	_ = 	snop  }
0x23: {  	p0 =	sne.s32 s10, $0x18C0  }
.Ltmp0:
0x24: {  	_ = 	snop;
	(pc) =	sbr.rel @p0 .LBB2_2-.Ltmp0, $4  }
0x25: {  	v2 =	vmul.u32 $0x3E8, v0  }
0x26: {  	s11 =	sshra.s32 s10, $0x2  }
0x27: {  	v0 =	vld [tilespmem:s11+$0x1300];
	v2 =	vadd.s32 v1, v2  }
0x28: {  	s10 =	sadd.s32 $0x40, s10;
	v1 =	vld [tilespmem:s11+$0xC80];
	[tilespmem:s9+$0x1980] =	vst v2;
	s9 =	smov.u32 s11  }
0x29: {  	_ =	sdelay $0x2  }
0x2a: {  	v0 =	vmul.u32 $0x3E8, v0;
	_ =	sdelay $0x1  }
0x2b: {  	v0 =	vadd.s32 v1, v0  }
0x2c: {  	s15 =	simm.s32 $0x2000;
	s10 =	simm.s32 $0x1980;
	[tilespmem:s9+$0x1980] =	vst v0  }
0x2d: {  	[tilespmem:s15], [sflag:$0x1] =	stream.indirect.gather [hbm4b:s5+s20], $0x1, s10, s20, $0xb8;
	[tilespmem:$0x13480] =	vst v63  }
0x2e: {  	s11 =	simm.s32 $0xC80;
	s9 =	simm.s32 $0x100;
	s10 =	simm.s32 $0x2680  }
.LBB2_4:
0x2f: {  	[tilespmem:s10], [sflag:$0x1] =	stream.indirect.gather [hbm4b:s7+s20], $0x1, s11, s20, $0xb8;
	[tilespmem:$0x13480] =	vst v63  }
0x30: {  	s10 =	smov.u32 s9;
	p0 =	sne.s32 s9, $0x1800  }
.Ltmp1:
0x31: {  	s9 =	sadd.s32 $0x100, s9;
	(pc) =	sbr.rel @p0 .LBB2_4-.Ltmp1, $4  }
0x32: {  	s11 =	sshra.s32 s10, $0x2  }
0x33: {  	s10 =	sadd.s32 $0x2000, s11;
	s12 =	sadd.s32 $0x1980, s11  }
0x34: {  	[tilespmem:s10], [sflag:$0x1] =	stream.indirect.gather [hbm4b:s5+s20], $0x1, s12, s20, $0xb8;
	[tilespmem:$0x13480] =	vst v63  }
0x35: {  	s10 =	sadd.s32 $0x2680, s11;
	s11 =	sadd.s32 $0xC80, s11  }
.Ltmp2:
0x36: {  	(pc) =	sbr.rel .LBB2_6-.Ltmp2, $4  }
0x37: {  	_ = 	snop  }
0x38: {  	[tilespmem:s10], [sflag:$0x1] =	stream.indirect.gather [hbm4b:s7+s20], $0x1, s11, s20, $0xb8;
	[tilespmem:$0x13480] =	vst v63  }
0x39: {  	s9 =	simm.s32 $0x0;
	s15 =	rddreg [dreg:$0x6]  }
0x3a: {  	[tilespmem:s21], [sflag:$0x2] =	stream.linear.gather [hbm4b:s15+s9], $0x1F40, $0x38;
	[tilespmem:$0x13480] =	vst v63  }
.LBB2_11:
0x3b: {  	[tilespmem:s11+$0xFFFFFFA0] =	vst v4  }
0x3c: {  	[tilespmem:s11+$0xFFFFFFB0] =	vst v5  }
0x3d: {  	[tilespmem:s11+$0xFFFFFFC0] =	vst v2  }
0x3e: {  	[tilespmem:s11+$0xFFFFFFD0] =	vst v6;
	s10 =	sadd.s32 s14, s10  }
0x3f: {  	[tilespmem:s11+$0xFFFFFFE0] =	vst v3;
	s10 =	sshrl.u32 s10, $0x3  }
0x40: {  	[tilespmem:s11+$0xFFFFFFF0] =	vst v1;
	s10 =	sadd.s32 s2, s10  }
0x41: {  	[hbm4b:s10+s4] =	stream.linear.scatter [tilespmem:s19], [sflag:$0x5], $0x3400, $0x38;
	[tilespmem:$0x13480] =	vst v63  }
.LBB2_17:
0x42: {  	s9 =	sadd.s32 $0x1, s9  }
0x43: {  	s10 =	sxor.u32 s9, s3  }
0x44: {  	p0 =	sne.s32 s10, $0x3F  }
.Ltmp3:
0x45: {  	_ = 	snop;
	(pc) =	sbr.rel @!p0 .LBB2_18-.Ltmp3, $1  }
0x46: {  	_ =	sdelay $0x3  }
.LBB2_6:
0x47: {  	s11 =	sand.u32 $0x1, s9  }
0x48: {  	p1 =	seq.s32 s11, $0x1  }
.Ltmp4:
0x49: {  	_ = 	snop;
	(pc) =	sbr.rel @!p1 .LBB2_7-.Ltmp4, $3  }
0x4a: {  	_ =	sdelay $0x1  }
0x4b: {  	s10 =	sadd.s32 s6, s9;
	p0 =	sge.u32 s9, s13  }
0x4c: {  	s11 =	smul.u32 @!p0 $0x1F40, s10  }
0x4d: {  	_ = 	snop  }
0x4e: {  	_ =	swait.ge [sflag:s22], $0x1F40;
	s11 =	sshrl.u32 @!p0 s11, $0x3  }
0x4f: {  	s12 =	simm.s32 @!p0 $0x0;
	[sflag:s22] =	ssyncset.done $0x0;
	s11 =	sadd.s32 @!p0 s5, s11  }
0x50: {  	s15 =	simm.s32 @!p0 $0x2D00;
	[sflag:s22] =	ssyncadd.s32 $0xFFFFE0C0;
	s11 =	sadd.s32 @!p0 $0x3E8, s11  }
0x51: {  	[tilespmem:s15], [sflag:$0x2] =	stream.linear.gather @!p0 [hbm4b:s11+s12], $0x1F40, $0x38;
	[tilespmem:$0x13480] =	vst v63  }
0x52: {  	p0 =	slt.u32 s9, $0x2  }
0x53: {  	s11 =	simm.s32 @!p0 $0x6  }
0x54: {  	_ =	swait.ge @!p0 [sflag:s11], $0x3000  }
0x55: {  	[sflag:s11] =	ssyncset.done @!p0 $0x0  }
0x56: {  	s15 =	simm.s32 $0x40;
	[sflag:s11] =	ssyncadd.s32 @!p0 $0xFFFFD000  }
0x57: {  	v7 =	vld [tilespmem:s15+$0x30]  }
0x58: {  	v5 =	vld [tilespmem:s15+$0xFFFFFFD0]  }
0x59: {  	v4 =	vld [tilespmem:s15+$0xFFFFFFE0]  }
0x5a: {  	v3 =	vld [tilespmem:s15+$0xFFFFFFF0]  }
0x5b: {  	v2 =	vld [tilespmem:s15+$0x0]  }
0x5c: {  	v1 =	vld [tilespmem:s15+$0x10]  }
0x5d: {  	v0 =	vld [tilespmem:s15+$0x20]  }
0x5e: {  	v6 =	vld [tilespmem:s15+$0xFFFFFFC0]  }
0x5f: {  	v8 =	vld.idx.msk [tilespmem:v7+s23+$0x0], $0xffff  }
0x60: {  	v9 =	vld.idx.msk [tilespmem:v5+s23+$0x0], $0xffff  }
0x61: {  	v10 =	vld.idx.msk [tilespmem:v4+s23+$0x0], $0xffff  }
0x62: {  	v11 =	vadd.s32 $0x3E8, v7;
	v12 =	vld.idx.msk [tilespmem:v3+s23+$0x0], $0xffff  }
0x63: {  	v13 =	vadd.s32 $0x3E8, v5;
	v14 =	vld.idx.msk [tilespmem:v2+s23+$0x0], $0xffff  }
0x64: {  	s11 =	simm.s32 $0xD200;
	v15 =	vadd.s32 $0x3E8, v4;
	v16 =	vld.idx.msk [tilespmem:v1+s23+$0x0], $0xffff  }
0x65: {  	v17 =	vadd.s32 $0x3E8, v3;
	v18 =	vld.idx.msk [tilespmem:v0+s23+$0x0], $0xffff;
	[tilespmem:s11+$0xFFFFFE70] =	vst v8  }
0x66: {  	v55 =	vadd.s32 $0x3E8, v1;
	v19 =	vld.idx.msk [tilespmem:v6+s23+$0x0], $0xffff;
	[tilespmem:s11+$0xFFFFFE10] =	vst v9  }
0x67: {  	v58 =	vadd.s32 $0x3E8, v6;
	[tilespmem:s11+$0xFFFFFE20] =	vst v10;
	v54 =	vld.idx.msk [tilespmem:v11+s23+$0x0], $0xffff  }
0x68: {  	v59 =	vadd.s32 $0x3E8, v0;
	[tilespmem:s11+$0xFFFFFE30] =	vst v12;
	v56 =	vld.idx.msk [tilespmem:v13+s23+$0x0], $0xffff  }
0x69: {  	v8 =	vadd.s32 $0x3E8, v2;
	[tilespmem:s11+$0xFFFFFE40] =	vst v14;
	v15 =	vld.idx.msk [tilespmem:v15+s23+$0x0], $0xffff  }
0x6a: {  	v57 =	vadd.s32 $0x7D0, v7;
	[tilespmem:s11+$0xFFFFFE50] =	vst v16;
	v17 =	vld.idx.msk [tilespmem:v17+s23+$0x0], $0xffff  }
0x6b: {  	v60 =	vadd.s32 $0x7D0, v5;
	[tilespmem:s11+$0xFFFFFE00] =	vst v19;
	v11 =	vld.idx.msk [tilespmem:v55+s23+$0x0], $0xffff  }
0x6c: {  	v61 =	vadd.s32 $0x7D0, v4;
	[tilespmem:s11+$0xFFFFFE60] =	vst v18;
	v13 =	vld.idx.msk [tilespmem:v58+s23+$0x0], $0xffff  }
0x6d: {  	v62 =	vadd.s32 $0x7D0, v3;
	v21 =	vld.idx.msk [tilespmem:v59+s23+$0x0], $0xffff;
	[tilespmem:s11+$0xFFFFFEF0] =	vst v54  }
0x6e: {  	v23 =	vadd.s32 $0x7D0, v6;
	v8 =	vld.idx.msk [tilespmem:v8+s23+$0x0], $0xffff;
	[tilespmem:s11+$0xFFFFFE90] =	vst v56  }
0x6f: {  	v24 =	vadd.s32 $0x7D0, v1;
	[tilespmem:s11+$0xFFFFFEA0] =	vst v15;
	v12 =	vld.idx.msk [tilespmem:v57+s23+$0x0], $0xffff  }
0x70: {  	v63 =	vadd.s32 $0x7D0, v2;
	[tilespmem:s11+$0xFFFFFEB0] =	vst v17;
	v16 =	vld.idx.msk [tilespmem:v60+s23+$0x0], $0xffff  }
0x71: {  	v22 =	vadd.s32 $0xBB8, v7;
	[tilespmem:s11+$0xFFFFFED0] =	vst v11;
	v18 =	vld.idx.msk [tilespmem:v61+s23+$0x0], $0xffff  }
0x72: {  	v25 =	vadd.s32 $0xBB8, v5;
	[tilespmem:s11+$0xFFFFFE80] =	vst v13;
	v9 =	vld.idx.msk [tilespmem:v62+s23+$0x0], $0xffff  }
0x73: {  	v26 =	vadd.s32 $0xBB8, v4;
	[tilespmem:s11+$0xFFFFFEE0] =	vst v21;
	v15 =	vld.idx.msk [tilespmem:v23+s23+$0x0], $0xffff  }
0x74: {  	v28 =	vadd.s32 $0xBB8, v3;
	v29 =	vld.idx.msk [tilespmem:v24+s23+$0x0], $0xffff;
	[tilespmem:s11+$0xFFFFFEC0] =	vst v8  }
0x75: {  	v31 =	vadd.s32 $0xBB8, v6;
	v19 =	vld.idx.msk [tilespmem:v63+s23+$0x0], $0xffff;
	[tilespmem:s11+$0xFFFFFF70] =	vst v12  }
0x76: {  	v33 =	vadd.s32 $0xBB8, v1;
	[tilespmem:s11+$0xFFFFFF10] =	vst v16;
	v27 =	vld.idx.msk [tilespmem:v22+s23+$0x0], $0xffff  }
0x77: {  	v8 =	vadd.s32 $0x7D0, v0;
	[tilespmem:s11+$0xFFFFFF20] =	vst v18;
	v11 =	vld.idx.msk [tilespmem:v25+s23+$0x0], $0xffff  }
0x78: {  	v32 =	vadd.s32 $0xBB8, v2;
	[tilespmem:s11+$0xFFFFFF30] =	vst v9;
	v12 =	vld.idx.msk [tilespmem:v26+s23+$0x0], $0xffff  }
0x79: {  	v30 =	vadd.s32 $0xFA0, v7;
	[tilespmem:s11+$0xFFFFFF00] =	vst v15;
	v14 =	vld.idx.msk [tilespmem:v28+s23+$0x0], $0xffff  }
0x7a: {  	v35 =	vadd.s32 $0xFA0, v5;
	[tilespmem:s11+$0xFFFFFF50] =	vst v29;
	v17 =	vld.idx.msk [tilespmem:v31+s23+$0x0], $0xffff  }
0x7b: {  	v37 =	vadd.s32 $0xFA0, v4;
	v9 =	vld.idx.msk [tilespmem:v33+s23+$0x0], $0xffff;
	[tilespmem:s11+$0xFFFFFF40] =	vst v19  }
0x7c: {  	v39 =	vadd.s32 $0xFA0, v6;
	v8 =	vld.idx.msk [tilespmem:v8+s23+$0x0], $0xffff;
	[tilespmem:s11+$0xFFFFFFF0] =	vst v27  }
0x7d: {  	v40 =	vadd.s32 $0xFA0, v3;
	v38 =	vld.idx.msk [tilespmem:v32+s23+$0x0], $0xffff;
	[tilespmem:s11+$0xFFFFFF90] =	vst v11  }
0x7e: {  	v43 =	vadd.s32 $0xFA0, v1;
	[tilespmem:s11+$0xFFFFFFA0] =	vst v12;
	v36 =	vld.idx.msk [tilespmem:v30+s23+$0x0], $0xffff  }
0x7f: {  	v34 =	vadd.s32 $0xBB8, v0;
	[tilespmem:s11+$0xFFFFFFB0] =	vst v14;
	v13 =	vld.idx.msk [tilespmem:v35+s23+$0x0], $0xffff  }
0x80: {  	v42 =	vadd.s32 $0xFA0, v2;
	[tilespmem:s11+$0xFFFFFF80] =	vst v17;
	v16 =	vld.idx.msk [tilespmem:v37+s23+$0x0], $0xffff  }
0x81: {  	v18 =	vld.idx.msk [tilespmem:v39+s23+$0x0], $0xffff;
	[tilespmem:s11+$0xFFFFFF60] =	vst v8;
	v8 =	vadd.s32 $0x1388, v7  }
0x82: {  	v45 =	vadd.s32 $0x1388, v5;
	[tilespmem:s11+$0xFFFFFFD0] =	vst v9;
	v46 =	vld.idx.msk [tilespmem:v40+s23+$0x0], $0xffff  }
0x83: {  	v48 =	vadd.s32 $0x1388, v6;
	v50 =	vld.idx.msk [tilespmem:v43+s23+$0x0], $0xffff;
	[tilespmem:s11+$0xFFFFFFC0] =	vst v38  }
0x84: {  	v49 =	vadd.s32 $0x1388, v4;
	v41 =	vld.idx.msk [tilespmem:v34+s23+$0x0], $0xffff;
	[tilespmem:s11+$0x70] =	vst v36  }
0x85: {  	v44 =	vadd.s32 $0xFA0, v0;
	v19 =	vld.idx.msk [tilespmem:v42+s23+$0x0], $0xffff;
	[tilespmem:s11+$0x10] =	vst v13  }
0x86: {  	v51 =	vadd.s32 $0x1388, v3;
	[tilespmem:s11+$0x20] =	vst v16;
	v8 =	vld.idx.msk [tilespmem:v8+s23+$0x0], $0xffff  }
0x87: {  	v47 =	vadd.s32 $0x1770, v7;
	[tilespmem:s11+$0x0] =	vst v18;
	v17 =	vld.idx.msk [tilespmem:v45+s23+$0x0], $0xffff  }
0x88: {  	v52 =	vadd.s32 $0x1388, v2;
	[tilespmem:s11+$0x30] =	vst v46;
	v11 =	vld.idx.msk [tilespmem:v48+s23+$0x0], $0xffff  }
0x89: {  	v55 =	vadd.s32 $0x1770, v6;
	v54 =	vld.idx.msk [tilespmem:v49+s23+$0x0], $0xffff;
	[tilespmem:s11+$0xFFFFFFE0] =	vst v41  }
0x8a: {  	v56 =	vadd.s32 $0x1770, v5;
	[tilespmem:s11+$0x50] =	vst v50;
	v15 =	vld.idx.msk [tilespmem:v44+s23+$0x0], $0xffff  }
0x8b: {  	v53 =	vadd.s32 $0x1388, v0;
	v14 =	vld.idx.msk [tilespmem:v51+s23+$0x0], $0xffff;
	[tilespmem:s11+$0xF0] =	vst v8  }
0x8c: {  	[tilespmem:s11+$0x40] =	vst v19;
	v8 =	vadd.s32 $0x1388, v1;
	v9 =	vld.idx.msk [tilespmem:v47+s23+$0x0], $0xffff  }
0x8d: {  	v7 =	vadd.s32 $0x1B58, v7;
	v16 =	vld.idx.msk [tilespmem:v52+s23+$0x0], $0xffff;
	[tilespmem:s11+$0x80] =	vst v11  }
0x8e: {  	v57 =	vadd.s32 $0x1770, v4;
	[tilespmem:s11+$0x90] =	vst v17;
	v12 =	vld.idx.msk [tilespmem:v55+s23+$0x0], $0xffff  }
0x8f: {  	v58 =	vadd.s32 $0x1770, v3;
	v13 =	vld.idx.msk [tilespmem:v56+s23+$0x0], $0xffff;
	[tilespmem:s11+$0x60] =	vst v15  }
0x90: {  	v59 =	vadd.s32 $0x1770, v2;
	[tilespmem:s11+$0xA0] =	vst v54;
	v18 =	vld.idx.msk [tilespmem:v53+s23+$0x0], $0xffff  }
0x91: {  	v6 =	vadd.s32 $0x1B58, v6;
	v8 =	vld.idx.msk [tilespmem:v8+s23+$0x0], $0xffff;
	[tilespmem:s11+$0x170] =	vst v9  }
0x92: {  	v60 =	vadd.s32 $0x1770, v1;
	[tilespmem:s11+$0xB0] =	vst v14;
	v7 =	vld.idx.msk [tilespmem:v7+s23+$0x0], $0xffff  }
0x93: {  	v61 =	vadd.s32 $0x1770, v0;
	v62 =	vld.idx.msk [tilespmem:v57+s23+$0x0], $0xffff;
	[tilespmem:s11+$0xC0] =	vst v16  }
0x94: {  	v5 =	vadd.s32 $0x1B58, v5;
	v63 =	vld.idx.msk [tilespmem:v58+s23+$0x0], $0xffff;
	[tilespmem:s11+$0x100] =	vst v12  }
0x95: {  	v3 =	vadd.s32 $0x1B58, v3;
	v9 =	vld.idx.msk [tilespmem:v59+s23+$0x0], $0xffff;
	[tilespmem:s11+$0xE0] =	vst v18  }
0x96: {  	v12 =	vld.idx.msk [tilespmem:v6+s23+$0x0], $0xffff;
	[tilespmem:s11+$0xD0] =	vst v8;
	v8 =	vadd.s32 $0x1B58, v4  }
0x97: {  	v11 =	vld.idx.msk [tilespmem:v60+s23+$0x0], $0xffff;
	[tilespmem:s11+$0x1F0] =	vst v7;
	v7 =	vadd.s32 $0x1B58, v2  }
0x98: {  	v1 =	vadd.s32 $0x1B58, v1;
	[tilespmem:s11+$0x110] =	vst v13;
	v10 =	vld.idx.msk [tilespmem:v61+s23+$0x0], $0xffff  }
0x99: {  	v0 =	vadd.s32 $0x1B58, v0;
	[tilespmem:s11+$0x130] =	vst v63;
	v4 =	vld.idx.msk [tilespmem:v5+s23+$0x0], $0xffff  }
0x9a: {  	[tilespmem:s11+$0x120] =	vst v62;
	v2 =	vld.idx.msk [tilespmem:v3+s23+$0x0], $0xffff  }
0x9b: {  	[tilespmem:s11+$0x140] =	vst v9;
	v5 =	vld.idx.msk [tilespmem:v8+s23+$0x0], $0xffff  }
0x9c: {  	[tilespmem:s11+$0x150] =	vst v11;
	v6 =	vld.idx.msk [tilespmem:v7+s23+$0x0], $0xffff  }
0x9d: {  	[tilespmem:s11+$0x160] =	vst v10;
	v3 =	vld.idx.msk [tilespmem:v1+s23+$0x0], $0xffff  }
0x9e: {  	s12 =	simm.s32 $0x0;
	s15 =	simm.s32 $0xC0;
	[tilespmem:s11+$0x180] =	vst v12;
	v1 =	vld.idx.msk [tilespmem:v0+s23+$0x0], $0xffff  }
.LBB2_13:
0x9f: {  	v0 =	vld [tilespmem:s15+$0x30];
	s12 =	sadd.s32 $0x8, s12;
	[tilespmem:s11+$0x190] =	vst v4  }
0xa0: {  	v7 =	vld [tilespmem:s15+$0xFFFFFFD0];
	p1 =	slt.u32 s12, $0x58;
	[tilespmem:s11+$0x1A0] =	vst v5  }
0xa1: {  	v5 =	vld [tilespmem:s15+$0xFFFFFFE0];
	[tilespmem:s11+$0x1B0] =	vst v2  }
0xa2: {  	v2 =	vld [tilespmem:s15+$0xFFFFFFF0];
	[tilespmem:s11+$0x1C0] =	vst v6  }
0xa3: {  	v6 =	vld [tilespmem:s15+$0x0];
	[tilespmem:s11+$0x1D0] =	vst v3  }
0xa4: {  	v3 =	vld [tilespmem:s15+$0x10];
	[tilespmem:s11+$0x1E0] =	vst v1  }
0xa5: {  	v1 =	vadd.s32 $0x3E8, v7;
	v21 =	vadd.s32 $0x7D0, v7;
	v22 =	vadd.s32 $0xBB8, v7;
	v23 =	vld [tilespmem:s15+$0x20]  }
0xa6: {  	v4 =	vld [tilespmem:s15+$0xFFFFFFC0];
	v8 =	vadd.s32 $0x3E8, v5;
	v24 =	vadd.s32 $0x7D0, v5;
	v25 =	vadd.s32 $0xBB8, v5  }
0xa7: {  	v9 =	vadd.s32 $0x3E8, v2;
	v26 =	vadd.s32 $0x7D0, v2;
	v27 =	vadd.s32 $0xBB8, v2;
	v10 =	vld.idx.msk [tilespmem:v0+s23+$0x0], $0xffff  }
0xa8: {  	v11 =	vld.idx.msk [tilespmem:v7+s23+$0x0], $0xffff;
	v12 =	vadd.s32 $0x3E8, v6;
	v28 =	vadd.s32 $0x7D0, v6;
	v29 =	vadd.s32 $0xBB8, v6  }
0xa9: {  	v14 =	vadd.s32 $0x3E8, v0;
	v13 =	vld.idx.msk [tilespmem:v5+s23+$0x0], $0xffff;
	v30 =	vadd.s32 $0x3E8, v3;
	v31 =	vadd.s32 $0x7D0, v3  }
0xaa: {  	v32 =	vadd.s32 $0xBB8, v3;
	v16 =	vld.idx.msk [tilespmem:v2+s23+$0x0], $0xffff;
	v33 =	vadd.s32 $0x3E8, v23;
	v34 =	vadd.s32 $0x7D0, v23  }
0xab: {  	v35 =	vadd.s32 $0x3E8, v4;
	v36 =	vadd.s32 $0x7D0, v4;
	v37 =	vadd.s32 $0xBB8, v4;
	v20 =	vld.idx.msk [tilespmem:v6+s23+$0x0], $0xffff  }
0xac: {  	s11 =	sadd.s32 $0x400, s11;
	v39 =	vadd.s32 $0xFA0, v7;
	v41 =	vadd.s32 $0xBB8, v23;
	v38 =	vadd.s32 $0xFA0, v4;
	v40 =	vld.idx.msk [tilespmem:v3+s23+$0x0], $0xffff  }
0xad: {  	v42 =	vadd.s32 $0xFA0, v5;
	v43 =	vadd.s32 $0xFA0, v2;
	v44 =	vadd.s32 $0xFA0, v6;
	v45 =	vld.idx.msk [tilespmem:v23+s23+$0x0], $0xffff;
	[tilespmem:s11+$0xFFFFFE70] =	vst v10  }
0xae: {  	v46 =	vadd.s32 $0xFA0, v3;
	v47 =	vadd.s32 $0xFA0, v23;
	v15 =	vadd.s32 $0x1388, v4;
	[tilespmem:s11+$0xFFFFFE10] =	vst v11;
	v48 =	vld.idx.msk [tilespmem:v14+s23+$0x0], $0xffff  }
0xaf: {  	v50 =	vadd.s32 $0x1388, v7;
	v19 =	vadd.s32 $0x1388, v5;
	v17 =	vadd.s32 $0x1388, v2;
	v49 =	vld.idx.msk [tilespmem:v4+s23+$0x0], $0xffff;
	[tilespmem:s11+$0xFFFFFE20] =	vst v13  }
0xb0: {  	v52 =	vadd.s32 $0x7D0, v0;
	v18 =	vadd.s32 $0x1388, v6;
	v51 =	vld.idx.msk [tilespmem:v1+s23+$0x0], $0xffff;
	[tilespmem:s11+$0xFFFFFE30] =	vst v16;
	v16 =	vadd.s32 $0x1388, v3  }
0xb1: {  	v10 =	vadd.s32 $0x1770, v7;
	v13 =	vadd.s32 $0x1770, v4;
	v53 =	vld.idx.msk [tilespmem:v8+s23+$0x0], $0xffff;
	[tilespmem:s11+$0xFFFFFE40] =	vst v20;
	v20 =	vadd.s32 $0x1388, v23  }
0xb2: {  	v14 =	vadd.s32 $0x1770, v5;
	v11 =	vadd.s32 $0x1770, v2;
	v8 =	vadd.s32 $0x1770, v6;
	v54 =	vld.idx.msk [tilespmem:v9+s23+$0x0], $0xffff;
	[tilespmem:s11+$0xFFFFFE50] =	vst v40  }
0xb3: {  	v4 =	vadd.s32 $0x1B58, v4;
	v9 =	vadd.s32 $0x1770, v23;
	v40 =	vld.idx.msk [tilespmem:v12+s23+$0x0], $0xffff;
	v12 =	vadd.s32 $0x1770, v3;
	[tilespmem:s11+$0xFFFFFE60] =	vst v45  }
0xb4: {  	v7 =	vadd.s32 $0x1B58, v7;
	v5 =	vadd.s32 $0x1B58, v5;
	v2 =	vadd.s32 $0x1B58, v2;
	v30 =	vld.idx.msk [tilespmem:v30+s23+$0x0], $0xffff;
	[tilespmem:s11+$0xFFFFFEF0] =	vst v48  }
0xb5: {  	v1 =	vadd.s32 $0x1B58, v23;
	v6 =	vadd.s32 $0x1B58, v6;
	v3 =	vadd.s32 $0x1B58, v3;
	[tilespmem:s11+$0xFFFFFE00] =	vst v49;
	v23 =	vld.idx.msk [tilespmem:v52+s23+$0x0], $0xffff  }
0xb6: {  	v35 =	vld.idx.msk [tilespmem:v35+s23+$0x0], $0xffff;
	[tilespmem:s11+$0xFFFFFE90] =	vst v51  }
0xb7: {  	v45 =	vadd.s32 $0xBB8, v0;
	[tilespmem:s11+$0xFFFFFEA0] =	vst v53;
	v33 =	vld.idx.msk [tilespmem:v33+s23+$0x0], $0xffff  }
0xb8: {  	v21 =	vld.idx.msk [tilespmem:v21+s23+$0x0], $0xffff;
	[tilespmem:s11+$0xFFFFFEB0] =	vst v54  }
0xb9: {  	v24 =	vld.idx.msk [tilespmem:v24+s23+$0x0], $0xffff;
	[tilespmem:s11+$0xFFFFFEC0] =	vst v40  }
0xba: {  	v26 =	vld.idx.msk [tilespmem:v26+s23+$0x0], $0xffff;
	[tilespmem:s11+$0xFFFFFED0] =	vst v30  }
0xbb: {  	v28 =	vld.idx.msk [tilespmem:v28+s23+$0x0], $0xffff;
	[tilespmem:s11+$0xFFFFFF70] =	vst v23  }
0xbc: {  	[tilespmem:s11+$0xFFFFFE80] =	vst v35;
	v23 =	vld.idx.msk [tilespmem:v45+s23+$0x0], $0xffff  }
0xbd: {  	v30 =	vld.idx.msk [tilespmem:v36+s23+$0x0], $0xffff;
	[tilespmem:s11+$0xFFFFFEE0] =	vst v33  }
0xbe: {  	[tilespmem:s11+$0xFFFFFF10] =	vst v21;
	v21 =	vld.idx.msk [tilespmem:v31+s23+$0x0], $0xffff;
	v31 =	vadd.s32 $0xFA0, v0  }
0xbf: {  	[tilespmem:s11+$0xFFFFFF20] =	vst v24;
	v24 =	vld.idx.msk [tilespmem:v34+s23+$0x0], $0xffff  }
0xc0: {  	v22 =	vld.idx.msk [tilespmem:v22+s23+$0x0], $0xffff;
	[tilespmem:s11+$0xFFFFFF30] =	vst v26  }
0xc1: {  	v25 =	vld.idx.msk [tilespmem:v25+s23+$0x0], $0xffff;
	[tilespmem:s11+$0xFFFFFF40] =	vst v28  }
0xc2: {  	v26 =	vld.idx.msk [tilespmem:v27+s23+$0x0], $0xffff;
	[tilespmem:s11+$0xFFFFFFF0] =	vst v23  }
0xc3: {  	[tilespmem:s11+$0xFFFFFF00] =	vst v30;
	v23 =	vld.idx.msk [tilespmem:v31+s23+$0x0], $0xffff  }
0xc4: {  	v27 =	vld.idx.msk [tilespmem:v37+s23+$0x0], $0xffff;
	[tilespmem:s11+$0xFFFFFF50] =	vst v21  }
0xc5: {  	v21 =	vld.idx.msk [tilespmem:v29+s23+$0x0], $0xffff;
	[tilespmem:s11+$0xFFFFFF60] =	vst v24;
	v24 =	vadd.s32 $0x1388, v0  }
0xc6: {  	[tilespmem:s11+$0xFFFFFF90] =	vst v22;
	v22 =	vld.idx.msk [tilespmem:v32+s23+$0x0], $0xffff  }
0xc7: {  	[tilespmem:s11+$0xFFFFFFA0] =	vst v25;
	v25 =	vld.idx.msk [tilespmem:v41+s23+$0x0], $0xffff  }
0xc8: {  	v28 =	vld.idx.msk [tilespmem:v39+s23+$0x0], $0xffff;
	[tilespmem:s11+$0xFFFFFFB0] =	vst v26  }
0xc9: {  	v26 =	vld.idx.msk [tilespmem:v42+s23+$0x0], $0xffff;
	[tilespmem:s11+$0x70] =	vst v23  }
0xca: {  	[tilespmem:s11+$0xFFFFFF80] =	vst v27;
	v23 =	vld.idx.msk [tilespmem:v24+s23+$0x0], $0xffff  }
0xcb: {  	v24 =	vld.idx.msk [tilespmem:v38+s23+$0x0], $0xffff;
	[tilespmem:s11+$0xFFFFFFC0] =	vst v21  }
0xcc: {  	v21 =	vld.idx.msk [tilespmem:v43+s23+$0x0], $0xffff;
	[tilespmem:s11+$0xFFFFFFD0] =	vst v22;
	v22 =	vadd.s32 $0x1770, v0  }
0xcd: {  	v27 =	vld.idx.msk [tilespmem:v44+s23+$0x0], $0xffff;
	[tilespmem:s11+$0xFFFFFFE0] =	vst v25  }
0xce: {  	[tilespmem:s11+$0x10] =	vst v28;
	v25 =	vld.idx.msk [tilespmem:v46+s23+$0x0], $0xffff  }
0xcf: {  	[tilespmem:s11+$0x20] =	vst v26;
	v26 =	vld.idx.msk [tilespmem:v47+s23+$0x0], $0xffff  }
0xd0: {  	v28 =	vld.idx.msk [tilespmem:v50+s23+$0x0], $0xffff;
	[tilespmem:s11+$0xF0] =	vst v23  }
0xd1: {  	[tilespmem:s11+$0x0] =	vst v24;
	v22 =	vld.idx.msk [tilespmem:v22+s23+$0x0], $0xffff  }
0xd2: {  	v15 =	vld.idx.msk [tilespmem:v15+s23+$0x0], $0xffff;
	[tilespmem:s11+$0x30] =	vst v21  }
0xd3: {  	v0 =	vadd.s32 $0x1B58, v0;
	v19 =	vld.idx.msk [tilespmem:v19+s23+$0x0], $0xffff;
	[tilespmem:s11+$0x40] =	vst v27  }
0xd4: {  	v17 =	vld.idx.msk [tilespmem:v17+s23+$0x0], $0xffff;
	[tilespmem:s11+$0x50] =	vst v25  }
0xd5: {  	v18 =	vld.idx.msk [tilespmem:v18+s23+$0x0], $0xffff;
	[tilespmem:s11+$0x60] =	vst v26  }
0xd6: {  	[tilespmem:s11+$0x90] =	vst v28;
	v16 =	vld.idx.msk [tilespmem:v16+s23+$0x0], $0xffff  }
0xd7: {  	v20 =	vld.idx.msk [tilespmem:v20+s23+$0x0], $0xffff;
	[tilespmem:s11+$0x170] =	vst v22  }
0xd8: {  	[tilespmem:s11+$0x80] =	vst v15;
	v0 =	vld.idx.msk [tilespmem:v0+s23+$0x0], $0xffff  }
0xd9: {  	v13 =	vld.idx.msk [tilespmem:v13+s23+$0x0], $0xffff;
	[tilespmem:s11+$0xA0] =	vst v19  }
0xda: {  	v10 =	vld.idx.msk [tilespmem:v10+s23+$0x0], $0xffff;
	[tilespmem:s11+$0xB0] =	vst v17  }
0xdb: {  	v14 =	vld.idx.msk [tilespmem:v14+s23+$0x0], $0xffff;
	[tilespmem:s11+$0xC0] =	vst v18  }
0xdc: {  	v11 =	vld.idx.msk [tilespmem:v11+s23+$0x0], $0xffff;
	[tilespmem:s11+$0xD0] =	vst v16  }
0xdd: {  	v8 =	vld.idx.msk [tilespmem:v8+s23+$0x0], $0xffff;
	[tilespmem:s11+$0xE0] =	vst v20  }
0xde: {  	v12 =	vld.idx.msk [tilespmem:v12+s23+$0x0], $0xffff;
	[tilespmem:s11+$0x1F0] =	vst v0  }
0xdf: {  	[tilespmem:s11+$0x100] =	vst v13;
	v0 =	vld.idx.msk [tilespmem:v9+s23+$0x0], $0xffff  }
0xe0: {  	v9 =	vld.idx.msk [tilespmem:v4+s23+$0x0], $0xffff;
	[tilespmem:s11+$0x110] =	vst v10  }
0xe1: {  	v4 =	vld.idx.msk [tilespmem:v7+s23+$0x0], $0xffff;
	[tilespmem:s11+$0x120] =	vst v14  }
.Ltmp5:
0xe2: {  	v5 =	vld.idx.msk [tilespmem:v5+s23+$0x0], $0xffff;
	[tilespmem:s11+$0x130] =	vst v11;
	(pc) =	sbr.rel @p1 .LBB2_13-.Ltmp5, $4  }
0xe3: {  	v2 =	vld.idx.msk [tilespmem:v2+s23+$0x0], $0xffff;
	[tilespmem:s11+$0x140] =	vst v8  }
0xe4: {  	v6 =	vld.idx.msk [tilespmem:v6+s23+$0x0], $0xffff;
	[tilespmem:s11+$0x150] =	vst v12  }
0xe5: {  	v3 =	vld.idx.msk [tilespmem:v3+s23+$0x0], $0xffff;
	[tilespmem:s11+$0x160] =	vst v0  }
0xe6: {  	s15 =	sadd.s32 $0x80, s15;
	[tilespmem:s11+$0x180] =	vst v9;
	v1 =	vld.idx.msk [tilespmem:v1+s23+$0x0], $0xffff  }
0xe7: {  	[tilespmem:s11+$0x190] =	vst v4  }
0xe8: {  	[tilespmem:s11+$0x1A0] =	vst v5;
	s10 =	smul.u32 $0x64000, s10  }
0xe9: {  	[tilespmem:s11+$0x1B0] =	vst v2  }
0xea: {  	[tilespmem:s11+$0x1C0] =	vst v6;
	s12 =	sadd.s32 s8, s10  }
0xeb: {  	[tilespmem:s11+$0x1D0] =	vst v3;
	s12 =	sshrl.u32 s12, $0x3  }
0xec: {  	[tilespmem:s11+$0x1E0] =	vst v1;
	s12 =	sadd.s32 s2, s12;
	s11 =	simm.s32 @!p0 $0x7  }
0xed: {  	[hbm4b:s12+s4] =	stream.linear.scatter [tilespmem:s24], [sflag:$0x6], $0x3000, $0x38;
	[tilespmem:$0x13480] =	vst v63  }
0xee: {  	_ =	swait.ge @!p0 [sflag:s11], $0x3400  }
0xef: {  	[sflag:s11] =	ssyncset.done @!p0 $0x0  }
0xf0: {  	s15 =	simm.s32 $0x670;
	[sflag:s11] =	ssyncadd.s32 @!p0 $0xFFFFCC00  }
0xf1: {  	v7 =	vld [tilespmem:s15+$0x0]  }
0xf2: {  	v5 =	vld [tilespmem:s15+$0xFFFFFFA0]  }
0xf3: {  	v4 =	vld [tilespmem:s15+$0xFFFFFFB0]  }
0xf4: {  	v3 =	vld [tilespmem:s15+$0xFFFFFFC0]  }
0xf5: {  	v2 =	vld [tilespmem:s15+$0xFFFFFFD0]  }
0xf6: {  	v1 =	vld [tilespmem:s15+$0xFFFFFFE0]  }
0xf7: {  	v0 =	vld [tilespmem:s15+$0xFFFFFFF0]  }
0xf8: {  	v6 =	vld [tilespmem:s15+$0xFFFFFF90]  }
0xf9: {  	v8 =	vld.idx.msk [tilespmem:v7+s23+$0x0], $0xffff  }
0xfa: {  	v9 =	vld.idx.msk [tilespmem:v5+s23+$0x0], $0xffff  }
0xfb: {  	v10 =	vld.idx.msk [tilespmem:v4+s23+$0x0], $0xffff  }
0xfc: {  	v11 =	vadd.s32 $0x3E8, v7;
	v12 =	vld.idx.msk [tilespmem:v3+s23+$0x0], $0xffff  }
0xfd: {  	v13 =	vadd.s32 $0x3E8, v5;
	v14 =	vld.idx.msk [tilespmem:v2+s23+$0x0], $0xffff  }
0xfe: {  	s11 =	simm.s32 $0x103F0;
	v15 =	vadd.s32 $0x3E8, v4;
	v16 =	vld.idx.msk [tilespmem:v1+s23+$0x0], $0xffff  }
0xff: {  	v17 =	vadd.s32 $0x3E8, v3;
	v18 =	vld.idx.msk [tilespmem:v0+s23+$0x0], $0xffff;
	[tilespmem:s11+$0xFFFFFC80] =	vst v8  }
0x100: {  	v55 =	vadd.s32 $0x3E8, v1;
	v19 =	vld.idx.msk [tilespmem:v6+s23+$0x0], $0xffff;
	[tilespmem:s11+$0xFFFFFC20] =	vst v9  }
0x101: {  	v58 =	vadd.s32 $0x3E8, v6;
	[tilespmem:s11+$0xFFFFFC30] =	vst v10;
	v54 =	vld.idx.msk [tilespmem:v11+s23+$0x0], $0xffff  }
0x102: {  	v59 =	vadd.s32 $0x3E8, v0;
	[tilespmem:s11+$0xFFFFFC40] =	vst v12;
	v56 =	vld.idx.msk [tilespmem:v13+s23+$0x0], $0xffff  }
0x103: {  	v8 =	vadd.s32 $0x3E8, v2;
	[tilespmem:s11+$0xFFFFFC50] =	vst v14;
	v15 =	vld.idx.msk [tilespmem:v15+s23+$0x0], $0xffff  }
0x104: {  	v57 =	vadd.s32 $0x7D0, v7;
	[tilespmem:s11+$0xFFFFFC60] =	vst v16;
	v17 =	vld.idx.msk [tilespmem:v17+s23+$0x0], $0xffff  }
0x105: {  	v60 =	vadd.s32 $0x7D0, v5;
	[tilespmem:s11+$0xFFFFFC10] =	vst v19;
	v11 =	vld.idx.msk [tilespmem:v55+s23+$0x0], $0xffff  }
0x106: {  	v61 =	vadd.s32 $0x7D0, v4;
	[tilespmem:s11+$0xFFFFFC70] =	vst v18;
	v13 =	vld.idx.msk [tilespmem:v58+s23+$0x0], $0xffff  }
0x107: {  	v62 =	vadd.s32 $0x7D0, v3;
	v21 =	vld.idx.msk [tilespmem:v59+s23+$0x0], $0xffff;
	[tilespmem:s11+$0xFFFFFD00] =	vst v54  }
0x108: {  	v23 =	vadd.s32 $0x7D0, v6;
	v8 =	vld.idx.msk [tilespmem:v8+s23+$0x0], $0xffff;
	[tilespmem:s11+$0xFFFFFCA0] =	vst v56  }
0x109: {  	v24 =	vadd.s32 $0x7D0, v1;
	[tilespmem:s11+$0xFFFFFCB0] =	vst v15;
	v12 =	vld.idx.msk [tilespmem:v57+s23+$0x0], $0xffff  }
0x10a: {  	v63 =	vadd.s32 $0x7D0, v2;
	[tilespmem:s11+$0xFFFFFCC0] =	vst v17;
	v16 =	vld.idx.msk [tilespmem:v60+s23+$0x0], $0xffff  }
0x10b: {  	v22 =	vadd.s32 $0xBB8, v7;
	[tilespmem:s11+$0xFFFFFCE0] =	vst v11;
	v18 =	vld.idx.msk [tilespmem:v61+s23+$0x0], $0xffff  }
0x10c: {  	v25 =	vadd.s32 $0xBB8, v5;
	[tilespmem:s11+$0xFFFFFC90] =	vst v13;
	v9 =	vld.idx.msk [tilespmem:v62+s23+$0x0], $0xffff  }
0x10d: {  	v26 =	vadd.s32 $0xBB8, v4;
	[tilespmem:s11+$0xFFFFFCF0] =	vst v21;
	v15 =	vld.idx.msk [tilespmem:v23+s23+$0x0], $0xffff  }
0x10e: {  	v28 =	vadd.s32 $0xBB8, v3;
	v29 =	vld.idx.msk [tilespmem:v24+s23+$0x0], $0xffff;
	[tilespmem:s11+$0xFFFFFCD0] =	vst v8  }
0x10f: {  	v31 =	vadd.s32 $0xBB8, v6;
	v19 =	vld.idx.msk [tilespmem:v63+s23+$0x0], $0xffff;
	[tilespmem:s11+$0xFFFFFD80] =	vst v12  }
0x110: {  	v33 =	vadd.s32 $0xBB8, v1;
	[tilespmem:s11+$0xFFFFFD20] =	vst v16;
	v27 =	vld.idx.msk [tilespmem:v22+s23+$0x0], $0xffff  }
0x111: {  	v8 =	vadd.s32 $0x7D0, v0;
	[tilespmem:s11+$0xFFFFFD30] =	vst v18;
	v11 =	vld.idx.msk [tilespmem:v25+s23+$0x0], $0xffff  }
0x112: {  	v32 =	vadd.s32 $0xBB8, v2;
	[tilespmem:s11+$0xFFFFFD40] =	vst v9;
	v12 =	vld.idx.msk [tilespmem:v26+s23+$0x0], $0xffff  }
0x113: {  	v30 =	vadd.s32 $0xFA0, v7;
	[tilespmem:s11+$0xFFFFFD10] =	vst v15;
	v14 =	vld.idx.msk [tilespmem:v28+s23+$0x0], $0xffff  }
0x114: {  	v35 =	vadd.s32 $0xFA0, v5;
	[tilespmem:s11+$0xFFFFFD60] =	vst v29;
	v17 =	vld.idx.msk [tilespmem:v31+s23+$0x0], $0xffff  }
0x115: {  	v37 =	vadd.s32 $0xFA0, v4;
	v9 =	vld.idx.msk [tilespmem:v33+s23+$0x0], $0xffff;
	[tilespmem:s11+$0xFFFFFD50] =	vst v19  }
0x116: {  	v39 =	vadd.s32 $0xFA0, v6;
	v8 =	vld.idx.msk [tilespmem:v8+s23+$0x0], $0xffff;
	[tilespmem:s11+$0xFFFFFE00] =	vst v27  }
0x117: {  	v40 =	vadd.s32 $0xFA0, v3;
	v38 =	vld.idx.msk [tilespmem:v32+s23+$0x0], $0xffff;
	[tilespmem:s11+$0xFFFFFDA0] =	vst v11  }
0x118: {  	v43 =	vadd.s32 $0xFA0, v1;
	[tilespmem:s11+$0xFFFFFDB0] =	vst v12;
	v36 =	vld.idx.msk [tilespmem:v30+s23+$0x0], $0xffff  }
0x119: {  	v34 =	vadd.s32 $0xBB8, v0;
	[tilespmem:s11+$0xFFFFFDC0] =	vst v14;
	v13 =	vld.idx.msk [tilespmem:v35+s23+$0x0], $0xffff  }
0x11a: {  	v42 =	vadd.s32 $0xFA0, v2;
	[tilespmem:s11+$0xFFFFFD90] =	vst v17;
	v16 =	vld.idx.msk [tilespmem:v37+s23+$0x0], $0xffff  }
0x11b: {  	v18 =	vld.idx.msk [tilespmem:v39+s23+$0x0], $0xffff;
	[tilespmem:s11+$0xFFFFFD70] =	vst v8;
	v8 =	vadd.s32 $0x1388, v7  }
0x11c: {  	v45 =	vadd.s32 $0x1388, v5;
	[tilespmem:s11+$0xFFFFFDE0] =	vst v9;
	v46 =	vld.idx.msk [tilespmem:v40+s23+$0x0], $0xffff  }
0x11d: {  	v48 =	vadd.s32 $0x1388, v6;
	v50 =	vld.idx.msk [tilespmem:v43+s23+$0x0], $0xffff;
	[tilespmem:s11+$0xFFFFFDD0] =	vst v38  }
0x11e: {  	v49 =	vadd.s32 $0x1388, v4;
	v41 =	vld.idx.msk [tilespmem:v34+s23+$0x0], $0xffff;
	[tilespmem:s11+$0xFFFFFE80] =	vst v36  }
0x11f: {  	v44 =	vadd.s32 $0xFA0, v0;
	v19 =	vld.idx.msk [tilespmem:v42+s23+$0x0], $0xffff;
	[tilespmem:s11+$0xFFFFFE20] =	vst v13  }
0x120: {  	v51 =	vadd.s32 $0x1388, v3;
	[tilespmem:s11+$0xFFFFFE30] =	vst v16;
	v8 =	vld.idx.msk [tilespmem:v8+s23+$0x0], $0xffff  }
0x121: {  	v47 =	vadd.s32 $0x1770, v7;
	[tilespmem:s11+$0xFFFFFE10] =	vst v18;
	v17 =	vld.idx.msk [tilespmem:v45+s23+$0x0], $0xffff  }
0x122: {  	v52 =	vadd.s32 $0x1388, v2;
	[tilespmem:s11+$0xFFFFFE40] =	vst v46;
	v11 =	vld.idx.msk [tilespmem:v48+s23+$0x0], $0xffff  }
0x123: {  	v55 =	vadd.s32 $0x1770, v6;
	v54 =	vld.idx.msk [tilespmem:v49+s23+$0x0], $0xffff;
	[tilespmem:s11+$0xFFFFFDF0] =	vst v41  }
0x124: {  	v56 =	vadd.s32 $0x1770, v5;
	[tilespmem:s11+$0xFFFFFE60] =	vst v50;
	v15 =	vld.idx.msk [tilespmem:v44+s23+$0x0], $0xffff  }
0x125: {  	v53 =	vadd.s32 $0x1388, v0;
	v14 =	vld.idx.msk [tilespmem:v51+s23+$0x0], $0xffff;
	[tilespmem:s11+$0xFFFFFF00] =	vst v8  }
0x126: {  	[tilespmem:s11+$0xFFFFFE50] =	vst v19;
	v8 =	vadd.s32 $0x1388, v1;
	v9 =	vld.idx.msk [tilespmem:v47+s23+$0x0], $0xffff  }
0x127: {  	v7 =	vadd.s32 $0x1B58, v7;
	v16 =	vld.idx.msk [tilespmem:v52+s23+$0x0], $0xffff;
	[tilespmem:s11+$0xFFFFFE90] =	vst v11  }
0x128: {  	v57 =	vadd.s32 $0x1770, v4;
	[tilespmem:s11+$0xFFFFFEA0] =	vst v17;
	v12 =	vld.idx.msk [tilespmem:v55+s23+$0x0], $0xffff  }
0x129: {  	v58 =	vadd.s32 $0x1770, v3;
	v13 =	vld.idx.msk [tilespmem:v56+s23+$0x0], $0xffff;
	[tilespmem:s11+$0xFFFFFE70] =	vst v15  }
0x12a: {  	v59 =	vadd.s32 $0x1770, v2;
	[tilespmem:s11+$0xFFFFFEB0] =	vst v54;
	v18 =	vld.idx.msk [tilespmem:v53+s23+$0x0], $0xffff  }
0x12b: {  	v6 =	vadd.s32 $0x1B58, v6;
	v8 =	vld.idx.msk [tilespmem:v8+s23+$0x0], $0xffff;
	[tilespmem:s11+$0xFFFFFF80] =	vst v9  }
0x12c: {  	v60 =	vadd.s32 $0x1770, v1;
	[tilespmem:s11+$0xFFFFFEC0] =	vst v14;
	v7 =	vld.idx.msk [tilespmem:v7+s23+$0x0], $0xffff  }
0x12d: {  	v61 =	vadd.s32 $0x1770, v0;
	v62 =	vld.idx.msk [tilespmem:v57+s23+$0x0], $0xffff;
	[tilespmem:s11+$0xFFFFFED0] =	vst v16  }
0x12e: {  	v5 =	vadd.s32 $0x1B58, v5;
	v63 =	vld.idx.msk [tilespmem:v58+s23+$0x0], $0xffff;
	[tilespmem:s11+$0xFFFFFF10] =	vst v12  }
0x12f: {  	v3 =	vadd.s32 $0x1B58, v3;
	v9 =	vld.idx.msk [tilespmem:v59+s23+$0x0], $0xffff;
	[tilespmem:s11+$0xFFFFFEF0] =	vst v18  }
0x130: {  	v12 =	vld.idx.msk [tilespmem:v6+s23+$0x0], $0xffff;
	[tilespmem:s11+$0xFFFFFEE0] =	vst v8;
	v8 =	vadd.s32 $0x1B58, v4  }
0x131: {  	v11 =	vld.idx.msk [tilespmem:v60+s23+$0x0], $0xffff;
	[tilespmem:s11+$0x0] =	vst v7;
	v7 =	vadd.s32 $0x1B58, v2  }
0x132: {  	v1 =	vadd.s32 $0x1B58, v1;
	[tilespmem:s11+$0xFFFFFF20] =	vst v13;
	v10 =	vld.idx.msk [tilespmem:v61+s23+$0x0], $0xffff  }
0x133: {  	v0 =	vadd.s32 $0x1B58, v0;
	[tilespmem:s11+$0xFFFFFF40] =	vst v63;
	v4 =	vld.idx.msk [tilespmem:v5+s23+$0x0], $0xffff  }
0x134: {  	[tilespmem:s11+$0xFFFFFF30] =	vst v62;
	v2 =	vld.idx.msk [tilespmem:v3+s23+$0x0], $0xffff  }
0x135: {  	[tilespmem:s11+$0xFFFFFF50] =	vst v9;
	v5 =	vld.idx.msk [tilespmem:v8+s23+$0x0], $0xffff  }
0x136: {  	[tilespmem:s11+$0xFFFFFF60] =	vst v11;
	v6 =	vld.idx.msk [tilespmem:v7+s23+$0x0], $0xffff  }
0x137: {  	[tilespmem:s11+$0xFFFFFF70] =	vst v10;
	v3 =	vld.idx.msk [tilespmem:v1+s23+$0x0], $0xffff  }
0x138: {  	s12 =	simm.s32 $0x60;
	s15 =	simm.s32 $0x6F0;
	[tilespmem:s11+$0xFFFFFF90] =	vst v12;
	v1 =	vld.idx.msk [tilespmem:v0+s23+$0x0], $0xffff  }
.LBB2_15:
0x139: {  	v0 =	vld [tilespmem:s15+$0x0];
	s12 =	sadd.s32 $0x8, s12;
	[tilespmem:s11+$0xFFFFFFA0] =	vst v4  }
0x13a: {  	v7 =	vld [tilespmem:s15+$0xFFFFFFA0];
	p0 =	slt.u32 s12, $0xC0;
	[tilespmem:s11+$0xFFFFFFB0] =	vst v5  }
0x13b: {  	v5 =	vld [tilespmem:s15+$0xFFFFFFB0];
	[tilespmem:s11+$0xFFFFFFC0] =	vst v2  }
0x13c: {  	v2 =	vld [tilespmem:s15+$0xFFFFFFC0];
	[tilespmem:s11+$0xFFFFFFD0] =	vst v6  }
0x13d: {  	v6 =	vld [tilespmem:s15+$0xFFFFFFD0];
	[tilespmem:s11+$0xFFFFFFE0] =	vst v3  }
0x13e: {  	v3 =	vld [tilespmem:s15+$0xFFFFFFE0];
	[tilespmem:s11+$0xFFFFFFF0] =	vst v1  }
0x13f: {  	v1 =	vadd.s32 $0x3E8, v7;
	v21 =	vadd.s32 $0x7D0, v7;
	v22 =	vadd.s32 $0xBB8, v7;
	v23 =	vld [tilespmem:s15+$0xFFFFFFF0]  }
0x140: {  	v4 =	vld [tilespmem:s15+$0xFFFFFF90];
	v8 =	vadd.s32 $0x3E8, v5;
	v24 =	vadd.s32 $0x7D0, v5;
	v25 =	vadd.s32 $0xBB8, v5  }
0x141: {  	v9 =	vadd.s32 $0x3E8, v2;
	v26 =	vadd.s32 $0x7D0, v2;
	v27 =	vadd.s32 $0xBB8, v2;
	v10 =	vld.idx.msk [tilespmem:v0+s23+$0x0], $0xffff  }
0x142: {  	v11 =	vld.idx.msk [tilespmem:v7+s23+$0x0], $0xffff;
	v12 =	vadd.s32 $0x3E8, v6;
	v28 =	vadd.s32 $0x7D0, v6;
	v29 =	vadd.s32 $0xBB8, v6  }
0x143: {  	v14 =	vadd.s32 $0x3E8, v0;
	v13 =	vld.idx.msk [tilespmem:v5+s23+$0x0], $0xffff;
	v30 =	vadd.s32 $0x3E8, v3;
	v31 =	vadd.s32 $0x7D0, v3  }
0x144: {  	v32 =	vadd.s32 $0xBB8, v3;
	v16 =	vld.idx.msk [tilespmem:v2+s23+$0x0], $0xffff;
	v33 =	vadd.s32 $0x3E8, v23;
	v34 =	vadd.s32 $0x7D0, v23  }
0x145: {  	v35 =	vadd.s32 $0x3E8, v4;
	v36 =	vadd.s32 $0x7D0, v4;
	v37 =	vadd.s32 $0xBB8, v4;
	v20 =	vld.idx.msk [tilespmem:v6+s23+$0x0], $0xffff  }
0x146: {  	s11 =	sadd.s32 $0x400, s11;
	v39 =	vadd.s32 $0xFA0, v7;
	v41 =	vadd.s32 $0xBB8, v23;
	v38 =	vadd.s32 $0xFA0, v4;
	v40 =	vld.idx.msk [tilespmem:v3+s23+$0x0], $0xffff  }
0x147: {  	v42 =	vadd.s32 $0xFA0, v5;
	v43 =	vadd.s32 $0xFA0, v2;
	v44 =	vadd.s32 $0xFA0, v6;
	v45 =	vld.idx.msk [tilespmem:v23+s23+$0x0], $0xffff;
	[tilespmem:s11+$0xFFFFFC80] =	vst v10  }
0x148: {  	v46 =	vadd.s32 $0xFA0, v3;
	v47 =	vadd.s32 $0xFA0, v23;
	v15 =	vadd.s32 $0x1388, v4;
	[tilespmem:s11+$0xFFFFFC20] =	vst v11;
	v48 =	vld.idx.msk [tilespmem:v14+s23+$0x0], $0xffff  }
0x149: {  	v50 =	vadd.s32 $0x1388, v7;
	v19 =	vadd.s32 $0x1388, v5;
	v17 =	vadd.s32 $0x1388, v2;
	v49 =	vld.idx.msk [tilespmem:v4+s23+$0x0], $0xffff;
	[tilespmem:s11+$0xFFFFFC30] =	vst v13  }
0x14a: {  	v52 =	vadd.s32 $0x7D0, v0;
	v18 =	vadd.s32 $0x1388, v6;
	v51 =	vld.idx.msk [tilespmem:v1+s23+$0x0], $0xffff;
	[tilespmem:s11+$0xFFFFFC40] =	vst v16;
	v16 =	vadd.s32 $0x1388, v3  }
0x14b: {  	v10 =	vadd.s32 $0x1770, v7;
	v13 =	vadd.s32 $0x1770, v4;
	v53 =	vld.idx.msk [tilespmem:v8+s23+$0x0], $0xffff;
	[tilespmem:s11+$0xFFFFFC50] =	vst v20;
	v20 =	vadd.s32 $0x1388, v23  }
0x14c: {  	v14 =	vadd.s32 $0x1770, v5;
	v11 =	vadd.s32 $0x1770, v2;
	v8 =	vadd.s32 $0x1770, v6;
	v54 =	vld.idx.msk [tilespmem:v9+s23+$0x0], $0xffff;
	[tilespmem:s11+$0xFFFFFC60] =	vst v40  }
0x14d: {  	v4 =	vadd.s32 $0x1B58, v4;
	v9 =	vadd.s32 $0x1770, v23;
	v40 =	vld.idx.msk [tilespmem:v12+s23+$0x0], $0xffff;
	v12 =	vadd.s32 $0x1770, v3;
	[tilespmem:s11+$0xFFFFFC70] =	vst v45  }
0x14e: {  	v7 =	vadd.s32 $0x1B58, v7;
	v5 =	vadd.s32 $0x1B58, v5;
	v2 =	vadd.s32 $0x1B58, v2;
	v30 =	vld.idx.msk [tilespmem:v30+s23+$0x0], $0xffff;
	[tilespmem:s11+$0xFFFFFD00] =	vst v48  }
0x14f: {  	v1 =	vadd.s32 $0x1B58, v23;
	v6 =	vadd.s32 $0x1B58, v6;
	v3 =	vadd.s32 $0x1B58, v3;
	[tilespmem:s11+$0xFFFFFC10] =	vst v49;
	v23 =	vld.idx.msk [tilespmem:v52+s23+$0x0], $0xffff  }
0x150: {  	v35 =	vld.idx.msk [tilespmem:v35+s23+$0x0], $0xffff;
	[tilespmem:s11+$0xFFFFFCA0] =	vst v51  }
0x151: {  	v45 =	vadd.s32 $0xBB8, v0;
	[tilespmem:s11+$0xFFFFFCB0] =	vst v53;
	v33 =	vld.idx.msk [tilespmem:v33+s23+$0x0], $0xffff  }
0x152: {  	v21 =	vld.idx.msk [tilespmem:v21+s23+$0x0], $0xffff;
	[tilespmem:s11+$0xFFFFFCC0] =	vst v54  }
0x153: {  	v24 =	vld.idx.msk [tilespmem:v24+s23+$0x0], $0xffff;
	[tilespmem:s11+$0xFFFFFCD0] =	vst v40  }
0x154: {  	v26 =	vld.idx.msk [tilespmem:v26+s23+$0x0], $0xffff;
	[tilespmem:s11+$0xFFFFFCE0] =	vst v30  }
0x155: {  	v28 =	vld.idx.msk [tilespmem:v28+s23+$0x0], $0xffff;
	[tilespmem:s11+$0xFFFFFD80] =	vst v23  }
0x156: {  	[tilespmem:s11+$0xFFFFFC90] =	vst v35;
	v23 =	vld.idx.msk [tilespmem:v45+s23+$0x0], $0xffff  }
0x157: {  	v30 =	vld.idx.msk [tilespmem:v36+s23+$0x0], $0xffff;
	[tilespmem:s11+$0xFFFFFCF0] =	vst v33  }
0x158: {  	[tilespmem:s11+$0xFFFFFD20] =	vst v21;
	v21 =	vld.idx.msk [tilespmem:v31+s23+$0x0], $0xffff;
	v31 =	vadd.s32 $0xFA0, v0  }
0x159: {  	[tilespmem:s11+$0xFFFFFD30] =	vst v24;
	v24 =	vld.idx.msk [tilespmem:v34+s23+$0x0], $0xffff  }
0x15a: {  	v22 =	vld.idx.msk [tilespmem:v22+s23+$0x0], $0xffff;
	[tilespmem:s11+$0xFFFFFD40] =	vst v26  }
0x15b: {  	v25 =	vld.idx.msk [tilespmem:v25+s23+$0x0], $0xffff;
	[tilespmem:s11+$0xFFFFFD50] =	vst v28  }
0x15c: {  	v26 =	vld.idx.msk [tilespmem:v27+s23+$0x0], $0xffff;
	[tilespmem:s11+$0xFFFFFE00] =	vst v23  }
0x15d: {  	[tilespmem:s11+$0xFFFFFD10] =	vst v30;
	v23 =	vld.idx.msk [tilespmem:v31+s23+$0x0], $0xffff  }
0x15e: {  	v27 =	vld.idx.msk [tilespmem:v37+s23+$0x0], $0xffff;
	[tilespmem:s11+$0xFFFFFD60] =	vst v21  }
0x15f: {  	v21 =	vld.idx.msk [tilespmem:v29+s23+$0x0], $0xffff;
	[tilespmem:s11+$0xFFFFFD70] =	vst v24;
	v24 =	vadd.s32 $0x1388, v0  }
0x160: {  	[tilespmem:s11+$0xFFFFFDA0] =	vst v22;
	v22 =	vld.idx.msk [tilespmem:v32+s23+$0x0], $0xffff  }
0x161: {  	[tilespmem:s11+$0xFFFFFDB0] =	vst v25;
	v25 =	vld.idx.msk [tilespmem:v41+s23+$0x0], $0xffff  }
0x162: {  	v28 =	vld.idx.msk [tilespmem:v39+s23+$0x0], $0xffff;
	[tilespmem:s11+$0xFFFFFDC0] =	vst v26  }
0x163: {  	v26 =	vld.idx.msk [tilespmem:v42+s23+$0x0], $0xffff;
	[tilespmem:s11+$0xFFFFFE80] =	vst v23  }
0x164: {  	[tilespmem:s11+$0xFFFFFD90] =	vst v27;
	v23 =	vld.idx.msk [tilespmem:v24+s23+$0x0], $0xffff  }
0x165: {  	v24 =	vld.idx.msk [tilespmem:v38+s23+$0x0], $0xffff;
	[tilespmem:s11+$0xFFFFFDD0] =	vst v21  }
0x166: {  	v21 =	vld.idx.msk [tilespmem:v43+s23+$0x0], $0xffff;
	[tilespmem:s11+$0xFFFFFDE0] =	vst v22;
	v22 =	vadd.s32 $0x1770, v0  }
0x167: {  	v27 =	vld.idx.msk [tilespmem:v44+s23+$0x0], $0xffff;
	[tilespmem:s11+$0xFFFFFDF0] =	vst v25  }
0x168: {  	[tilespmem:s11+$0xFFFFFE20] =	vst v28;
	v25 =	vld.idx.msk [tilespmem:v46+s23+$0x0], $0xffff  }
0x169: {  	[tilespmem:s11+$0xFFFFFE30] =	vst v26;
	v26 =	vld.idx.msk [tilespmem:v47+s23+$0x0], $0xffff  }
0x16a: {  	v28 =	vld.idx.msk [tilespmem:v50+s23+$0x0], $0xffff;
	[tilespmem:s11+$0xFFFFFF00] =	vst v23  }
0x16b: {  	[tilespmem:s11+$0xFFFFFE10] =	vst v24;
	v22 =	vld.idx.msk [tilespmem:v22+s23+$0x0], $0xffff  }
0x16c: {  	v15 =	vld.idx.msk [tilespmem:v15+s23+$0x0], $0xffff;
	[tilespmem:s11+$0xFFFFFE40] =	vst v21  }
0x16d: {  	v0 =	vadd.s32 $0x1B58, v0;
	v19 =	vld.idx.msk [tilespmem:v19+s23+$0x0], $0xffff;
	[tilespmem:s11+$0xFFFFFE50] =	vst v27  }
0x16e: {  	v17 =	vld.idx.msk [tilespmem:v17+s23+$0x0], $0xffff;
	[tilespmem:s11+$0xFFFFFE60] =	vst v25  }
0x16f: {  	v18 =	vld.idx.msk [tilespmem:v18+s23+$0x0], $0xffff;
	[tilespmem:s11+$0xFFFFFE70] =	vst v26  }
0x170: {  	[tilespmem:s11+$0xFFFFFEA0] =	vst v28;
	v16 =	vld.idx.msk [tilespmem:v16+s23+$0x0], $0xffff  }
0x171: {  	v20 =	vld.idx.msk [tilespmem:v20+s23+$0x0], $0xffff;
	[tilespmem:s11+$0xFFFFFF80] =	vst v22  }
0x172: {  	[tilespmem:s11+$0xFFFFFE90] =	vst v15;
	v0 =	vld.idx.msk [tilespmem:v0+s23+$0x0], $0xffff  }
0x173: {  	v13 =	vld.idx.msk [tilespmem:v13+s23+$0x0], $0xffff;
	[tilespmem:s11+$0xFFFFFEB0] =	vst v19  }
0x174: {  	v10 =	vld.idx.msk [tilespmem:v10+s23+$0x0], $0xffff;
	[tilespmem:s11+$0xFFFFFEC0] =	vst v17  }
0x175: {  	v14 =	vld.idx.msk [tilespmem:v14+s23+$0x0], $0xffff;
	[tilespmem:s11+$0xFFFFFED0] =	vst v18  }
0x176: {  	v11 =	vld.idx.msk [tilespmem:v11+s23+$0x0], $0xffff;
	[tilespmem:s11+$0xFFFFFEE0] =	vst v16  }
0x177: {  	v8 =	vld.idx.msk [tilespmem:v8+s23+$0x0], $0xffff;
	[tilespmem:s11+$0xFFFFFEF0] =	vst v20  }
0x178: {  	v12 =	vld.idx.msk [tilespmem:v12+s23+$0x0], $0xffff;
	[tilespmem:s11+$0x0] =	vst v0  }
0x179: {  	[tilespmem:s11+$0xFFFFFF10] =	vst v13;
	v0 =	vld.idx.msk [tilespmem:v9+s23+$0x0], $0xffff  }
0x17a: {  	v9 =	vld.idx.msk [tilespmem:v4+s23+$0x0], $0xffff;
	[tilespmem:s11+$0xFFFFFF20] =	vst v10  }
0x17b: {  	v4 =	vld.idx.msk [tilespmem:v7+s23+$0x0], $0xffff;
	[tilespmem:s11+$0xFFFFFF30] =	vst v14  }
.Ltmp6:
0x17c: {  	v5 =	vld.idx.msk [tilespmem:v5+s23+$0x0], $0xffff;
	[tilespmem:s11+$0xFFFFFF40] =	vst v11;
	(pc) =	sbr.rel @p0 .LBB2_15-.Ltmp6, $4  }
0x17d: {  	v2 =	vld.idx.msk [tilespmem:v2+s23+$0x0], $0xffff;
	[tilespmem:s11+$0xFFFFFF50] =	vst v8  }
0x17e: {  	v6 =	vld.idx.msk [tilespmem:v6+s23+$0x0], $0xffff;
	[tilespmem:s11+$0xFFFFFF60] =	vst v12  }
0x17f: {  	v3 =	vld.idx.msk [tilespmem:v3+s23+$0x0], $0xffff;
	[tilespmem:s11+$0xFFFFFF70] =	vst v0  }
0x180: {  	s15 =	sadd.s32 $0x80, s15;
	[tilespmem:s11+$0xFFFFFF90] =	vst v9;
	v1 =	vld.idx.msk [tilespmem:v1+s23+$0x0], $0xffff  }
0x181: {  	[tilespmem:s11+$0xFFFFFFA0] =	vst v4  }
0x182: {  	[tilespmem:s11+$0xFFFFFFB0] =	vst v5  }
.Ltmp7:
0x183: {  	[tilespmem:s11+$0xFFFFFFC0] =	vst v2;
	(pc) =	sbr.rel .LBB2_17-.Ltmp7, $4  }
0x184: {  	s10 =	sadd.s32 s14, s10;
	[tilespmem:s11+$0xFFFFFFD0] =	vst v6  }
0x185: {  	s10 =	sshrl.u32 s10, $0x3;
	[tilespmem:s11+$0xFFFFFFE0] =	vst v3  }
0x186: {  	s10 =	sadd.s32 s2, s10;
	[tilespmem:s11+$0xFFFFFFF0] =	vst v1  }
0x187: {  	[hbm4b:s10+s4] =	stream.linear.scatter [tilespmem:s25], [sflag:$0x7], $0x3400, $0x38;
	[tilespmem:$0x13480] =	vst v63  }
.LBB2_7:
0x188: {  	_ = 	snop  }
0x189: {  	_ =	swait.ge [sflag:s0], $0x1F40;
	s11 =	sshrl.u32 @!p0 s11, $0x3  }
0x18a: {  	s12 =	simm.s32 @!p0 $0x0;
	[sflag:s0] =	ssyncset.done $0x0;
	s11 =	sadd.s32 @!p0 s5, s11  }
0x18b: {  	s15 =	simm.s32 @!p0 $0x4C80;
	[sflag:s0] =	ssyncadd.s32 $0xFFFFE0C0;
	s11 =	sadd.s32 @!p0 $0x3E8, s11  }
0x18c: {  	[tilespmem:s15], [sflag:$0x3] =	stream.linear.gather @!p0 [hbm4b:s11+s12], $0x1F40, $0x38;
	[tilespmem:$0x13480] =	vst v63  }
0x18d: {  	p0 =	slt.u32 s9, $0x2  }
0x18e: {  	s11 =	simm.s32 @!p0 $0x4  }
0x18f: {  	_ =	swait.ge @!p0 [sflag:s11], $0x3000  }
0x190: {  	[sflag:s11] =	ssyncset.done @!p0 $0x0  }
0x191: {  	s15 =	simm.s32 $0x40;
	[sflag:s11] =	ssyncadd.s32 @!p0 $0xFFFFD000  }
0x192: {  	v7 =	vld [tilespmem:s15+$0x30]  }
0x193: {  	v5 =	vld [tilespmem:s15+$0xFFFFFFD0]  }
0x194: {  	v4 =	vld [tilespmem:s15+$0xFFFFFFE0]  }
0x195: {  	v3 =	vld [tilespmem:s15+$0xFFFFFFF0]  }
0x196: {  	v2 =	vld [tilespmem:s15+$0x0]  }
0x197: {  	v1 =	vld [tilespmem:s15+$0x10]  }
0x198: {  	v0 =	vld [tilespmem:s15+$0x20]  }
0x199: {  	v6 =	vld [tilespmem:s15+$0xFFFFFFC0]  }
0x19a: {  	v8 =	vld.idx.msk [tilespmem:v7+s21+$0x0], $0xffff  }
0x19b: {  	v9 =	vld.idx.msk [tilespmem:v5+s21+$0x0], $0xffff  }
0x19c: {  	v10 =	vld.idx.msk [tilespmem:v4+s21+$0x0], $0xffff  }
0x19d: {  	v11 =	vadd.s32 $0x3E8, v7;
	v12 =	vld.idx.msk [tilespmem:v3+s21+$0x0], $0xffff  }
0x19e: {  	v13 =	vadd.s32 $0x3E8, v5;
	v14 =	vld.idx.msk [tilespmem:v2+s21+$0x0], $0xffff  }
0x19f: {  	s11 =	simm.s32 $0x6E00;
	v15 =	vadd.s32 $0x3E8, v4;
	v16 =	vld.idx.msk [tilespmem:v1+s21+$0x0], $0xffff  }
0x1a0: {  	v17 =	vadd.s32 $0x3E8, v3;
	v18 =	vld.idx.msk [tilespmem:v0+s21+$0x0], $0xffff;
	[tilespmem:s11+$0xFFFFFE70] =	vst v8  }
0x1a1: {  	v55 =	vadd.s32 $0x3E8, v1;
	v19 =	vld.idx.msk [tilespmem:v6+s21+$0x0], $0xffff;
	[tilespmem:s11+$0xFFFFFE10] =	vst v9  }
0x1a2: {  	v58 =	vadd.s32 $0x3E8, v6;
	[tilespmem:s11+$0xFFFFFE20] =	vst v10;
	v54 =	vld.idx.msk [tilespmem:v11+s21+$0x0], $0xffff  }
0x1a3: {  	v59 =	vadd.s32 $0x3E8, v0;
	[tilespmem:s11+$0xFFFFFE30] =	vst v12;
	v56 =	vld.idx.msk [tilespmem:v13+s21+$0x0], $0xffff  }
0x1a4: {  	v8 =	vadd.s32 $0x3E8, v2;
	[tilespmem:s11+$0xFFFFFE40] =	vst v14;
	v15 =	vld.idx.msk [tilespmem:v15+s21+$0x0], $0xffff  }
0x1a5: {  	v57 =	vadd.s32 $0x7D0, v7;
	[tilespmem:s11+$0xFFFFFE50] =	vst v16;
	v17 =	vld.idx.msk [tilespmem:v17+s21+$0x0], $0xffff  }
0x1a6: {  	v60 =	vadd.s32 $0x7D0, v5;
	[tilespmem:s11+$0xFFFFFE00] =	vst v19;
	v11 =	vld.idx.msk [tilespmem:v55+s21+$0x0], $0xffff  }
0x1a7: {  	v61 =	vadd.s32 $0x7D0, v4;
	[tilespmem:s11+$0xFFFFFE60] =	vst v18;
	v13 =	vld.idx.msk [tilespmem:v58+s21+$0x0], $0xffff  }
0x1a8: {  	v62 =	vadd.s32 $0x7D0, v3;
	v21 =	vld.idx.msk [tilespmem:v59+s21+$0x0], $0xffff;
	[tilespmem:s11+$0xFFFFFEF0] =	vst v54  }
0x1a9: {  	v23 =	vadd.s32 $0x7D0, v6;
	v8 =	vld.idx.msk [tilespmem:v8+s21+$0x0], $0xffff;
	[tilespmem:s11+$0xFFFFFE90] =	vst v56  }
0x1aa: {  	v24 =	vadd.s32 $0x7D0, v1;
	[tilespmem:s11+$0xFFFFFEA0] =	vst v15;
	v12 =	vld.idx.msk [tilespmem:v57+s21+$0x0], $0xffff  }
0x1ab: {  	v63 =	vadd.s32 $0x7D0, v2;
	[tilespmem:s11+$0xFFFFFEB0] =	vst v17;
	v16 =	vld.idx.msk [tilespmem:v60+s21+$0x0], $0xffff  }
0x1ac: {  	v22 =	vadd.s32 $0xBB8, v7;
	[tilespmem:s11+$0xFFFFFED0] =	vst v11;
	v18 =	vld.idx.msk [tilespmem:v61+s21+$0x0], $0xffff  }
0x1ad: {  	v25 =	vadd.s32 $0xBB8, v5;
	[tilespmem:s11+$0xFFFFFE80] =	vst v13;
	v9 =	vld.idx.msk [tilespmem:v62+s21+$0x0], $0xffff  }
0x1ae: {  	v26 =	vadd.s32 $0xBB8, v4;
	[tilespmem:s11+$0xFFFFFEE0] =	vst v21;
	v15 =	vld.idx.msk [tilespmem:v23+s21+$0x0], $0xffff  }
0x1af: {  	v28 =	vadd.s32 $0xBB8, v3;
	v29 =	vld.idx.msk [tilespmem:v24+s21+$0x0], $0xffff;
	[tilespmem:s11+$0xFFFFFEC0] =	vst v8  }
0x1b0: {  	v31 =	vadd.s32 $0xBB8, v6;
	v19 =	vld.idx.msk [tilespmem:v63+s21+$0x0], $0xffff;
	[tilespmem:s11+$0xFFFFFF70] =	vst v12  }
0x1b1: {  	v33 =	vadd.s32 $0xBB8, v1;
	[tilespmem:s11+$0xFFFFFF10] =	vst v16;
	v27 =	vld.idx.msk [tilespmem:v22+s21+$0x0], $0xffff  }
0x1b2: {  	v8 =	vadd.s32 $0x7D0, v0;
	[tilespmem:s11+$0xFFFFFF20] =	vst v18;
	v11 =	vld.idx.msk [tilespmem:v25+s21+$0x0], $0xffff  }
0x1b3: {  	v32 =	vadd.s32 $0xBB8, v2;
	[tilespmem:s11+$0xFFFFFF30] =	vst v9;
	v12 =	vld.idx.msk [tilespmem:v26+s21+$0x0], $0xffff  }
0x1b4: {  	v30 =	vadd.s32 $0xFA0, v7;
	[tilespmem:s11+$0xFFFFFF00] =	vst v15;
	v14 =	vld.idx.msk [tilespmem:v28+s21+$0x0], $0xffff  }
0x1b5: {  	v35 =	vadd.s32 $0xFA0, v5;
	[tilespmem:s11+$0xFFFFFF50] =	vst v29;
	v17 =	vld.idx.msk [tilespmem:v31+s21+$0x0], $0xffff  }
0x1b6: {  	v37 =	vadd.s32 $0xFA0, v4;
	v9 =	vld.idx.msk [tilespmem:v33+s21+$0x0], $0xffff;
	[tilespmem:s11+$0xFFFFFF40] =	vst v19  }
0x1b7: {  	v39 =	vadd.s32 $0xFA0, v6;
	v8 =	vld.idx.msk [tilespmem:v8+s21+$0x0], $0xffff;
	[tilespmem:s11+$0xFFFFFFF0] =	vst v27  }
0x1b8: {  	v40 =	vadd.s32 $0xFA0, v3;
	v38 =	vld.idx.msk [tilespmem:v32+s21+$0x0], $0xffff;
	[tilespmem:s11+$0xFFFFFF90] =	vst v11  }
0x1b9: {  	v43 =	vadd.s32 $0xFA0, v1;
	[tilespmem:s11+$0xFFFFFFA0] =	vst v12;
	v36 =	vld.idx.msk [tilespmem:v30+s21+$0x0], $0xffff  }
0x1ba: {  	v34 =	vadd.s32 $0xBB8, v0;
	[tilespmem:s11+$0xFFFFFFB0] =	vst v14;
	v13 =	vld.idx.msk [tilespmem:v35+s21+$0x0], $0xffff  }
0x1bb: {  	v42 =	vadd.s32 $0xFA0, v2;
	[tilespmem:s11+$0xFFFFFF80] =	vst v17;
	v16 =	vld.idx.msk [tilespmem:v37+s21+$0x0], $0xffff  }
0x1bc: {  	v18 =	vld.idx.msk [tilespmem:v39+s21+$0x0], $0xffff;
	[tilespmem:s11+$0xFFFFFF60] =	vst v8;
	v8 =	vadd.s32 $0x1388, v7  }
0x1bd: {  	v45 =	vadd.s32 $0x1388, v5;
	[tilespmem:s11+$0xFFFFFFD0] =	vst v9;
	v46 =	vld.idx.msk [tilespmem:v40+s21+$0x0], $0xffff  }
0x1be: {  	v48 =	vadd.s32 $0x1388, v6;
	v50 =	vld.idx.msk [tilespmem:v43+s21+$0x0], $0xffff;
	[tilespmem:s11+$0xFFFFFFC0] =	vst v38  }
0x1bf: {  	v49 =	vadd.s32 $0x1388, v4;
	v41 =	vld.idx.msk [tilespmem:v34+s21+$0x0], $0xffff;
	[tilespmem:s11+$0x70] =	vst v36  }
0x1c0: {  	v44 =	vadd.s32 $0xFA0, v0;
	v19 =	vld.idx.msk [tilespmem:v42+s21+$0x0], $0xffff;
	[tilespmem:s11+$0x10] =	vst v13  }
0x1c1: {  	v51 =	vadd.s32 $0x1388, v3;
	[tilespmem:s11+$0x20] =	vst v16;
	v8 =	vld.idx.msk [tilespmem:v8+s21+$0x0], $0xffff  }
0x1c2: {  	v47 =	vadd.s32 $0x1770, v7;
	[tilespmem:s11+$0x0] =	vst v18;
	v17 =	vld.idx.msk [tilespmem:v45+s21+$0x0], $0xffff  }
0x1c3: {  	v52 =	vadd.s32 $0x1388, v2;
	[tilespmem:s11+$0x30] =	vst v46;
	v11 =	vld.idx.msk [tilespmem:v48+s21+$0x0], $0xffff  }
0x1c4: {  	v55 =	vadd.s32 $0x1770, v6;
	v54 =	vld.idx.msk [tilespmem:v49+s21+$0x0], $0xffff;
	[tilespmem:s11+$0xFFFFFFE0] =	vst v41  }
0x1c5: {  	v56 =	vadd.s32 $0x1770, v5;
	[tilespmem:s11+$0x50] =	vst v50;
	v15 =	vld.idx.msk [tilespmem:v44+s21+$0x0], $0xffff  }
0x1c6: {  	v53 =	vadd.s32 $0x1388, v0;
	v14 =	vld.idx.msk [tilespmem:v51+s21+$0x0], $0xffff;
	[tilespmem:s11+$0xF0] =	vst v8  }
0x1c7: {  	[tilespmem:s11+$0x40] =	vst v19;
	v8 =	vadd.s32 $0x1388, v1;
	v9 =	vld.idx.msk [tilespmem:v47+s21+$0x0], $0xffff  }
0x1c8: {  	v7 =	vadd.s32 $0x1B58, v7;
	v16 =	vld.idx.msk [tilespmem:v52+s21+$0x0], $0xffff;
	[tilespmem:s11+$0x80] =	vst v11  }
0x1c9: {  	v57 =	vadd.s32 $0x1770, v4;
	[tilespmem:s11+$0x90] =	vst v17;
	v12 =	vld.idx.msk [tilespmem:v55+s21+$0x0], $0xffff  }
0x1ca: {  	v58 =	vadd.s32 $0x1770, v3;
	v13 =	vld.idx.msk [tilespmem:v56+s21+$0x0], $0xffff;
	[tilespmem:s11+$0x60] =	vst v15  }
0x1cb: {  	v59 =	vadd.s32 $0x1770, v2;
	[tilespmem:s11+$0xA0] =	vst v54;
	v18 =	vld.idx.msk [tilespmem:v53+s21+$0x0], $0xffff  }
0x1cc: {  	v6 =	vadd.s32 $0x1B58, v6;
	v8 =	vld.idx.msk [tilespmem:v8+s21+$0x0], $0xffff;
	[tilespmem:s11+$0x170] =	vst v9  }
0x1cd: {  	v60 =	vadd.s32 $0x1770, v1;
	[tilespmem:s11+$0xB0] =	vst v14;
	v7 =	vld.idx.msk [tilespmem:v7+s21+$0x0], $0xffff  }
0x1ce: {  	v61 =	vadd.s32 $0x1770, v0;
	v62 =	vld.idx.msk [tilespmem:v57+s21+$0x0], $0xffff;
	[tilespmem:s11+$0xC0] =	vst v16  }
0x1cf: {  	v5 =	vadd.s32 $0x1B58, v5;
	v63 =	vld.idx.msk [tilespmem:v58+s21+$0x0], $0xffff;
	[tilespmem:s11+$0x100] =	vst v12  }
0x1d0: {  	v3 =	vadd.s32 $0x1B58, v3;
	v9 =	vld.idx.msk [tilespmem:v59+s21+$0x0], $0xffff;
	[tilespmem:s11+$0xE0] =	vst v18  }
0x1d1: {  	v12 =	vld.idx.msk [tilespmem:v6+s21+$0x0], $0xffff;
	[tilespmem:s11+$0xD0] =	vst v8;
	v8 =	vadd.s32 $0x1B58, v4  }
0x1d2: {  	v11 =	vld.idx.msk [tilespmem:v60+s21+$0x0], $0xffff;
	[tilespmem:s11+$0x1F0] =	vst v7;
	v7 =	vadd.s32 $0x1B58, v2  }
0x1d3: {  	v1 =	vadd.s32 $0x1B58, v1;
	[tilespmem:s11+$0x110] =	vst v13;
	v10 =	vld.idx.msk [tilespmem:v61+s21+$0x0], $0xffff  }
0x1d4: {  	v0 =	vadd.s32 $0x1B58, v0;
	[tilespmem:s11+$0x130] =	vst v63;
	v4 =	vld.idx.msk [tilespmem:v5+s21+$0x0], $0xffff  }
0x1d5: {  	[tilespmem:s11+$0x120] =	vst v62;
	v2 =	vld.idx.msk [tilespmem:v3+s21+$0x0], $0xffff  }
0x1d6: {  	[tilespmem:s11+$0x140] =	vst v9;
	v5 =	vld.idx.msk [tilespmem:v8+s21+$0x0], $0xffff  }
0x1d7: {  	[tilespmem:s11+$0x150] =	vst v11;
	v6 =	vld.idx.msk [tilespmem:v7+s21+$0x0], $0xffff  }
0x1d8: {  	[tilespmem:s11+$0x160] =	vst v10;
	v3 =	vld.idx.msk [tilespmem:v1+s21+$0x0], $0xffff  }
0x1d9: {  	s12 =	simm.s32 $0x0;
	s15 =	simm.s32 $0xC0;
	[tilespmem:s11+$0x180] =	vst v12;
	v1 =	vld.idx.msk [tilespmem:v0+s21+$0x0], $0xffff  }
.LBB2_8:
0x1da: {  	v0 =	vld [tilespmem:s15+$0x30];
	s12 =	sadd.s32 $0x8, s12;
	[tilespmem:s11+$0x190] =	vst v4  }
0x1db: {  	v7 =	vld [tilespmem:s15+$0xFFFFFFD0];
	p1 =	slt.u32 s12, $0x58;
	[tilespmem:s11+$0x1A0] =	vst v5  }
0x1dc: {  	v5 =	vld [tilespmem:s15+$0xFFFFFFE0];
	[tilespmem:s11+$0x1B0] =	vst v2  }
0x1dd: {  	v2 =	vld [tilespmem:s15+$0xFFFFFFF0];
	[tilespmem:s11+$0x1C0] =	vst v6  }
0x1de: {  	v6 =	vld [tilespmem:s15+$0x0];
	[tilespmem:s11+$0x1D0] =	vst v3  }
0x1df: {  	v3 =	vld [tilespmem:s15+$0x10];
	[tilespmem:s11+$0x1E0] =	vst v1  }
0x1e0: {  	v1 =	vadd.s32 $0x3E8, v7;
	v21 =	vadd.s32 $0x7D0, v7;
	v22 =	vadd.s32 $0xBB8, v7;
	v23 =	vld [tilespmem:s15+$0x20]  }
0x1e1: {  	v4 =	vld [tilespmem:s15+$0xFFFFFFC0];
	v8 =	vadd.s32 $0x3E8, v5;
	v24 =	vadd.s32 $0x7D0, v5;
	v25 =	vadd.s32 $0xBB8, v5  }
0x1e2: {  	v9 =	vadd.s32 $0x3E8, v2;
	v26 =	vadd.s32 $0x7D0, v2;
	v27 =	vadd.s32 $0xBB8, v2;
	v10 =	vld.idx.msk [tilespmem:v0+s21+$0x0], $0xffff  }
0x1e3: {  	v11 =	vld.idx.msk [tilespmem:v7+s21+$0x0], $0xffff;
	v12 =	vadd.s32 $0x3E8, v6;
	v28 =	vadd.s32 $0x7D0, v6;
	v29 =	vadd.s32 $0xBB8, v6  }
0x1e4: {  	v14 =	vadd.s32 $0x3E8, v0;
	v13 =	vld.idx.msk [tilespmem:v5+s21+$0x0], $0xffff;
	v30 =	vadd.s32 $0x3E8, v3;
	v31 =	vadd.s32 $0x7D0, v3  }
0x1e5: {  	v32 =	vadd.s32 $0xBB8, v3;
	v16 =	vld.idx.msk [tilespmem:v2+s21+$0x0], $0xffff;
	v33 =	vadd.s32 $0x3E8, v23;
	v34 =	vadd.s32 $0x7D0, v23  }
0x1e6: {  	v35 =	vadd.s32 $0x3E8, v4;
	v36 =	vadd.s32 $0x7D0, v4;
	v37 =	vadd.s32 $0xBB8, v4;
	v20 =	vld.idx.msk [tilespmem:v6+s21+$0x0], $0xffff  }
0x1e7: {  	s11 =	sadd.s32 $0x400, s11;
	v39 =	vadd.s32 $0xFA0, v7;
	v41 =	vadd.s32 $0xBB8, v23;
	v38 =	vadd.s32 $0xFA0, v4;
	v40 =	vld.idx.msk [tilespmem:v3+s21+$0x0], $0xffff  }
0x1e8: {  	v42 =	vadd.s32 $0xFA0, v5;
	v43 =	vadd.s32 $0xFA0, v2;
	v44 =	vadd.s32 $0xFA0, v6;
	v45 =	vld.idx.msk [tilespmem:v23+s21+$0x0], $0xffff;
	[tilespmem:s11+$0xFFFFFE70] =	vst v10  }
0x1e9: {  	v46 =	vadd.s32 $0xFA0, v3;
	v47 =	vadd.s32 $0xFA0, v23;
	v15 =	vadd.s32 $0x1388, v4;
	[tilespmem:s11+$0xFFFFFE10] =	vst v11;
	v48 =	vld.idx.msk [tilespmem:v14+s21+$0x0], $0xffff  }
0x1ea: {  	v50 =	vadd.s32 $0x1388, v7;
	v19 =	vadd.s32 $0x1388, v5;
	v17 =	vadd.s32 $0x1388, v2;
	v49 =	vld.idx.msk [tilespmem:v4+s21+$0x0], $0xffff;
	[tilespmem:s11+$0xFFFFFE20] =	vst v13  }
0x1eb: {  	v52 =	vadd.s32 $0x7D0, v0;
	v18 =	vadd.s32 $0x1388, v6;
	v51 =	vld.idx.msk [tilespmem:v1+s21+$0x0], $0xffff;
	[tilespmem:s11+$0xFFFFFE30] =	vst v16;
	v16 =	vadd.s32 $0x1388, v3  }
0x1ec: {  	v10 =	vadd.s32 $0x1770, v7;
	v13 =	vadd.s32 $0x1770, v4;
	v53 =	vld.idx.msk [tilespmem:v8+s21+$0x0], $0xffff;
	[tilespmem:s11+$0xFFFFFE40] =	vst v20;
	v20 =	vadd.s32 $0x1388, v23  }
0x1ed: {  	v14 =	vadd.s32 $0x1770, v5;
	v11 =	vadd.s32 $0x1770, v2;
	v8 =	vadd.s32 $0x1770, v6;
	v54 =	vld.idx.msk [tilespmem:v9+s21+$0x0], $0xffff;
	[tilespmem:s11+$0xFFFFFE50] =	vst v40  }
0x1ee: {  	v4 =	vadd.s32 $0x1B58, v4;
	v9 =	vadd.s32 $0x1770, v23;
	v40 =	vld.idx.msk [tilespmem:v12+s21+$0x0], $0xffff;
	v12 =	vadd.s32 $0x1770, v3;
	[tilespmem:s11+$0xFFFFFE60] =	vst v45  }
0x1ef: {  	v7 =	vadd.s32 $0x1B58, v7;
	v5 =	vadd.s32 $0x1B58, v5;
	v2 =	vadd.s32 $0x1B58, v2;
	v30 =	vld.idx.msk [tilespmem:v30+s21+$0x0], $0xffff;
	[tilespmem:s11+$0xFFFFFEF0] =	vst v48  }
0x1f0: {  	v1 =	vadd.s32 $0x1B58, v23;
	v6 =	vadd.s32 $0x1B58, v6;
	v3 =	vadd.s32 $0x1B58, v3;
	[tilespmem:s11+$0xFFFFFE00] =	vst v49;
	v23 =	vld.idx.msk [tilespmem:v52+s21+$0x0], $0xffff  }
0x1f1: {  	v35 =	vld.idx.msk [tilespmem:v35+s21+$0x0], $0xffff;
	[tilespmem:s11+$0xFFFFFE90] =	vst v51  }
0x1f2: {  	v45 =	vadd.s32 $0xBB8, v0;
	[tilespmem:s11+$0xFFFFFEA0] =	vst v53;
	v33 =	vld.idx.msk [tilespmem:v33+s21+$0x0], $0xffff  }
0x1f3: {  	v21 =	vld.idx.msk [tilespmem:v21+s21+$0x0], $0xffff;
	[tilespmem:s11+$0xFFFFFEB0] =	vst v54  }
0x1f4: {  	v24 =	vld.idx.msk [tilespmem:v24+s21+$0x0], $0xffff;
	[tilespmem:s11+$0xFFFFFEC0] =	vst v40  }
0x1f5: {  	v26 =	vld.idx.msk [tilespmem:v26+s21+$0x0], $0xffff;
	[tilespmem:s11+$0xFFFFFED0] =	vst v30  }
0x1f6: {  	v28 =	vld.idx.msk [tilespmem:v28+s21+$0x0], $0xffff;
	[tilespmem:s11+$0xFFFFFF70] =	vst v23  }
0x1f7: {  	[tilespmem:s11+$0xFFFFFE80] =	vst v35;
	v23 =	vld.idx.msk [tilespmem:v45+s21+$0x0], $0xffff  }
0x1f8: {  	v30 =	vld.idx.msk [tilespmem:v36+s21+$0x0], $0xffff;
	[tilespmem:s11+$0xFFFFFEE0] =	vst v33  }
0x1f9: {  	[tilespmem:s11+$0xFFFFFF10] =	vst v21;
	v21 =	vld.idx.msk [tilespmem:v31+s21+$0x0], $0xffff;
	v31 =	vadd.s32 $0xFA0, v0  }
0x1fa: {  	[tilespmem:s11+$0xFFFFFF20] =	vst v24;
	v24 =	vld.idx.msk [tilespmem:v34+s21+$0x0], $0xffff  }
0x1fb: {  	v22 =	vld.idx.msk [tilespmem:v22+s21+$0x0], $0xffff;
	[tilespmem:s11+$0xFFFFFF30] =	vst v26  }
0x1fc: {  	v25 =	vld.idx.msk [tilespmem:v25+s21+$0x0], $0xffff;
	[tilespmem:s11+$0xFFFFFF40] =	vst v28  }
0x1fd: {  	v26 =	vld.idx.msk [tilespmem:v27+s21+$0x0], $0xffff;
	[tilespmem:s11+$0xFFFFFFF0] =	vst v23  }
0x1fe: {  	[tilespmem:s11+$0xFFFFFF00] =	vst v30;
	v23 =	vld.idx.msk [tilespmem:v31+s21+$0x0], $0xffff  }
0x1ff: {  	v27 =	vld.idx.msk [tilespmem:v37+s21+$0x0], $0xffff;
	[tilespmem:s11+$0xFFFFFF50] =	vst v21  }
0x200: {  	v21 =	vld.idx.msk [tilespmem:v29+s21+$0x0], $0xffff;
	[tilespmem:s11+$0xFFFFFF60] =	vst v24;
	v24 =	vadd.s32 $0x1388, v0  }
0x201: {  	[tilespmem:s11+$0xFFFFFF90] =	vst v22;
	v22 =	vld.idx.msk [tilespmem:v32+s21+$0x0], $0xffff  }
0x202: {  	[tilespmem:s11+$0xFFFFFFA0] =	vst v25;
	v25 =	vld.idx.msk [tilespmem:v41+s21+$0x0], $0xffff  }
0x203: {  	v28 =	vld.idx.msk [tilespmem:v39+s21+$0x0], $0xffff;
	[tilespmem:s11+$0xFFFFFFB0] =	vst v26  }
0x204: {  	v26 =	vld.idx.msk [tilespmem:v42+s21+$0x0], $0xffff;
	[tilespmem:s11+$0x70] =	vst v23  }
0x205: {  	[tilespmem:s11+$0xFFFFFF80] =	vst v27;
	v23 =	vld.idx.msk [tilespmem:v24+s21+$0x0], $0xffff  }
0x206: {  	v24 =	vld.idx.msk [tilespmem:v38+s21+$0x0], $0xffff;
	[tilespmem:s11+$0xFFFFFFC0] =	vst v21  }
0x207: {  	v21 =	vld.idx.msk [tilespmem:v43+s21+$0x0], $0xffff;
	[tilespmem:s11+$0xFFFFFFD0] =	vst v22;
	v22 =	vadd.s32 $0x1770, v0  }
0x208: {  	v27 =	vld.idx.msk [tilespmem:v44+s21+$0x0], $0xffff;
	[tilespmem:s11+$0xFFFFFFE0] =	vst v25  }
0x209: {  	[tilespmem:s11+$0x10] =	vst v28;
	v25 =	vld.idx.msk [tilespmem:v46+s21+$0x0], $0xffff  }
0x20a: {  	[tilespmem:s11+$0x20] =	vst v26;
	v26 =	vld.idx.msk [tilespmem:v47+s21+$0x0], $0xffff  }
0x20b: {  	v28 =	vld.idx.msk [tilespmem:v50+s21+$0x0], $0xffff;
	[tilespmem:s11+$0xF0] =	vst v23  }
0x20c: {  	[tilespmem:s11+$0x0] =	vst v24;
	v22 =	vld.idx.msk [tilespmem:v22+s21+$0x0], $0xffff  }
0x20d: {  	v15 =	vld.idx.msk [tilespmem:v15+s21+$0x0], $0xffff;
	[tilespmem:s11+$0x30] =	vst v21  }
0x20e: {  	v0 =	vadd.s32 $0x1B58, v0;
	v19 =	vld.idx.msk [tilespmem:v19+s21+$0x0], $0xffff;
	[tilespmem:s11+$0x40] =	vst v27  }
0x20f: {  	v17 =	vld.idx.msk [tilespmem:v17+s21+$0x0], $0xffff;
	[tilespmem:s11+$0x50] =	vst v25  }
0x210: {  	v18 =	vld.idx.msk [tilespmem:v18+s21+$0x0], $0xffff;
	[tilespmem:s11+$0x60] =	vst v26  }
0x211: {  	[tilespmem:s11+$0x90] =	vst v28;
	v16 =	vld.idx.msk [tilespmem:v16+s21+$0x0], $0xffff  }
0x212: {  	v20 =	vld.idx.msk [tilespmem:v20+s21+$0x0], $0xffff;
	[tilespmem:s11+$0x170] =	vst v22  }
0x213: {  	[tilespmem:s11+$0x80] =	vst v15;
	v0 =	vld.idx.msk [tilespmem:v0+s21+$0x0], $0xffff  }
0x214: {  	v13 =	vld.idx.msk [tilespmem:v13+s21+$0x0], $0xffff;
	[tilespmem:s11+$0xA0] =	vst v19  }
0x215: {  	v10 =	vld.idx.msk [tilespmem:v10+s21+$0x0], $0xffff;
	[tilespmem:s11+$0xB0] =	vst v17  }
0x216: {  	v14 =	vld.idx.msk [tilespmem:v14+s21+$0x0], $0xffff;
	[tilespmem:s11+$0xC0] =	vst v18  }
0x217: {  	v11 =	vld.idx.msk [tilespmem:v11+s21+$0x0], $0xffff;
	[tilespmem:s11+$0xD0] =	vst v16  }
0x218: {  	v8 =	vld.idx.msk [tilespmem:v8+s21+$0x0], $0xffff;
	[tilespmem:s11+$0xE0] =	vst v20  }
0x219: {  	v12 =	vld.idx.msk [tilespmem:v12+s21+$0x0], $0xffff;
	[tilespmem:s11+$0x1F0] =	vst v0  }
0x21a: {  	[tilespmem:s11+$0x100] =	vst v13;
	v0 =	vld.idx.msk [tilespmem:v9+s21+$0x0], $0xffff  }
0x21b: {  	v9 =	vld.idx.msk [tilespmem:v4+s21+$0x0], $0xffff;
	[tilespmem:s11+$0x110] =	vst v10  }
0x21c: {  	v4 =	vld.idx.msk [tilespmem:v7+s21+$0x0], $0xffff;
	[tilespmem:s11+$0x120] =	vst v14  }
.Ltmp8:
0x21d: {  	v5 =	vld.idx.msk [tilespmem:v5+s21+$0x0], $0xffff;
	[tilespmem:s11+$0x130] =	vst v11;
	(pc) =	sbr.rel @p1 .LBB2_8-.Ltmp8, $4  }
0x21e: {  	v2 =	vld.idx.msk [tilespmem:v2+s21+$0x0], $0xffff;
	[tilespmem:s11+$0x140] =	vst v8  }
0x21f: {  	v6 =	vld.idx.msk [tilespmem:v6+s21+$0x0], $0xffff;
	[tilespmem:s11+$0x150] =	vst v12  }
0x220: {  	v3 =	vld.idx.msk [tilespmem:v3+s21+$0x0], $0xffff;
	[tilespmem:s11+$0x160] =	vst v0  }
0x221: {  	s15 =	sadd.s32 $0x80, s15;
	[tilespmem:s11+$0x180] =	vst v9;
	v1 =	vld.idx.msk [tilespmem:v1+s21+$0x0], $0xffff  }
0x222: {  	[tilespmem:s11+$0x190] =	vst v4  }
0x223: {  	[tilespmem:s11+$0x1A0] =	vst v5;
	s10 =	smul.u32 $0x64000, s10  }
0x224: {  	[tilespmem:s11+$0x1B0] =	vst v2  }
0x225: {  	[tilespmem:s11+$0x1C0] =	vst v6;
	s12 =	sadd.s32 s8, s10  }
0x226: {  	[tilespmem:s11+$0x1D0] =	vst v3;
	s12 =	sshrl.u32 s12, $0x3  }
0x227: {  	[tilespmem:s11+$0x1E0] =	vst v1;
	s12 =	sadd.s32 s2, s12;
	s11 =	simm.s32 @!p0 $0x5  }
0x228: {  	[hbm4b:s12+s4] =	stream.linear.scatter [tilespmem:s18], [sflag:$0x4], $0x3000, $0x38;
	[tilespmem:$0x13480] =	vst v63  }
0x229: {  	_ =	swait.ge @!p0 [sflag:s11], $0x3400  }
0x22a: {  	[sflag:s11] =	ssyncset.done @!p0 $0x0  }
0x22b: {  	s15 =	simm.s32 $0x670;
	[sflag:s11] =	ssyncadd.s32 @!p0 $0xFFFFCC00  }
0x22c: {  	v7 =	vld [tilespmem:s15+$0x0]  }
0x22d: {  	v5 =	vld [tilespmem:s15+$0xFFFFFFA0]  }
0x22e: {  	v4 =	vld [tilespmem:s15+$0xFFFFFFB0]  }
0x22f: {  	v3 =	vld [tilespmem:s15+$0xFFFFFFC0]  }
0x230: {  	v2 =	vld [tilespmem:s15+$0xFFFFFFD0]  }
0x231: {  	v1 =	vld [tilespmem:s15+$0xFFFFFFE0]  }
0x232: {  	v0 =	vld [tilespmem:s15+$0xFFFFFFF0]  }
0x233: {  	v6 =	vld [tilespmem:s15+$0xFFFFFF90]  }
0x234: {  	v8 =	vld.idx.msk [tilespmem:v7+s21+$0x0], $0xffff  }
0x235: {  	v9 =	vld.idx.msk [tilespmem:v5+s21+$0x0], $0xffff  }
0x236: {  	v10 =	vld.idx.msk [tilespmem:v4+s21+$0x0], $0xffff  }
0x237: {  	v11 =	vadd.s32 $0x3E8, v7;
	v12 =	vld.idx.msk [tilespmem:v3+s21+$0x0], $0xffff  }
0x238: {  	v13 =	vadd.s32 $0x3E8, v5;
	v14 =	vld.idx.msk [tilespmem:v2+s21+$0x0], $0xffff  }
0x239: {  	s11 =	simm.s32 $0x9FF0;
	v15 =	vadd.s32 $0x3E8, v4;
	v16 =	vld.idx.msk [tilespmem:v1+s21+$0x0], $0xffff  }
0x23a: {  	v17 =	vadd.s32 $0x3E8, v3;
	v18 =	vld.idx.msk [tilespmem:v0+s21+$0x0], $0xffff;
	[tilespmem:s11+$0xFFFFFC80] =	vst v8  }
0x23b: {  	v55 =	vadd.s32 $0x3E8, v1;
	v19 =	vld.idx.msk [tilespmem:v6+s21+$0x0], $0xffff;
	[tilespmem:s11+$0xFFFFFC20] =	vst v9  }
0x23c: {  	v58 =	vadd.s32 $0x3E8, v6;
	[tilespmem:s11+$0xFFFFFC30] =	vst v10;
	v54 =	vld.idx.msk [tilespmem:v11+s21+$0x0], $0xffff  }
0x23d: {  	v59 =	vadd.s32 $0x3E8, v0;
	[tilespmem:s11+$0xFFFFFC40] =	vst v12;
	v56 =	vld.idx.msk [tilespmem:v13+s21+$0x0], $0xffff  }
0x23e: {  	v8 =	vadd.s32 $0x3E8, v2;
	[tilespmem:s11+$0xFFFFFC50] =	vst v14;
	v15 =	vld.idx.msk [tilespmem:v15+s21+$0x0], $0xffff  }
0x23f: {  	v57 =	vadd.s32 $0x7D0, v7;
	[tilespmem:s11+$0xFFFFFC60] =	vst v16;
	v17 =	vld.idx.msk [tilespmem:v17+s21+$0x0], $0xffff  }
0x240: {  	v60 =	vadd.s32 $0x7D0, v5;
	[tilespmem:s11+$0xFFFFFC10] =	vst v19;
	v11 =	vld.idx.msk [tilespmem:v55+s21+$0x0], $0xffff  }
0x241: {  	v61 =	vadd.s32 $0x7D0, v4;
	[tilespmem:s11+$0xFFFFFC70] =	vst v18;
	v13 =	vld.idx.msk [tilespmem:v58+s21+$0x0], $0xffff  }
0x242: {  	v62 =	vadd.s32 $0x7D0, v3;
	v21 =	vld.idx.msk [tilespmem:v59+s21+$0x0], $0xffff;
	[tilespmem:s11+$0xFFFFFD00] =	vst v54  }
0x243: {  	v23 =	vadd.s32 $0x7D0, v6;
	v8 =	vld.idx.msk [tilespmem:v8+s21+$0x0], $0xffff;
	[tilespmem:s11+$0xFFFFFCA0] =	vst v56  }
0x244: {  	v24 =	vadd.s32 $0x7D0, v1;
	[tilespmem:s11+$0xFFFFFCB0] =	vst v15;
	v12 =	vld.idx.msk [tilespmem:v57+s21+$0x0], $0xffff  }
0x245: {  	v63 =	vadd.s32 $0x7D0, v2;
	[tilespmem:s11+$0xFFFFFCC0] =	vst v17;
	v16 =	vld.idx.msk [tilespmem:v60+s21+$0x0], $0xffff  }
0x246: {  	v22 =	vadd.s32 $0xBB8, v7;
	[tilespmem:s11+$0xFFFFFCE0] =	vst v11;
	v18 =	vld.idx.msk [tilespmem:v61+s21+$0x0], $0xffff  }
0x247: {  	v25 =	vadd.s32 $0xBB8, v5;
	[tilespmem:s11+$0xFFFFFC90] =	vst v13;
	v9 =	vld.idx.msk [tilespmem:v62+s21+$0x0], $0xffff  }
0x248: {  	v26 =	vadd.s32 $0xBB8, v4;
	[tilespmem:s11+$0xFFFFFCF0] =	vst v21;
	v15 =	vld.idx.msk [tilespmem:v23+s21+$0x0], $0xffff  }
0x249: {  	v28 =	vadd.s32 $0xBB8, v3;
	v29 =	vld.idx.msk [tilespmem:v24+s21+$0x0], $0xffff;
	[tilespmem:s11+$0xFFFFFCD0] =	vst v8  }
0x24a: {  	v31 =	vadd.s32 $0xBB8, v6;
	v19 =	vld.idx.msk [tilespmem:v63+s21+$0x0], $0xffff;
	[tilespmem:s11+$0xFFFFFD80] =	vst v12  }
0x24b: {  	v33 =	vadd.s32 $0xBB8, v1;
	[tilespmem:s11+$0xFFFFFD20] =	vst v16;
	v27 =	vld.idx.msk [tilespmem:v22+s21+$0x0], $0xffff  }
0x24c: {  	v8 =	vadd.s32 $0x7D0, v0;
	[tilespmem:s11+$0xFFFFFD30] =	vst v18;
	v11 =	vld.idx.msk [tilespmem:v25+s21+$0x0], $0xffff  }
0x24d: {  	v32 =	vadd.s32 $0xBB8, v2;
	[tilespmem:s11+$0xFFFFFD40] =	vst v9;
	v12 =	vld.idx.msk [tilespmem:v26+s21+$0x0], $0xffff  }
0x24e: {  	v30 =	vadd.s32 $0xFA0, v7;
	[tilespmem:s11+$0xFFFFFD10] =	vst v15;
	v14 =	vld.idx.msk [tilespmem:v28+s21+$0x0], $0xffff  }
0x24f: {  	v35 =	vadd.s32 $0xFA0, v5;
	[tilespmem:s11+$0xFFFFFD60] =	vst v29;
	v17 =	vld.idx.msk [tilespmem:v31+s21+$0x0], $0xffff  }
0x250: {  	v37 =	vadd.s32 $0xFA0, v4;
	v9 =	vld.idx.msk [tilespmem:v33+s21+$0x0], $0xffff;
	[tilespmem:s11+$0xFFFFFD50] =	vst v19  }
0x251: {  	v39 =	vadd.s32 $0xFA0, v6;
	v8 =	vld.idx.msk [tilespmem:v8+s21+$0x0], $0xffff;
	[tilespmem:s11+$0xFFFFFE00] =	vst v27  }
0x252: {  	v40 =	vadd.s32 $0xFA0, v3;
	v38 =	vld.idx.msk [tilespmem:v32+s21+$0x0], $0xffff;
	[tilespmem:s11+$0xFFFFFDA0] =	vst v11  }
0x253: {  	v43 =	vadd.s32 $0xFA0, v1;
	[tilespmem:s11+$0xFFFFFDB0] =	vst v12;
	v36 =	vld.idx.msk [tilespmem:v30+s21+$0x0], $0xffff  }
0x254: {  	v34 =	vadd.s32 $0xBB8, v0;
	[tilespmem:s11+$0xFFFFFDC0] =	vst v14;
	v13 =	vld.idx.msk [tilespmem:v35+s21+$0x0], $0xffff  }
0x255: {  	v42 =	vadd.s32 $0xFA0, v2;
	[tilespmem:s11+$0xFFFFFD90] =	vst v17;
	v16 =	vld.idx.msk [tilespmem:v37+s21+$0x0], $0xffff  }
0x256: {  	v18 =	vld.idx.msk [tilespmem:v39+s21+$0x0], $0xffff;
	[tilespmem:s11+$0xFFFFFD70] =	vst v8;
	v8 =	vadd.s32 $0x1388, v7  }
0x257: {  	v45 =	vadd.s32 $0x1388, v5;
	[tilespmem:s11+$0xFFFFFDE0] =	vst v9;
	v46 =	vld.idx.msk [tilespmem:v40+s21+$0x0], $0xffff  }
0x258: {  	v48 =	vadd.s32 $0x1388, v6;
	v50 =	vld.idx.msk [tilespmem:v43+s21+$0x0], $0xffff;
	[tilespmem:s11+$0xFFFFFDD0] =	vst v38  }
0x259: {  	v49 =	vadd.s32 $0x1388, v4;
	v41 =	vld.idx.msk [tilespmem:v34+s21+$0x0], $0xffff;
	[tilespmem:s11+$0xFFFFFE80] =	vst v36  }
0x25a: {  	v44 =	vadd.s32 $0xFA0, v0;
	v19 =	vld.idx.msk [tilespmem:v42+s21+$0x0], $0xffff;
	[tilespmem:s11+$0xFFFFFE20] =	vst v13  }
0x25b: {  	v51 =	vadd.s32 $0x1388, v3;
	[tilespmem:s11+$0xFFFFFE30] =	vst v16;
	v8 =	vld.idx.msk [tilespmem:v8+s21+$0x0], $0xffff  }
0x25c: {  	v47 =	vadd.s32 $0x1770, v7;
	[tilespmem:s11+$0xFFFFFE10] =	vst v18;
	v17 =	vld.idx.msk [tilespmem:v45+s21+$0x0], $0xffff  }
0x25d: {  	v52 =	vadd.s32 $0x1388, v2;
	[tilespmem:s11+$0xFFFFFE40] =	vst v46;
	v11 =	vld.idx.msk [tilespmem:v48+s21+$0x0], $0xffff  }
0x25e: {  	v55 =	vadd.s32 $0x1770, v6;
	v54 =	vld.idx.msk [tilespmem:v49+s21+$0x0], $0xffff;
	[tilespmem:s11+$0xFFFFFDF0] =	vst v41  }
0x25f: {  	v56 =	vadd.s32 $0x1770, v5;
	[tilespmem:s11+$0xFFFFFE60] =	vst v50;
	v15 =	vld.idx.msk [tilespmem:v44+s21+$0x0], $0xffff  }
0x260: {  	v53 =	vadd.s32 $0x1388, v0;
	v14 =	vld.idx.msk [tilespmem:v51+s21+$0x0], $0xffff;
	[tilespmem:s11+$0xFFFFFF00] =	vst v8  }
0x261: {  	[tilespmem:s11+$0xFFFFFE50] =	vst v19;
	v8 =	vadd.s32 $0x1388, v1;
	v9 =	vld.idx.msk [tilespmem:v47+s21+$0x0], $0xffff  }
0x262: {  	v7 =	vadd.s32 $0x1B58, v7;
	v16 =	vld.idx.msk [tilespmem:v52+s21+$0x0], $0xffff;
	[tilespmem:s11+$0xFFFFFE90] =	vst v11  }
0x263: {  	v57 =	vadd.s32 $0x1770, v4;
	[tilespmem:s11+$0xFFFFFEA0] =	vst v17;
	v12 =	vld.idx.msk [tilespmem:v55+s21+$0x0], $0xffff  }
0x264: {  	v58 =	vadd.s32 $0x1770, v3;
	v13 =	vld.idx.msk [tilespmem:v56+s21+$0x0], $0xffff;
	[tilespmem:s11+$0xFFFFFE70] =	vst v15  }
0x265: {  	v59 =	vadd.s32 $0x1770, v2;
	[tilespmem:s11+$0xFFFFFEB0] =	vst v54;
	v18 =	vld.idx.msk [tilespmem:v53+s21+$0x0], $0xffff  }
0x266: {  	v6 =	vadd.s32 $0x1B58, v6;
	v8 =	vld.idx.msk [tilespmem:v8+s21+$0x0], $0xffff;
	[tilespmem:s11+$0xFFFFFF80] =	vst v9  }
0x267: {  	v60 =	vadd.s32 $0x1770, v1;
	[tilespmem:s11+$0xFFFFFEC0] =	vst v14;
	v7 =	vld.idx.msk [tilespmem:v7+s21+$0x0], $0xffff  }
0x268: {  	v61 =	vadd.s32 $0x1770, v0;
	v62 =	vld.idx.msk [tilespmem:v57+s21+$0x0], $0xffff;
	[tilespmem:s11+$0xFFFFFED0] =	vst v16  }
0x269: {  	v5 =	vadd.s32 $0x1B58, v5;
	v63 =	vld.idx.msk [tilespmem:v58+s21+$0x0], $0xffff;
	[tilespmem:s11+$0xFFFFFF10] =	vst v12  }
0x26a: {  	v3 =	vadd.s32 $0x1B58, v3;
	v9 =	vld.idx.msk [tilespmem:v59+s21+$0x0], $0xffff;
	[tilespmem:s11+$0xFFFFFEF0] =	vst v18  }
0x26b: {  	v12 =	vld.idx.msk [tilespmem:v6+s21+$0x0], $0xffff;
	[tilespmem:s11+$0xFFFFFEE0] =	vst v8;
	v8 =	vadd.s32 $0x1B58, v4  }
0x26c: {  	v11 =	vld.idx.msk [tilespmem:v60+s21+$0x0], $0xffff;
	[tilespmem:s11+$0x0] =	vst v7;
	v7 =	vadd.s32 $0x1B58, v2  }
0x26d: {  	v1 =	vadd.s32 $0x1B58, v1;
	[tilespmem:s11+$0xFFFFFF20] =	vst v13;
	v10 =	vld.idx.msk [tilespmem:v61+s21+$0x0], $0xffff  }
0x26e: {  	v0 =	vadd.s32 $0x1B58, v0;
	[tilespmem:s11+$0xFFFFFF40] =	vst v63;
	v4 =	vld.idx.msk [tilespmem:v5+s21+$0x0], $0xffff  }
0x26f: {  	[tilespmem:s11+$0xFFFFFF30] =	vst v62;
	v2 =	vld.idx.msk [tilespmem:v3+s21+$0x0], $0xffff  }
0x270: {  	[tilespmem:s11+$0xFFFFFF50] =	vst v9;
	v5 =	vld.idx.msk [tilespmem:v8+s21+$0x0], $0xffff  }
0x271: {  	[tilespmem:s11+$0xFFFFFF60] =	vst v11;
	v6 =	vld.idx.msk [tilespmem:v7+s21+$0x0], $0xffff  }
0x272: {  	[tilespmem:s11+$0xFFFFFF70] =	vst v10;
	v3 =	vld.idx.msk [tilespmem:v1+s21+$0x0], $0xffff  }
0x273: {  	s12 =	simm.s32 $0x60;
	s15 =	simm.s32 $0x6F0;
	[tilespmem:s11+$0xFFFFFF90] =	vst v12;
	v1 =	vld.idx.msk [tilespmem:v0+s21+$0x0], $0xffff  }
.LBB2_10:
0x274: {  	v0 =	vld [tilespmem:s15+$0x0];
	s12 =	sadd.s32 $0x8, s12;
	[tilespmem:s11+$0xFFFFFFA0] =	vst v4  }
0x275: {  	v7 =	vld [tilespmem:s15+$0xFFFFFFA0];
	p0 =	slt.u32 s12, $0xC0;
	[tilespmem:s11+$0xFFFFFFB0] =	vst v5  }
0x276: {  	v5 =	vld [tilespmem:s15+$0xFFFFFFB0];
	[tilespmem:s11+$0xFFFFFFC0] =	vst v2  }
0x277: {  	v2 =	vld [tilespmem:s15+$0xFFFFFFC0];
	[tilespmem:s11+$0xFFFFFFD0] =	vst v6  }
0x278: {  	v6 =	vld [tilespmem:s15+$0xFFFFFFD0];
	[tilespmem:s11+$0xFFFFFFE0] =	vst v3  }
0x279: {  	v3 =	vld [tilespmem:s15+$0xFFFFFFE0];
	[tilespmem:s11+$0xFFFFFFF0] =	vst v1  }
0x27a: {  	v1 =	vadd.s32 $0x3E8, v7;
	v21 =	vadd.s32 $0x7D0, v7;
	v22 =	vadd.s32 $0xBB8, v7;
	v23 =	vld [tilespmem:s15+$0xFFFFFFF0]  }
0x27b: {  	v4 =	vld [tilespmem:s15+$0xFFFFFF90];
	v8 =	vadd.s32 $0x3E8, v5;
	v24 =	vadd.s32 $0x7D0, v5;
	v25 =	vadd.s32 $0xBB8, v5  }
0x27c: {  	v9 =	vadd.s32 $0x3E8, v2;
	v26 =	vadd.s32 $0x7D0, v2;
	v27 =	vadd.s32 $0xBB8, v2;
	v10 =	vld.idx.msk [tilespmem:v0+s21+$0x0], $0xffff  }
0x27d: {  	v11 =	vld.idx.msk [tilespmem:v7+s21+$0x0], $0xffff;
	v12 =	vadd.s32 $0x3E8, v6;
	v28 =	vadd.s32 $0x7D0, v6;
	v29 =	vadd.s32 $0xBB8, v6  }
0x27e: {  	v14 =	vadd.s32 $0x3E8, v0;
	v13 =	vld.idx.msk [tilespmem:v5+s21+$0x0], $0xffff;
	v30 =	vadd.s32 $0x3E8, v3;
	v31 =	vadd.s32 $0x7D0, v3  }
0x27f: {  	v32 =	vadd.s32 $0xBB8, v3;
	v16 =	vld.idx.msk [tilespmem:v2+s21+$0x0], $0xffff;
	v33 =	vadd.s32 $0x3E8, v23;
	v34 =	vadd.s32 $0x7D0, v23  }
0x280: {  	v35 =	vadd.s32 $0x3E8, v4;
	v36 =	vadd.s32 $0x7D0, v4;
	v37 =	vadd.s32 $0xBB8, v4;
	v20 =	vld.idx.msk [tilespmem:v6+s21+$0x0], $0xffff  }
0x281: {  	s11 =	sadd.s32 $0x400, s11;
	v39 =	vadd.s32 $0xFA0, v7;
	v41 =	vadd.s32 $0xBB8, v23;
	v38 =	vadd.s32 $0xFA0, v4;
	v40 =	vld.idx.msk [tilespmem:v3+s21+$0x0], $0xffff  }
0x282: {  	v42 =	vadd.s32 $0xFA0, v5;
	v43 =	vadd.s32 $0xFA0, v2;
	v44 =	vadd.s32 $0xFA0, v6;
	v45 =	vld.idx.msk [tilespmem:v23+s21+$0x0], $0xffff;
	[tilespmem:s11+$0xFFFFFC80] =	vst v10  }
0x283: {  	v46 =	vadd.s32 $0xFA0, v3;
	v47 =	vadd.s32 $0xFA0, v23;
	v15 =	vadd.s32 $0x1388, v4;
	[tilespmem:s11+$0xFFFFFC20] =	vst v11;
	v48 =	vld.idx.msk [tilespmem:v14+s21+$0x0], $0xffff  }
0x284: {  	v50 =	vadd.s32 $0x1388, v7;
	v19 =	vadd.s32 $0x1388, v5;
	v17 =	vadd.s32 $0x1388, v2;
	v49 =	vld.idx.msk [tilespmem:v4+s21+$0x0], $0xffff;
	[tilespmem:s11+$0xFFFFFC30] =	vst v13  }
0x285: {  	v52 =	vadd.s32 $0x7D0, v0;
	v18 =	vadd.s32 $0x1388, v6;
	v51 =	vld.idx.msk [tilespmem:v1+s21+$0x0], $0xffff;
	[tilespmem:s11+$0xFFFFFC40] =	vst v16;
	v16 =	vadd.s32 $0x1388, v3  }
0x286: {  	v10 =	vadd.s32 $0x1770, v7;
	v13 =	vadd.s32 $0x1770, v4;
	v53 =	vld.idx.msk [tilespmem:v8+s21+$0x0], $0xffff;
	[tilespmem:s11+$0xFFFFFC50] =	vst v20;
	v20 =	vadd.s32 $0x1388, v23  }
0x287: {  	v14 =	vadd.s32 $0x1770, v5;
	v11 =	vadd.s32 $0x1770, v2;
	v8 =	vadd.s32 $0x1770, v6;
	v54 =	vld.idx.msk [tilespmem:v9+s21+$0x0], $0xffff;
	[tilespmem:s11+$0xFFFFFC60] =	vst v40  }
0x288: {  	v4 =	vadd.s32 $0x1B58, v4;
	v9 =	vadd.s32 $0x1770, v23;
	v40 =	vld.idx.msk [tilespmem:v12+s21+$0x0], $0xffff;
	v12 =	vadd.s32 $0x1770, v3;
	[tilespmem:s11+$0xFFFFFC70] =	vst v45  }
0x289: {  	v7 =	vadd.s32 $0x1B58, v7;
	v5 =	vadd.s32 $0x1B58, v5;
	v2 =	vadd.s32 $0x1B58, v2;
	v30 =	vld.idx.msk [tilespmem:v30+s21+$0x0], $0xffff;
	[tilespmem:s11+$0xFFFFFD00] =	vst v48  }
0x28a: {  	v1 =	vadd.s32 $0x1B58, v23;
	v6 =	vadd.s32 $0x1B58, v6;
	v3 =	vadd.s32 $0x1B58, v3;
	[tilespmem:s11+$0xFFFFFC10] =	vst v49;
	v23 =	vld.idx.msk [tilespmem:v52+s21+$0x0], $0xffff  }
0x28b: {  	v35 =	vld.idx.msk [tilespmem:v35+s21+$0x0], $0xffff;
	[tilespmem:s11+$0xFFFFFCA0] =	vst v51  }
0x28c: {  	v45 =	vadd.s32 $0xBB8, v0;
	[tilespmem:s11+$0xFFFFFCB0] =	vst v53;
	v33 =	vld.idx.msk [tilespmem:v33+s21+$0x0], $0xffff  }
0x28d: {  	v21 =	vld.idx.msk [tilespmem:v21+s21+$0x0], $0xffff;
	[tilespmem:s11+$0xFFFFFCC0] =	vst v54  }
0x28e: {  	v24 =	vld.idx.msk [tilespmem:v24+s21+$0x0], $0xffff;
	[tilespmem:s11+$0xFFFFFCD0] =	vst v40  }
0x28f: {  	v26 =	vld.idx.msk [tilespmem:v26+s21+$0x0], $0xffff;
	[tilespmem:s11+$0xFFFFFCE0] =	vst v30  }
0x290: {  	v28 =	vld.idx.msk [tilespmem:v28+s21+$0x0], $0xffff;
	[tilespmem:s11+$0xFFFFFD80] =	vst v23  }
0x291: {  	[tilespmem:s11+$0xFFFFFC90] =	vst v35;
	v23 =	vld.idx.msk [tilespmem:v45+s21+$0x0], $0xffff  }
0x292: {  	v30 =	vld.idx.msk [tilespmem:v36+s21+$0x0], $0xffff;
	[tilespmem:s11+$0xFFFFFCF0] =	vst v33  }
0x293: {  	[tilespmem:s11+$0xFFFFFD20] =	vst v21;
	v21 =	vld.idx.msk [tilespmem:v31+s21+$0x0], $0xffff;
	v31 =	vadd.s32 $0xFA0, v0  }
0x294: {  	[tilespmem:s11+$0xFFFFFD30] =	vst v24;
	v24 =	vld.idx.msk [tilespmem:v34+s21+$0x0], $0xffff  }
0x295: {  	v22 =	vld.idx.msk [tilespmem:v22+s21+$0x0], $0xffff;
	[tilespmem:s11+$0xFFFFFD40] =	vst v26  }
0x296: {  	v25 =	vld.idx.msk [tilespmem:v25+s21+$0x0], $0xffff;
	[tilespmem:s11+$0xFFFFFD50] =	vst v28  }
0x297: {  	v26 =	vld.idx.msk [tilespmem:v27+s21+$0x0], $0xffff;
	[tilespmem:s11+$0xFFFFFE00] =	vst v23  }
0x298: {  	[tilespmem:s11+$0xFFFFFD10] =	vst v30;
	v23 =	vld.idx.msk [tilespmem:v31+s21+$0x0], $0xffff  }
0x299: {  	v27 =	vld.idx.msk [tilespmem:v37+s21+$0x0], $0xffff;
	[tilespmem:s11+$0xFFFFFD60] =	vst v21  }
0x29a: {  	v21 =	vld.idx.msk [tilespmem:v29+s21+$0x0], $0xffff;
	[tilespmem:s11+$0xFFFFFD70] =	vst v24;
	v24 =	vadd.s32 $0x1388, v0  }
0x29b: {  	[tilespmem:s11+$0xFFFFFDA0] =	vst v22;
	v22 =	vld.idx.msk [tilespmem:v32+s21+$0x0], $0xffff  }
0x29c: {  	[tilespmem:s11+$0xFFFFFDB0] =	vst v25;
	v25 =	vld.idx.msk [tilespmem:v41+s21+$0x0], $0xffff  }
0x29d: {  	v28 =	vld.idx.msk [tilespmem:v39+s21+$0x0], $0xffff;
	[tilespmem:s11+$0xFFFFFDC0] =	vst v26  }
0x29e: {  	v26 =	vld.idx.msk [tilespmem:v42+s21+$0x0], $0xffff;
	[tilespmem:s11+$0xFFFFFE80] =	vst v23  }
0x29f: {  	[tilespmem:s11+$0xFFFFFD90] =	vst v27;
	v23 =	vld.idx.msk [tilespmem:v24+s21+$0x0], $0xffff  }
0x2a0: {  	v24 =	vld.idx.msk [tilespmem:v38+s21+$0x0], $0xffff;
	[tilespmem:s11+$0xFFFFFDD0] =	vst v21  }
0x2a1: {  	v21 =	vld.idx.msk [tilespmem:v43+s21+$0x0], $0xffff;
	[tilespmem:s11+$0xFFFFFDE0] =	vst v22;
	v22 =	vadd.s32 $0x1770, v0  }
0x2a2: {  	v27 =	vld.idx.msk [tilespmem:v44+s21+$0x0], $0xffff;
	[tilespmem:s11+$0xFFFFFDF0] =	vst v25  }
0x2a3: {  	[tilespmem:s11+$0xFFFFFE20] =	vst v28;
	v25 =	vld.idx.msk [tilespmem:v46+s21+$0x0], $0xffff  }
0x2a4: {  	[tilespmem:s11+$0xFFFFFE30] =	vst v26;
	v26 =	vld.idx.msk [tilespmem:v47+s21+$0x0], $0xffff  }
0x2a5: {  	v28 =	vld.idx.msk [tilespmem:v50+s21+$0x0], $0xffff;
	[tilespmem:s11+$0xFFFFFF00] =	vst v23  }
0x2a6: {  	[tilespmem:s11+$0xFFFFFE10] =	vst v24;
	v22 =	vld.idx.msk [tilespmem:v22+s21+$0x0], $0xffff  }
0x2a7: {  	v15 =	vld.idx.msk [tilespmem:v15+s21+$0x0], $0xffff;
	[tilespmem:s11+$0xFFFFFE40] =	vst v21  }
0x2a8: {  	v0 =	vadd.s32 $0x1B58, v0;
	v19 =	vld.idx.msk [tilespmem:v19+s21+$0x0], $0xffff;
	[tilespmem:s11+$0xFFFFFE50] =	vst v27  }
0x2a9: {  	v17 =	vld.idx.msk [tilespmem:v17+s21+$0x0], $0xffff;
	[tilespmem:s11+$0xFFFFFE60] =	vst v25  }
0x2aa: {  	v18 =	vld.idx.msk [tilespmem:v18+s21+$0x0], $0xffff;
	[tilespmem:s11+$0xFFFFFE70] =	vst v26  }
0x2ab: {  	[tilespmem:s11+$0xFFFFFEA0] =	vst v28;
	v16 =	vld.idx.msk [tilespmem:v16+s21+$0x0], $0xffff  }
0x2ac: {  	v20 =	vld.idx.msk [tilespmem:v20+s21+$0x0], $0xffff;
	[tilespmem:s11+$0xFFFFFF80] =	vst v22  }
0x2ad: {  	[tilespmem:s11+$0xFFFFFE90] =	vst v15;
	v0 =	vld.idx.msk [tilespmem:v0+s21+$0x0], $0xffff  }
0x2ae: {  	v13 =	vld.idx.msk [tilespmem:v13+s21+$0x0], $0xffff;
	[tilespmem:s11+$0xFFFFFEB0] =	vst v19  }
0x2af: {  	v10 =	vld.idx.msk [tilespmem:v10+s21+$0x0], $0xffff;
	[tilespmem:s11+$0xFFFFFEC0] =	vst v17  }
0x2b0: {  	v14 =	vld.idx.msk [tilespmem:v14+s21+$0x0], $0xffff;
	[tilespmem:s11+$0xFFFFFED0] =	vst v18  }
0x2b1: {  	v11 =	vld.idx.msk [tilespmem:v11+s21+$0x0], $0xffff;
	[tilespmem:s11+$0xFFFFFEE0] =	vst v16  }
0x2b2: {  	v8 =	vld.idx.msk [tilespmem:v8+s21+$0x0], $0xffff;
	[tilespmem:s11+$0xFFFFFEF0] =	vst v20  }
0x2b3: {  	v12 =	vld.idx.msk [tilespmem:v12+s21+$0x0], $0xffff;
	[tilespmem:s11+$0x0] =	vst v0  }
0x2b4: {  	[tilespmem:s11+$0xFFFFFF10] =	vst v13;
	v0 =	vld.idx.msk [tilespmem:v9+s21+$0x0], $0xffff  }
0x2b5: {  	v9 =	vld.idx.msk [tilespmem:v4+s21+$0x0], $0xffff;
	[tilespmem:s11+$0xFFFFFF20] =	vst v10  }
0x2b6: {  	v4 =	vld.idx.msk [tilespmem:v7+s21+$0x0], $0xffff;
	[tilespmem:s11+$0xFFFFFF30] =	vst v14  }
.Ltmp9:
0x2b7: {  	v5 =	vld.idx.msk [tilespmem:v5+s21+$0x0], $0xffff;
	[tilespmem:s11+$0xFFFFFF40] =	vst v11;
	(pc) =	sbr.rel @p0 .LBB2_10-.Ltmp9, $4  }
0x2b8: {  	v2 =	vld.idx.msk [tilespmem:v2+s21+$0x0], $0xffff;
	[tilespmem:s11+$0xFFFFFF50] =	vst v8  }
0x2b9: {  	v6 =	vld.idx.msk [tilespmem:v6+s21+$0x0], $0xffff;
	[tilespmem:s11+$0xFFFFFF60] =	vst v12  }
0x2ba: {  	v3 =	vld.idx.msk [tilespmem:v3+s21+$0x0], $0xffff;
	[tilespmem:s11+$0xFFFFFF70] =	vst v0  }
0x2bb: {  	s15 =	sadd.s32 $0x80, s15;
	[tilespmem:s11+$0xFFFFFF90] =	vst v9;
	v1 =	vld.idx.msk [tilespmem:v1+s21+$0x0], $0xffff  }
.Ltmp10:
0x2bc: {  	_ = 	snop;
	(pc) =	sbr.rel .LBB2_11-.Ltmp10, $1  }
0x2bd: {  	_ =	sdelay $0x3  }
.LBB2_18:
0x2be: {  	_ =	swait.ge [sflag:s26], $0x40  }
0x2bf: {  	[sflag:s26] =	ssyncset.done $0x0  }
0x2c0: {  	[sflag:s26] =	ssyncadd.s32 $0xFFFFFFC0  }
0x2c1: {  	_ =	swait.ge [sflag:s26], $0x40  }
0x2c2: {  	s9 =	simm.s32 $0x18;
	[sflag:s26] =	ssyncset.done $0x0  }
.LBB2_19:
0x2c3: {  	p0 =	sne.s32 s9, $0x1;
	s9 =	sadd.s32 $0xFFFFFFFF, s9;
	[sflag:s26] =	ssyncadd.s32 $0xFFFFFFC0  }
.Ltmp11:
0x2c4: {  	_ =	swait.ge [sflag:s26], $0x40;
	(pc) =	sbr.rel @p0 .LBB2_19-.Ltmp11, $4  }
0x2c5: {  	[sflag:s26] =	ssyncset.done $0x0  }
0x2c6: {  	[sflag:s26] =	ssyncadd.s32 $0xFFFFFFC0  }
0x2c7: {  	_ =	swait.ge [sflag:s26], $0x40  }
0x2c8: {  	[sflag:s26] =	ssyncset.done $0x0  }
0x2c9: {  	[sflag:s26] =	ssyncadd.s32 $0xFFFFFFC0;
	s10 =	simm.s32 $0x0  }
0x2ca: {  	v1 =	vld [tilespmem:s10+$0x2680]  }
0x2cb: {  	v0 =	vimm.f32 $0.0e+00;
	s9 =	simm.s32 $0x40;
	v2 =	vld [tilespmem:s10+$0x2000]  }
.LBB2_21:
0x2cc: {  	_ = 	snop  }
0x2cd: {  	p0 =	sne.s32 s9, $0x18C0  }
.Ltmp12:
0x2ce: {  	_ = 	snop;
	(pc) =	sbr.rel @p0 .LBB2_21-.Ltmp12, $4  }
0x2cf: {  	_ = 	snop  }
0x2d0: {  	s10 =	sshra.s32 s9, $0x2;
	v3 =	vsub.f32 v1, v2  }
0x2d1: {  	v1 =	vld [tilespmem:s10+$0x2680]  }
0x2d2: {  	s9 =	sadd.s32 $0x40, s9;
	v2 =	vld [tilespmem:s10+$0x2000];
	v0 =	vadd.f32 v3, v0  }
0x2d3: {  	_ =	sdelay $0x3  }
0x2d4: {  	v1 =	vsub.f32 v1, v2;
	_ =	sdelay $0x1  }
0x2d5: {  	v0 =	vadd.f32 v1, v0;
	_ =	sdelay $0x1  }
0x2d6: {  	s9 =	rddreg [dreg:$0x7];
	s10 =	simm.s32 $0x13400;
	[tilespmem:$0x13400] =	vst v0  }
0x2d7: {  	[hbm4b:s9+s4] =	stream.linear.scatter [tilespmem:s10], [sflag:$0x8], $0x10, $0x38;
	[tilespmem:$0x13480] =	vst v63  }
0x2d8: {  	_ =	swait.ge [sflag:s17], $0x10  }
0x2d9: {  	[sflag:s17] =	ssyncset.done $0x0  }
0x2da: {  	[sflag:s17] =	ssyncadd.s32 $0xFFFFFFF0  }
0x2db: {  	_ =	swait.ge [sflag:s29], $0x3000  }
0x2dc: {  	[sflag:s29] =	ssyncset.done $0x0  }
0x2dd: {  	[sflag:s29] =	ssyncadd.s32 $0xFFFFD000  }
0x2de: {  	_ =	swait.ge [sflag:s30], $0x3400  }
0x2df: {  	[sflag:s30] =	ssyncset.done $0x0  }
0x2e0: {  	s28 =	sadd.s32 $0x1, s28;
	[sflag:s30] =	ssyncadd.s32 $0xFFFFCC00  }
0x2e1: {  	p0 =	sne.s32 s28, s16;
	_ =	swait.ge [sflag:s31], $0x3000  }
.Ltmp13:
0x2e2: {  	[sflag:s31] =	ssyncset.done $0x0;
	(pc) =	sbr.rel @p0 .LBB2_1-.Ltmp13, $4  }
0x2e3: {  	[sflag:s31] =	ssyncadd.s32 $0xFFFFD000  }
0x2e4: {  	_ =	swait.ge [sflag:s1], $0x3400  }
0x2e5: {  	[sflag:s1] =	ssyncset.done $0x0  }
0x2e6: {  	[sflag:s1] =	ssyncadd.s32 $0xFFFFCC00  }
0x2e7: {  	_ =	sfence.sel $0x180000  }
0x2e8: {  	[bflag:$0x0] =	sbarrier.arrive $0xFFFF  }
0x2e9: {  	_ =	strace $0x90000047  }
0x2ea: {  	s0 =	stileid.u32;
	[bflag:$0x2] =	sbarrier.arrive $0xFFFF  }
0x2eb: {  	p0 =	sne.s32 s0, $0x0;
	s0 =	rddreg [dreg:$0x2]  }
0x2ec: {  	s0 =	sadd.s32 @!p0 $0x100000, s0  }
0x2ed: {  	[sflag:s0] =	ssyncadd.tile.s32 @!p0 $0x1;
	_ =	shalt  }
.Lfunc_end2:
_tile_overlayer_lowered:
.L_overlay_start_2:
0x2ee: {  	(tag) =	ssettag $0x2  }
0x2ef: {  	s0 =	rddreg [dreg:$0x0];
	s2 =	stileid.u32  }
0x2f0: {  	s1 =	rddreg [dreg:$0x1];
	p0 =	sne.s32 s2, $0x0  }
0x2f1: {  	s3 =	rddreg [dreg:$0x2];
	[bflag:$0x3] =	sbarrier.arrive $0xFFFF;
	s2 =	simm.s32 @!p0 $0x1C08  }
0x2f2: {  	[timem:s3], [sflag:s2] =	dma.local @!p0 [hbm:s0], s1  }
0x2f3: {  	s0 =	simm.s32 @!p0 $0x8  }
0x2f4: {  	_ =	swait.ge @!p0 [sflag:s0], s1  }
0x2f5: {  	s1 =	ssub.s32 @!p0 $0x0, s1;
	[sflag:s0] =	ssyncset.done @!p0 $0x0  }
0x2f6: {  	[sflag:s0] =	ssyncadd.s32 @!p0 s1  }
0x2f7: {  	[bflag:$0x3] =	sbarrier.arrive $0xFFFF  }
0x2f8: {  	_ =	shalt  }

</sc_bundles>
